<compile_context>
chip_gen: v7x
topology: tpu7x:2x2x1
jax: 0.10.2.dev20260603
libtpu: 0.0.44.dev20260713+nightly
codegen_flags: <defaults>
</compile_context>

<pallas_src>
import functools
import math

import jax
import jax.numpy as jnp
from jax import lax
from jax.experimental import pallas as pl
from jax.experimental.pallas import tpu as pltpu
from jax.experimental.pallas import tpu_sc as plsc

_NC = 2
_NS = 16
_NW = _NC * _NS

_CH = 80
_G = 5


def _sc_gather(table, idx):
    N = table.shape[0]
    B = idx.shape[0]
    D = table.shape[1]
    b_per_w = B // _NW
    n_ch = b_per_w // _CH
    n_pair = n_ch // 2
    n_stage = N // _NS
    idx3d = idx.reshape(_NW, n_ch, _CH)

    mesh = plsc.VectorSubcoreMesh(core_axis_name="c", subcore_axis_name="s")

    @functools.partial(
        pl.kernel,
        out_type=jax.ShapeDtypeStruct((B, D), table.dtype),
        mesh=mesh,
        scratch_types=[
            pltpu.VMEM_SHARED((N, D), table.dtype),
            pltpu.VMEM((n_ch, _CH), jnp.int32),
            pltpu.VMEM((_CH, D), table.dtype),
            pltpu.VMEM((_CH, D), table.dtype),
            pltpu.SemaphoreType.DMA,
            pltpu.SemaphoreType.DMA,
            pltpu.SemaphoreType.DMA,
            pltpu.SemaphoreType.DMA,
        ],
    )
    def k(table_hbm, idx_hbm, out_hbm, tbl_sh, idx_v, buf_a, buf_b,
          gsem_a, gsem_b, ssem_a, ssem_b):
        cid = lax.axis_index("c")
        sid = lax.axis_index("s")
        wid = sid * _NC + cid
        base = wid * b_per_w
        pltpu.sync_copy(
            table_hbm.at[pl.ds(sid * n_stage, n_stage)],
            tbl_sh.at[pl.ds(sid * n_stage, n_stage)],
        )
        pltpu.sync_copy(idx_hbm.at[wid], idx_v)
        plsc.subcore_barrier()

        def fire(ch, buf, gsem):
            pltpu.async_copy(tbl_sh.at[idx_v.at[ch]], buf, gsem)

        def drain(buf, gsem):
            pltpu.make_async_copy(
                tbl_sh.at[idx_v.at[0]], buf, gsem
            ).wait()

        def store(ch, buf, ssem):
            pltpu.async_copy(
                buf, out_hbm.at[pl.ds(base + ch * _CH, _CH)], ssem
            )

        def wait_store(buf, ssem):
            pltpu.make_async_copy(
                buf, out_hbm.at[pl.ds(base, _CH)], ssem
            ).wait()

        def pair(p, first):
            ch = 2 * p
            if not first:
                wait_store(buf_a, ssem_a)
            fire(ch, buf_a, gsem_a)
            if not first:
                wait_store(buf_b, ssem_b)
            fire(ch + 1, buf_b, gsem_b)
            drain(buf_a, gsem_a)
            store(ch, buf_a, ssem_a)
            drain(buf_b, gsem_b)
            store(ch + 1, buf_b, ssem_b)

        pair(0, True)
        lax.fori_loop(1, n_pair, lambda p, c: (pair(p, False), c)[1], 0)
        wait_store(buf_a, ssem_a)
        wait_store(buf_b, ssem_b)

    return k(table, idx3d)


def _mlp_body(prev_ref, ni_ref, nj_ref, eft_ref, w1_ref, b1_ref, w2_ref,
              b2_ref, out_ref):
    del prev_ref
    ef = eft_ref[...].T
    x = jnp.concatenate(
        [ni_ref[...], nj_ref[...], ef], axis=1
    ).astype(jnp.bfloat16)
    h = lax.dot_general(
        x, w1_ref[...], (((1,), (1,)), ((), ())),
        preferred_element_type=jnp.float32,
    ) + b1_ref[...]
    h = 0.5 * h * (1.0 + lax.erf(h * (1.0 / math.sqrt(2.0))))
    out_ref[...] = lax.dot_general(
        w2_ref[...], h.astype(jnp.bfloat16), (((1,), (1,)), ((), ())),
        preferred_element_type=jnp.float32,
    ) + b2_ref[...]


def _tc_mlp_chunk(prev, gathered, ef_t, W1, b1, W2, b2, blk0, n_cblk, e_blk):
    node_dim = gathered.shape[1]
    edge_dim = ef_t.shape[0]
    in_dim = W1.shape[1]
    out_dim = W2.shape[0]
    n_edges = ef_t.shape[1]
    first = prev is None
    if first:
        prev = ef_t
    return pl.pallas_call(
        _mlp_body,
        grid=(n_cblk,),
        in_specs=[
            pl.BlockSpec(memory_space=pl.ANY),
            pl.BlockSpec((e_blk, node_dim), lambda e: (e, 0)),
            pl.BlockSpec((e_blk, node_dim), lambda e: (e + n_cblk, 0)),
            pl.BlockSpec((edge_dim, e_blk), lambda e: (0, e + blk0)),
            pl.BlockSpec((in_dim, in_dim), lambda e: (0, 0)),
            pl.BlockSpec((1, in_dim), lambda e: (0, 0)),
            pl.BlockSpec((out_dim, in_dim), lambda e: (0, 0)),
            pl.BlockSpec((out_dim, 1), lambda e: (0, 0)),
        ],
        out_specs=pl.BlockSpec((out_dim, e_blk), lambda e: (0, e + blk0)),
        out_shape=jax.ShapeDtypeStruct((out_dim, n_edges), jnp.float32),
        input_output_aliases={} if first else {0: 0},
    )(prev, gathered, gathered, ef_t, W1, b1, W2, b2)


_E_BLK = 2560
_CHUNKS = (12800, 38400, 76800, 94720, 97280)


def kernel(node_feats, edge_feats, edge_index, W1, b1, W2, b2):
    n_edges = edge_feats.shape[0]
    idx = edge_index.astype(jnp.int32)
    n_pad = (-node_feats.shape[0]) % (8 * _NS)
    node_padded = jnp.pad(node_feats, ((0, n_pad), (0, 0)))
    ef_t = edge_feats.T
    w1b = W1.astype(jnp.bfloat16)
    w2b = W2.astype(jnp.bfloat16)
    b1r = b1[None, :]
    b2r = b2[:, None]
    starts = [sum(_CHUNKS[:c]) for c in range(len(_CHUNKS))]
    gathered = [
        _sc_gather(
            node_padded,
            jnp.concatenate(
                [idx[0, s:s + ec], idx[1, s:s + ec]]
            ),
        )
        for s, ec in zip(starts, _CHUNKS)
    ]
    out_t = None
    for c, (s, ec) in enumerate(zip(starts, _CHUNKS)):
        out_t = _tc_mlp_chunk(
            out_t, gathered[c], ef_t, w1b, b1r, w2b, b2r,
            s // _E_BLK, ec // _E_BLK, _E_BLK,
        )
    return out_t.T

# --- scband reference (transcript-rebuilt; emitter-appended) ---
"""Pipeline reference for scband-sparse-edge-update-layer-39049842655305 (READ-ONLY COPY).

The authoritative reference and input builder live on the scoring server;
editing this copy changes nothing except your own understanding.
"""

import jax, jax.numpy as jnp
import numpy as np

N_NODES = 10000
N_EDGES = 320000
NODE_DIM = 128
EDGE_DIM = 64
INPUT_DIM = NODE_DIM * 2 + EDGE_DIM  # 320


def setup_inputs(seed: int = 0) -> dict:
    key = jax.random.key(seed)
    k1, k2, k3, k4, k5, k6, k7 = jax.random.split(key, 7)
    node_feats = jax.random.normal(k1, (N_NODES, NODE_DIM), dtype=jnp.float32)
    edge_feats = jax.random.normal(k2, (N_EDGES, EDGE_DIM), dtype=jnp.float32)
    edge_index = jax.random.randint(k3, (2, N_EDGES), 0, N_NODES, dtype=jnp.int64 if jax.config.jax_enable_x64 else jnp.int32)
    s1 = 1.0 / np.sqrt(INPUT_DIM)
    W1 = jax.random.uniform(k4, (INPUT_DIM, INPUT_DIM), dtype=jnp.float32, minval=-s1, maxval=s1)
    b1 = jax.random.uniform(k5, (INPUT_DIM,), dtype=jnp.float32, minval=-s1, maxval=s1)
    W2 = jax.random.uniform(k6, (EDGE_DIM, INPUT_DIM), dtype=jnp.float32, minval=-s1, maxval=s1)
    b2 = jax.random.uniform(k7, (EDGE_DIM,), dtype=jnp.float32, minval=-s1, maxval=s1)
    return {"node_feats": node_feats, "edge_feats": edge_feats, "edge_index": edge_index,
            "W1": W1, "b1": b1, "W2": W2, "b2": b2}


def reference(node_feats, edge_feats, edge_index, W1, b1, W2, b2):
    # gather endpoint node features (SparseCore gather)
    node_i = jnp.take(node_feats, edge_index[0], axis=0)
    node_j = jnp.take(node_feats, edge_index[1], axis=0)
    x = jnp.concatenate([node_i, node_j, edge_feats], axis=-1)
    # Linear -> GELU (exact, matching torch default) -> Linear; dropout=0 is identity
    h = x @ W1.T + b1
    h = jax.nn.gelu(h, approximate=False)
    out = h @ W2.T + b2
    return out

if __name__ == "__main__":
    import jax
    _d = setup_inputs()
    print(jax.jit(kernel)(*tuple(_d.values())))

</pallas_src>

<mosaic_0001>
#map = affine_map<(d0, d1) -> (0, 0)>
#map1 = affine_map<(d0, d1) -> (0, 0, 0)>
module attributes {stable_mosaic.version = 14 : i64} {
  func.func @k(%arg0: i32, %arg1: i32, %arg2: memref<10112x128xf32, #tpu.memory_space<hbm>>, %arg3: memref<32x30x80xi32, #tpu.memory_space<hbm>>, %arg4: memref<76800x128xf32, #tpu.memory_space<hbm>>, %arg5: memref<10112x128xf32, #tpu.memory_space<vmem_shared>>, %arg6: memref<30x80xi32, #tpu.memory_space<vmem>>, %arg7: memref<80x128xf32, #tpu.memory_space<vmem>>, %arg8: memref<80x128xf32, #tpu.memory_space<vmem>>, %arg9: memref<!tpu.dma_semaphore, #tpu.memory_space<semaphore_mem>>, %arg10: memref<!tpu.dma_semaphore, #tpu.memory_space<semaphore_mem>>, %arg11: memref<!tpu.dma_semaphore, #tpu.memory_space<semaphore_mem>>, %arg12: memref<!tpu.dma_semaphore, #tpu.memory_space<semaphore_mem>>) attributes {dimension_semantics = [#tpu.dimension_semantics<core_parallel>, #tpu.dimension_semantics<subcore_parallel>], iteration_bounds = array<i64: 2, 16>, scalar_prefetch = 0 : i64, scratch_operands = 8 : i64, tpu.core_type = #tpu.core_type<sc_vector_subcore>, window_params = [{transform_indices = #map}, {transform_indices = #map1}, {transform_indices = #map}]} {
    %mul3A = arith.constant 2 : i32
    %mul3A_0 = arith.muli %arg1, %mul3A : i32
    %add3A = arith.addi %mul3A_0, %arg0 : i32
    %mul3A_1 = arith.constant 2400 : i32
    %mul3A_2 = arith.muli %add3A, %mul3A_1 : i32
    %mul3A_3 = arith.constant 632 : i32
    %mul3A_4 = arith.muli %arg1, %mul3A_3 : i32
    %mul3A_5 = arith.constant 632 : i32
    %mul3A_6 = arith.muli %arg1, %mul3A_5 : i32
    "tpu.region"() ({
      %run_scoped3A = tpu.sem_alloc : memref<!tpu.dma_semaphore, #tpu.memory_space<semaphore_mem>>
      %dma_start3A_58 = arith.constant 0 : i32
      %dma_start3A_59 = tpu.memref_slice %arg5[%mul3A_6, %dma_start3A_58] : memref<10112x128xf32, #tpu.memory_space<vmem_shared>> -> memref<632x128xf32, #tpu.memory_space<vmem_shared>>
      %dma_start3A_60 = arith.constant 0 : i32
      %dma_start3A_61 = tpu.memref_slice %arg2[%mul3A_4, %dma_start3A_60] : memref<10112x128xf32, #tpu.memory_space<hbm>> -> memref<632x128xf32, #tpu.memory_space<hbm>>
      tpu.enqueue_dma source(%dma_start3A_61 : memref<632x128xf32, #tpu.memory_space<hbm>>) target(%dma_start3A_59 : memref<632x128xf32, #tpu.memory_space<vmem_shared>>) target_semaphore(%run_scoped3A : memref<!tpu.dma_semaphore, #tpu.memory_space<semaphore_mem>>)
      %dma_wait3A_62 = arith.constant 0 : i32
      %dma_wait3A_63 = tpu.memref_slice %arg5[%mul3A_6, %dma_wait3A_62] : memref<10112x128xf32, #tpu.memory_space<vmem_shared>> -> memref<632x128xf32, #tpu.memory_space<vmem_shared>>
      %dma_wait3A_64 = arith.constant 0 : i32
      %dma_wait3A_65 = tpu.memref_slice %arg2[%mul3A_4, %dma_wait3A_64] : memref<10112x128xf32, #tpu.memory_space<hbm>> -> memref<632x128xf32, #tpu.memory_space<hbm>>
      tpu.wait_dma2 semaphore(%run_scoped3A : memref<!tpu.dma_semaphore, #tpu.memory_space<semaphore_mem>>) src(%dma_wait3A_65 : memref<632x128xf32, #tpu.memory_space<hbm>>) dst(%dma_wait3A_63 : memref<632x128xf32, #tpu.memory_space<vmem_shared>>)
      tpu.yield
    }) : () -> ()
    "tpu.region"() ({
      %run_scoped3A = tpu.sem_alloc : memref<!tpu.dma_semaphore, #tpu.memory_space<semaphore_mem>>
      %dma_start3A_58 = arith.constant 0 : i32
      %dma_start3A_59 = arith.constant 0 : i32
      %dma_start3A_60 = tpu.memref_slice %arg3[%add3A, %dma_start3A_58, %dma_start3A_59] : memref<32x30x80xi32, #tpu.memory_space<hbm>> -> memref<1x30x80xi32, #tpu.memory_space<hbm>>
      %dma_start3A_61 = tpu.memref_squeeze %dma_start3A_60 : memref<1x30x80xi32, #tpu.memory_space<hbm>> -> memref<30x80xi32, #tpu.memory_space<hbm>>
      %dma_start3A_62 = arith.constant 0 : i32
      %dma_start3A_63 = arith.constant 0 : i32
      %dma_start3A_64 = tpu.memref_slice %arg3[%add3A, %dma_start3A_62, %dma_start3A_63] : memref<32x30x80xi32, #tpu.memory_space<hbm>> -> memref<1x30x80xi32, #tpu.memory_space<hbm>>
      %dma_start3A_65 = tpu.memref_squeeze %dma_start3A_64 : memref<1x30x80xi32, #tpu.memory_space<hbm>> -> memref<30x80xi32, #tpu.memory_space<hbm>>
      tpu.enqueue_dma source(%dma_start3A_65 : memref<30x80xi32, #tpu.memory_space<hbm>>) target(%arg6 : memref<30x80xi32, #tpu.memory_space<vmem>>) target_semaphore(%run_scoped3A : memref<!tpu.dma_semaphore, #tpu.memory_space<semaphore_mem>>)
      %dma_wait3A_66 = arith.constant 0 : i32
      %dma_wait3A_67 = arith.constant 0 : i32
      %dma_wait3A_68 = tpu.memref_slice %arg3[%add3A, %dma_wait3A_66, %dma_wait3A_67] : memref<32x30x80xi32, #tpu.memory_space<hbm>> -> memref<1x30x80xi32, #tpu.memory_space<hbm>>
      %dma_wait3A_69 = tpu.memref_squeeze %dma_wait3A_68 : memref<1x30x80xi32, #tpu.memory_space<hbm>> -> memref<30x80xi32, #tpu.memory_space<hbm>>
      %dma_wait3A_70 = arith.constant 0 : i32
      %dma_wait3A_71 = arith.constant 0 : i32
      %dma_wait3A_72 = tpu.memref_slice %arg3[%add3A, %dma_wait3A_70, %dma_wait3A_71] : memref<32x30x80xi32, #tpu.memory_space<hbm>> -> memref<1x30x80xi32, #tpu.memory_space<hbm>>
      %dma_wait3A_73 = tpu.memref_squeeze %dma_wait3A_72 : memref<1x30x80xi32, #tpu.memory_space<hbm>> -> memref<30x80xi32, #tpu.memory_space<hbm>>
      tpu.wait_dma2 semaphore(%run_scoped3A : memref<!tpu.dma_semaphore, #tpu.memory_space<semaphore_mem>>) src(%dma_wait3A_73 : memref<30x80xi32, #tpu.memory_space<hbm>>) dst(%arg6 : memref<30x80xi32, #tpu.memory_space<vmem>>)
      tpu.yield
    }) : () -> ()
    %barrier3A = arith.constant 0 : index
    tpu.barrier barrier_id(%barrier3A)
    %dma_start3A = arith.constant 0 : i32
    %dma_start3A_7 = arith.constant 0 : i32
    %dma_start3A_8 = tpu.memref_slice %arg6[%dma_start3A, %dma_start3A_7] : memref<30x80xi32, #tpu.memory_space<vmem>> -> memref<1x80xi32, #tpu.memory_space<vmem>>
    %dma_start3A_9 = tpu.memref_squeeze %dma_start3A_8 : memref<1x80xi32, #tpu.memory_space<vmem>> -> memref<80xi32, #tpu.memory_space<vmem>>
    %dma_start3A_10 = arith.constant 0 : i32
    %dma_start3A_11 = arith.constant 0 : i32
    %dma_start3A_12 = tpu.memref_slice %arg5[%dma_start3A_10, %dma_start3A_11] : memref<10112x128xf32, #tpu.memory_space<vmem_shared>> -> memref<10112x128xf32, #tpu.memory_space<vmem_shared>>
    tpu.enqueue_indirect_dma source(%dma_start3A_12 : memref<10112x128xf32, #tpu.memory_space<vmem_shared>>) target(%arg7 : memref<80x128xf32, #tpu.memory_space<vmem>>) offsets(%dma_start3A_9 : memref<80xi32, #tpu.memory_space<vmem>>) semaphore(%arg9 : memref<!tpu.dma_semaphore, #tpu.memory_space<semaphore_mem>>)
    %dma_start3A_13 = arith.constant 1 : i32
    %dma_start3A_14 = arith.constant 0 : i32
    %dma_start3A_15 = tpu.memref_slice %arg6[%dma_start3A_13, %dma_start3A_14] : memref<30x80xi32, #tpu.memory_space<vmem>> -> memref<1x80xi32, #tpu.memory_space<vmem>>
    %dma_start3A_16 = tpu.memref_squeeze %dma_start3A_15 : memref<1x80xi32, #tpu.memory_space<vmem>> -> memref<80xi32, #tpu.memory_space<vmem>>
    %dma_start3A_17 = arith.constant 0 : i32
    %dma_start3A_18 = arith.constant 0 : i32
    %dma_start3A_19 = tpu.memref_slice %arg5[%dma_start3A_17, %dma_start3A_18] : memref<10112x128xf32, #tpu.memory_space<vmem_shared>> -> memref<10112x128xf32, #tpu.memory_space<vmem_shared>>
    tpu.enqueue_indirect_dma source(%dma_start3A_19 : memref<10112x128xf32, #tpu.memory_space<vmem_shared>>) target(%arg8 : memref<80x128xf32, #tpu.memory_space<vmem>>) offsets(%dma_start3A_16 : memref<80xi32, #tpu.memory_space<vmem>>) semaphore(%arg10 : memref<!tpu.dma_semaphore, #tpu.memory_space<semaphore_mem>>)
    %dma_wait3A = arith.constant 0 : i32
    %dma_wait3A_20 = arith.constant 0 : i32
    %dma_wait3A_21 = tpu.memref_slice %arg6[%dma_wait3A, %dma_wait3A_20] : memref<30x80xi32, #tpu.memory_space<vmem>> -> memref<1x80xi32, #tpu.memory_space<vmem>>
    %dma_wait3A_22 = tpu.memref_squeeze %dma_wait3A_21 : memref<1x80xi32, #tpu.memory_space<vmem>> -> memref<80xi32, #tpu.memory_space<vmem>>
    %dma_wait3A_23 = arith.constant 0 : i32
    %dma_wait3A_24 = arith.constant 0 : i32
    %dma_wait3A_25 = tpu.memref_slice %arg5[%dma_wait3A_23, %dma_wait3A_24] : memref<10112x128xf32, #tpu.memory_space<vmem_shared>> -> memref<10112x128xf32, #tpu.memory_space<vmem_shared>>
    tpu.wait_indirect_dma semaphore(%arg9 : memref<!tpu.dma_semaphore, #tpu.memory_space<semaphore_mem>>) src(%dma_wait3A_25 : memref<10112x128xf32, #tpu.memory_space<vmem_shared>>) dst(%arg7 : memref<80x128xf32, #tpu.memory_space<vmem>>)
    %add3A_26 = arith.constant 0 : i32
    %add3A_27 = arith.addi %mul3A_2, %add3A_26 : i32
    %dma_start3A_28 = arith.constant 0 : i32
    %dma_start3A_29 = tpu.memref_slice %arg4[%add3A_27, %dma_start3A_28] : memref<76800x128xf32, #tpu.memory_space<hbm>> -> memref<80x128xf32, #tpu.memory_space<hbm>>
    %dma_start3A_30 = arith.constant 0 : i32
    %dma_start3A_31 = tpu.memref_slice %arg4[%add3A_27, %dma_start3A_30] : memref<76800x128xf32, #tpu.memory_space<hbm>> -> memref<80x128xf32, #tpu.memory_space<hbm>>
    tpu.enqueue_dma source(%arg7 : memref<80x128xf32, #tpu.memory_space<vmem>>) target(%dma_start3A_31 : memref<80x128xf32, #tpu.memory_space<hbm>>) target_semaphore(%arg11 : memref<!tpu.dma_semaphore, #tpu.memory_space<semaphore_mem>>)
    %dma_wait3A_32 = arith.constant 0 : i32
    %dma_wait3A_33 = arith.constant 0 : i32
    %dma_wait3A_34 = tpu.memref_slice %arg6[%dma_wait3A_32, %dma_wait3A_33] : memref<30x80xi32, #tpu.memory_space<vmem>> -> memref<1x80xi32, #tpu.memory_space<vmem>>
    %dma_wait3A_35 = tpu.memref_squeeze %dma_wait3A_34 : memref<1x80xi32, #tpu.memory_space<vmem>> -> memref<80xi32, #tpu.memory_space<vmem>>
    %dma_wait3A_36 = arith.constant 0 : i32
    %dma_wait3A_37 = arith.constant 0 : i32
    %dma_wait3A_38 = tpu.memref_slice %arg5[%dma_wait3A_36, %dma_wait3A_37] : memref<10112x128xf32, #tpu.memory_space<vmem_shared>> -> memref<10112x128xf32, #tpu.memory_space<vmem_shared>>
    tpu.wait_indirect_dma semaphore(%arg10 : memref<!tpu.dma_semaphore, #tpu.memory_space<semaphore_mem>>) src(%dma_wait3A_38 : memref<10112x128xf32, #tpu.memory_space<vmem_shared>>) dst(%arg8 : memref<80x128xf32, #tpu.memory_space<vmem>>)
    %add3A_39 = arith.constant 80 : i32
    %add3A_40 = arith.addi %mul3A_2, %add3A_39 : i32
    %dma_start3A_41 = arith.constant 0 : i32
    %dma_start3A_42 = tpu.memref_slice %arg4[%add3A_40, %dma_start3A_41] : memref<76800x128xf32, #tpu.memory_space<hbm>> -> memref<80x128xf32, #tpu.memory_space<hbm>>
    %dma_start3A_43 = arith.constant 0 : i32
    %dma_start3A_44 = tpu.memref_slice %arg4[%add3A_40, %dma_start3A_43] : memref<76800x128xf32, #tpu.memory_space<hbm>> -> memref<80x128xf32, #tpu.memory_space<hbm>>
    tpu.enqueue_dma source(%arg8 : memref<80x128xf32, #tpu.memory_space<vmem>>) target(%dma_start3A_44 : memref<80x128xf32, #tpu.memory_space<hbm>>) target_semaphore(%arg12 : memref<!tpu.dma_semaphore, #tpu.memory_space<semaphore_mem>>)
    %scan3A = arith.constant 0 : i32
    %scan3A_45 = arith.constant 1 : i32
    %scan3A_46 = arith.constant 14 : i32
    %scan3A_47 = arith.addi %scan3A_45, %scan3A_46 : i32
    %scan3A_48 = arith.constant 1 : i32
    scf.for %scan3A_58 = %scan3A_45 to %scan3A_47 step %scan3A_48  : i32 {
      %mul3A_59 = arith.constant 2 : i32
      %mul3A_60 = arith.muli %mul3A_59, %scan3A_58 : i32
      %dma_wait3A_61 = arith.constant 0 : i32
      %dma_wait3A_62 = tpu.memref_slice %arg4[%mul3A_2, %dma_wait3A_61] : memref<76800x128xf32, #tpu.memory_space<hbm>> -> memref<80x128xf32, #tpu.memory_space<hbm>>
      %dma_wait3A_63 = arith.constant 0 : i32
      %dma_wait3A_64 = tpu.memref_slice %arg4[%mul3A_2, %dma_wait3A_63] : memref<76800x128xf32, #tpu.memory_space<hbm>> -> memref<80x128xf32, #tpu.memory_space<hbm>>
      tpu.wait_dma2 semaphore(%arg11 : memref<!tpu.dma_semaphore, #tpu.memory_space<semaphore_mem>>) src(%arg7 : memref<80x128xf32, #tpu.memory_space<vmem>>) dst(%dma_wait3A_64 : memref<80x128xf32, #tpu.memory_space<hbm>>)
      %dma_start3A_65 = arith.constant 0 : i32
      %dma_start3A_66 = tpu.memref_slice %arg6[%mul3A_60, %dma_start3A_65] : memref<30x80xi32, #tpu.memory_space<vmem>> -> memref<1x80xi32, #tpu.memory_space<vmem>>
      %dma_start3A_67 = tpu.memref_squeeze %dma_start3A_66 : memref<1x80xi32, #tpu.memory_space<vmem>> -> memref<80xi32, #tpu.memory_space<vmem>>
      %dma_start3A_68 = arith.constant 0 : i32
      %dma_start3A_69 = arith.constant 0 : i32
      %dma_start3A_70 = tpu.memref_slice %arg5[%dma_start3A_68, %dma_start3A_69] : memref<10112x128xf32, #tpu.memory_space<vmem_shared>> -> memref<10112x128xf32, #tpu.memory_space<vmem_shared>>
      tpu.enqueue_indirect_dma source(%dma_start3A_70 : memref<10112x128xf32, #tpu.memory_space<vmem_shared>>) target(%arg7 : memref<80x128xf32, #tpu.memory_space<vmem>>) offsets(%dma_start3A_67 : memref<80xi32, #tpu.memory_space<vmem>>) semaphore(%arg9 : memref<!tpu.dma_semaphore, #tpu.memory_space<semaphore_mem>>)
      %dma_wait3A_71 = arith.constant 0 : i32
      %dma_wait3A_72 = tpu.memref_slice %arg4[%mul3A_2, %dma_wait3A_71] : memref<76800x128xf32, #tpu.memory_space<hbm>> -> memref<80x128xf32, #tpu.memory_space<hbm>>
      %dma_wait3A_73 = arith.constant 0 : i32
      %dma_wait3A_74 = tpu.memref_slice %arg4[%mul3A_2, %dma_wait3A_73] : memref<76800x128xf32, #tpu.memory_space<hbm>> -> memref<80x128xf32, #tpu.memory_space<hbm>>
      tpu.wait_dma2 semaphore(%arg12 : memref<!tpu.dma_semaphore, #tpu.memory_space<semaphore_mem>>) src(%arg8 : memref<80x128xf32, #tpu.memory_space<vmem>>) dst(%dma_wait3A_74 : memref<80x128xf32, #tpu.memory_space<hbm>>)
      %add3A_75 = arith.constant 1 : i32
      %add3A_76 = arith.addi %mul3A_60, %add3A_75 : i32
      %dma_start3A_77 = arith.constant 0 : i32
      %dma_start3A_78 = tpu.memref_slice %arg6[%add3A_76, %dma_start3A_77] : memref<30x80xi32, #tpu.memory_space<vmem>> -> memref<1x80xi32, #tpu.memory_space<vmem>>
      %dma_start3A_79 = tpu.memref_squeeze %dma_start3A_78 : memref<1x80xi32, #tpu.memory_space<vmem>> -> memref<80xi32, #tpu.memory_space<vmem>>
      %dma_start3A_80 = arith.constant 0 : i32
      %dma_start3A_81 = arith.constant 0 : i32
      %dma_start3A_82 = tpu.memref_slice %arg5[%dma_start3A_80, %dma_start3A_81] : memref<10112x128xf32, #tpu.memory_space<vmem_shared>> -> memref<10112x128xf32, #tpu.memory_space<vmem_shared>>
      tpu.enqueue_indirect_dma source(%dma_start3A_82 : memref<10112x128xf32, #tpu.memory_space<vmem_shared>>) target(%arg8 : memref<80x128xf32, #tpu.memory_space<vmem>>) offsets(%dma_start3A_79 : memref<80xi32, #tpu.memory_space<vmem>>) semaphore(%arg10 : memref<!tpu.dma_semaphore, #tpu.memory_space<semaphore_mem>>)
      %dma_wait3A_83 = arith.constant 0 : i32
      %dma_wait3A_84 = arith.constant 0 : i32
      %dma_wait3A_85 = tpu.memref_slice %arg6[%dma_wait3A_83, %dma_wait3A_84] : memref<30x80xi32, #tpu.memory_space<vmem>> -> memref<1x80xi32, #tpu.memory_space<vmem>>
      %dma_wait3A_86 = tpu.memref_squeeze %dma_wait3A_85 : memref<1x80xi32, #tpu.memory_space<vmem>> -> memref<80xi32, #tpu.memory_space<vmem>>
      %dma_wait3A_87 = arith.constant 0 : i32
      %dma_wait3A_88 = arith.constant 0 : i32
      %dma_wait3A_89 = tpu.memref_slice %arg5[%dma_wait3A_87, %dma_wait3A_88] : memref<10112x128xf32, #tpu.memory_space<vmem_shared>> -> memref<10112x128xf32, #tpu.memory_space<vmem_shared>>
      tpu.wait_indirect_dma semaphore(%arg9 : memref<!tpu.dma_semaphore, #tpu.memory_space<semaphore_mem>>) src(%dma_wait3A_89 : memref<10112x128xf32, #tpu.memory_space<vmem_shared>>) dst(%arg7 : memref<80x128xf32, #tpu.memory_space<vmem>>)
      %mul3A_90 = arith.constant 80 : i32
      %mul3A_91 = arith.muli %mul3A_60, %mul3A_90 : i32
      %add3A_92 = arith.addi %mul3A_2, %mul3A_91 : i32
      %dma_start3A_93 = arith.constant 0 : i32
      %dma_start3A_94 = tpu.memref_slice %arg4[%add3A_92, %dma_start3A_93] : memref<76800x128xf32, #tpu.memory_space<hbm>> -> memref<80x128xf32, #tpu.memory_space<hbm>>
      %dma_start3A_95 = arith.constant 0 : i32
      %dma_start3A_96 = tpu.memref_slice %arg4[%add3A_92, %dma_start3A_95] : memref<76800x128xf32, #tpu.memory_space<hbm>> -> memref<80x128xf32, #tpu.memory_space<hbm>>
      tpu.enqueue_dma source(%arg7 : memref<80x128xf32, #tpu.memory_space<vmem>>) target(%dma_start3A_96 : memref<80x128xf32, #tpu.memory_space<hbm>>) target_semaphore(%arg11 : memref<!tpu.dma_semaphore, #tpu.memory_space<semaphore_mem>>)
      %dma_wait3A_97 = arith.constant 0 : i32
      %dma_wait3A_98 = arith.constant 0 : i32
      %dma_wait3A_99 = tpu.memref_slice %arg6[%dma_wait3A_97, %dma_wait3A_98] : memref<30x80xi32, #tpu.memory_space<vmem>> -> memref<1x80xi32, #tpu.memory_space<vmem>>
      %dma_wait3A_100 = tpu.memref_squeeze %dma_wait3A_99 : memref<1x80xi32, #tpu.memory_space<vmem>> -> memref<80xi32, #tpu.memory_space<vmem>>
      %dma_wait3A_101 = arith.constant 0 : i32
      %dma_wait3A_102 = arith.constant 0 : i32
      %dma_wait3A_103 = tpu.memref_slice %arg5[%dma_wait3A_101, %dma_wait3A_102] : memref<10112x128xf32, #tpu.memory_space<vmem_shared>> -> memref<10112x128xf32, #tpu.memory_space<vmem_shared>>
      tpu.wait_indirect_dma semaphore(%arg10 : memref<!tpu.dma_semaphore, #tpu.memory_space<semaphore_mem>>) src(%dma_wait3A_103 : memref<10112x128xf32, #tpu.memory_space<vmem_shared>>) dst(%arg8 : memref<80x128xf32, #tpu.memory_space<vmem>>)
      %add3A_104 = arith.constant 1 : i32
      %add3A_105 = arith.addi %mul3A_60, %add3A_104 : i32
      %mul3A_106 = arith.constant 80 : i32
      %mul3A_107 = arith.muli %add3A_105, %mul3A_106 : i32
      %add3A_108 = arith.addi %mul3A_2, %mul3A_107 : i32
      %dma_start3A_109 = arith.constant 0 : i32
      %dma_start3A_110 = tpu.memref_slice %arg4[%add3A_108, %dma_start3A_109] : memref<76800x128xf32, #tpu.memory_space<hbm>> -> memref<80x128xf32, #tpu.memory_space<hbm>>
      %dma_start3A_111 = arith.constant 0 : i32
      %dma_start3A_112 = tpu.memref_slice %arg4[%add3A_108, %dma_start3A_111] : memref<76800x128xf32, #tpu.memory_space<hbm>> -> memref<80x128xf32, #tpu.memory_space<hbm>>
      tpu.enqueue_dma source(%arg8 : memref<80x128xf32, #tpu.memory_space<vmem>>) target(%dma_start3A_112 : memref<80x128xf32, #tpu.memory_space<hbm>>) target_semaphore(%arg12 : memref<!tpu.dma_semaphore, #tpu.memory_space<semaphore_mem>>)
    }
    %scan3A_49 = arith.constant 14 : i32
    %dma_wait3A_50 = arith.constant 0 : i32
    %dma_wait3A_51 = tpu.memref_slice %arg4[%mul3A_2, %dma_wait3A_50] : memref<76800x128xf32, #tpu.memory_space<hbm>> -> memref<80x128xf32, #tpu.memory_space<hbm>>
    %dma_wait3A_52 = arith.constant 0 : i32
    %dma_wait3A_53 = tpu.memref_slice %arg4[%mul3A_2, %dma_wait3A_52] : memref<76800x128xf32, #tpu.memory_space<hbm>> -> memref<80x128xf32, #tpu.memory_space<hbm>>
    tpu.wait_dma2 semaphore(%arg11 : memref<!tpu.dma_semaphore, #tpu.memory_space<semaphore_mem>>) src(%arg7 : memref<80x128xf32, #tpu.memory_space<vmem>>) dst(%dma_wait3A_53 : memref<80x128xf32, #tpu.memory_space<hbm>>)
    %dma_wait3A_54 = arith.constant 0 : i32
    %dma_wait3A_55 = tpu.memref_slice %arg4[%mul3A_2, %dma_wait3A_54] : memref<76800x128xf32, #tpu.memory_space<hbm>> -> memref<80x128xf32, #tpu.memory_space<hbm>>
    %dma_wait3A_56 = arith.constant 0 : i32
    %dma_wait3A_57 = tpu.memref_slice %arg4[%mul3A_2, %dma_wait3A_56] : memref<76800x128xf32, #tpu.memory_space<hbm>> -> memref<80x128xf32, #tpu.memory_space<hbm>>
    tpu.wait_dma2 semaphore(%arg12 : memref<!tpu.dma_semaphore, #tpu.memory_space<semaphore_mem>>) src(%arg8 : memref<80x128xf32, #tpu.memory_space<vmem>>) dst(%dma_wait3A_57 : memref<80x128xf32, #tpu.memory_space<hbm>>)
    return
  }
}

#map = affine_map<(d0, d1) -> (0, 0)>
#map1 = affine_map<(d0, d1) -> (0, 0, 0)>
module attributes {stable_mosaic.version = 14 : i64} {
  func.func @k(%arg0: i32, %arg1: i32, %arg2: memref<10112x128xf32, #tpu.memory_space<hbm>>, %arg3: memref<32x10x80xi32, #tpu.memory_space<hbm>>, %arg4: memref<25600x128xf32, #tpu.memory_space<hbm>>, %arg5: memref<10112x128xf32, #tpu.memory_space<vmem_shared>>, %arg6: memref<10x80xi32, #tpu.memory_space<vmem>>, %arg7: memref<80x128xf32, #tpu.memory_space<vmem>>, %arg8: memref<80x128xf32, #tpu.memory_space<vmem>>, %arg9: memref<!tpu.dma_semaphore, #tpu.memory_space<semaphore_mem>>, %arg10: memref<!tpu.dma_semaphore, #tpu.memory_space<semaphore_mem>>, %arg11: memref<!tpu.dma_semaphore, #tpu.memory_space<semaphore_mem>>, %arg12: memref<!tpu.dma_semaphore, #tpu.memory_space<semaphore_mem>>) attributes {dimension_semantics = [#tpu.dimension_semantics<core_parallel>, #tpu.dimension_semantics<subcore_parallel>], iteration_bounds = array<i64: 2, 16>, scalar_prefetch = 0 : i64, scratch_operands = 8 : i64, tpu.core_type = #tpu.core_type<sc_vector_subcore>, window_params = [{transform_indices = #map}, {transform_indices = #map1}, {transform_indices = #map}]} {
    %mul3A = arith.constant 2 : i32
    %mul3A_0 = arith.muli %arg1, %mul3A : i32
    %add3A = arith.addi %mul3A_0, %arg0 : i32
    %mul3A_1 = arith.constant 800 : i32
    %mul3A_2 = arith.muli %add3A, %mul3A_1 : i32
    %mul3A_3 = arith.constant 632 : i32
    %mul3A_4 = arith.muli %arg1, %mul3A_3 : i32
    %mul3A_5 = arith.constant 632 : i32
    %mul3A_6 = arith.muli %arg1, %mul3A_5 : i32
    "tpu.region"() ({
      %run_scoped3A = tpu.sem_alloc : memref<!tpu.dma_semaphore, #tpu.memory_space<semaphore_mem>>
      %dma_start3A_58 = arith.constant 0 : i32
      %dma_start3A_59 = tpu.memref_slice %arg5[%mul3A_6, %dma_start3A_58] : memref<10112x128xf32, #tpu.memory_space<vmem_shared>> -> memref<632x128xf32, #tpu.memory_space<vmem_shared>>
      %dma_start3A_60 = arith.constant 0 : i32
      %dma_start3A_61 = tpu.memref_slice %arg2[%mul3A_4, %dma_start3A_60] : memref<10112x128xf32, #tpu.memory_space<hbm>> -> memref<632x128xf32, #tpu.memory_space<hbm>>
      tpu.enqueue_dma source(%dma_start3A_61 : memref<632x128xf32, #tpu.memory_space<hbm>>) target(%dma_start3A_59 : memref<632x128xf32, #tpu.memory_space<vmem_shared>>) target_semaphore(%run_scoped3A : memref<!tpu.dma_semaphore, #tpu.memory_space<semaphore_mem>>)
      %dma_wait3A_62 = arith.constant 0 : i32
      %dma_wait3A_63 = tpu.memref_slice %arg5[%mul3A_6, %dma_wait3A_62] : memref<10112x128xf32, #tpu.memory_space<vmem_shared>> -> memref<632x128xf32, #tpu.memory_space<vmem_shared>>
      %dma_wait3A_64 = arith.constant 0 : i32
      %dma_wait3A_65 = tpu.memref_slice %arg2[%mul3A_4, %dma_wait3A_64] : memref<10112x128xf32, #tpu.memory_space<hbm>> -> memref<632x128xf32, #tpu.memory_space<hbm>>
      tpu.wait_dma2 semaphore(%run_scoped3A : memref<!tpu.dma_semaphore, #tpu.memory_space<semaphore_mem>>) src(%dma_wait3A_65 : memref<632x128xf32, #tpu.memory_space<hbm>>) dst(%dma_wait3A_63 : memref<632x128xf32, #tpu.memory_space<vmem_shared>>)
      tpu.yield
    }) : () -> ()
    "tpu.region"() ({
      %run_scoped3A = tpu.sem_alloc : memref<!tpu.dma_semaphore, #tpu.memory_space<semaphore_mem>>
      %dma_start3A_58 = arith.constant 0 : i32
      %dma_start3A_59 = arith.constant 0 : i32
      %dma_start3A_60 = tpu.memref_slice %arg3[%add3A, %dma_start3A_58, %dma_start3A_59] : memref<32x10x80xi32, #tpu.memory_space<hbm>> -> memref<1x10x80xi32, #tpu.memory_space<hbm>>
      %dma_start3A_61 = tpu.memref_squeeze %dma_start3A_60 : memref<1x10x80xi32, #tpu.memory_space<hbm>> -> memref<10x80xi32, #tpu.memory_space<hbm>>
      %dma_start3A_62 = arith.constant 0 : i32
      %dma_start3A_63 = arith.constant 0 : i32
      %dma_start3A_64 = tpu.memref_slice %arg3[%add3A, %dma_start3A_62, %dma_start3A_63] : memref<32x10x80xi32, #tpu.memory_space<hbm>> -> memref<1x10x80xi32, #tpu.memory_space<hbm>>
      %dma_start3A_65 = tpu.memref_squeeze %dma_start3A_64 : memref<1x10x80xi32, #tpu.memory_space<hbm>> -> memref<10x80xi32, #tpu.memory_space<hbm>>
      tpu.enqueue_dma source(%dma_start3A_65 : memref<10x80xi32, #tpu.memory_space<hbm>>) target(%arg6 : memref<10x80xi32, #tpu.memory_space<vmem>>) target_semaphore(%run_scoped3A : memref<!tpu.dma_semaphore, #tpu.memory_space<semaphore_mem>>)
      %dma_wait3A_66 = arith.constant 0 : i32
      %dma_wait3A_67 = arith.constant 0 : i32
      %dma_wait3A_68 = tpu.memref_slice %arg3[%add3A, %dma_wait3A_66, %dma_wait3A_67] : memref<32x10x80xi32, #tpu.memory_space<hbm>> -> memref<1x10x80xi32, #tpu.memory_space<hbm>>
      %dma_wait3A_69 = tpu.memref_squeeze %dma_wait3A_68 : memref<1x10x80xi32, #tpu.memory_space<hbm>> -> memref<10x80xi32, #tpu.memory_space<hbm>>
      %dma_wait3A_70 = arith.constant 0 : i32
      %dma_wait3A_71 = arith.constant 0 : i32
      %dma_wait3A_72 = tpu.memref_slice %arg3[%add3A, %dma_wait3A_70, %dma_wait3A_71] : memref<32x10x80xi32, #tpu.memory_space<hbm>> -> memref<1x10x80xi32, #tpu.memory_space<hbm>>
      %dma_wait3A_73 = tpu.memref_squeeze %dma_wait3A_72 : memref<1x10x80xi32, #tpu.memory_space<hbm>> -> memref<10x80xi32, #tpu.memory_space<hbm>>
      tpu.wait_dma2 semaphore(%run_scoped3A : memref<!tpu.dma_semaphore, #tpu.memory_space<semaphore_mem>>) src(%dma_wait3A_73 : memref<10x80xi32, #tpu.memory_space<hbm>>) dst(%arg6 : memref<10x80xi32, #tpu.memory_space<vmem>>)
      tpu.yield
    }) : () -> ()
    %barrier3A = arith.constant 0 : index
    tpu.barrier barrier_id(%barrier3A)
    %dma_start3A = arith.constant 0 : i32
    %dma_start3A_7 = arith.constant 0 : i32
    %dma_start3A_8 = tpu.memref_slice %arg6[%dma_start3A, %dma_start3A_7] : memref<10x80xi32, #tpu.memory_space<vmem>> -> memref<1x80xi32, #tpu.memory_space<vmem>>
    %dma_start3A_9 = tpu.memref_squeeze %dma_start3A_8 : memref<1x80xi32, #tpu.memory_space<vmem>> -> memref<80xi32, #tpu.memory_space<vmem>>
    %dma_start3A_10 = arith.constant 0 : i32
    %dma_start3A_11 = arith.constant 0 : i32
    %dma_start3A_12 = tpu.memref_slice %arg5[%dma_start3A_10, %dma_start3A_11] : memref<10112x128xf32, #tpu.memory_space<vmem_shared>> -> memref<10112x128xf32, #tpu.memory_space<vmem_shared>>
    tpu.enqueue_indirect_dma source(%dma_start3A_12 : memref<10112x128xf32, #tpu.memory_space<vmem_shared>>) target(%arg7 : memref<80x128xf32, #tpu.memory_space<vmem>>) offsets(%dma_start3A_9 : memref<80xi32, #tpu.memory_space<vmem>>) semaphore(%arg9 : memref<!tpu.dma_semaphore, #tpu.memory_space<semaphore_mem>>)
    %dma_start3A_13 = arith.constant 1 : i32
    %dma_start3A_14 = arith.constant 0 : i32
    %dma_start3A_15 = tpu.memref_slice %arg6[%dma_start3A_13, %dma_start3A_14] : memref<10x80xi32, #tpu.memory_space<vmem>> -> memref<1x80xi32, #tpu.memory_space<vmem>>
    %dma_start3A_16 = tpu.memref_squeeze %dma_start3A_15 : memref<1x80xi32, #tpu.memory_space<vmem>> -> memref<80xi32, #tpu.memory_space<vmem>>
    %dma_start3A_17 = arith.constant 0 : i32
    %dma_start3A_18 = arith.constant 0 : i32
    %dma_start3A_19 = tpu.memref_slice %arg5[%dma_start3A_17, %dma_start3A_18] : memref<10112x128xf32, #tpu.memory_space<vmem_shared>> -> memref<10112x128xf32, #tpu.memory_space<vmem_shared>>
    tpu.enqueue_indirect_dma source(%dma_start3A_19 : memref<10112x128xf32, #tpu.memory_space<vmem_shared>>) target(%arg8 : memref<80x128xf32, #tpu.memory_space<vmem>>) offsets(%dma_start3A_16 : memref<80xi32, #tpu.memory_space<vmem>>) semaphore(%arg10 : memref<!tpu.dma_semaphore, #tpu.memory_space<semaphore_mem>>)
    %dma_wait3A = arith.constant 0 : i32
    %dma_wait3A_20 = arith.constant 0 : i32
    %dma_wait3A_21 = tpu.memref_slice %arg6[%dma_wait3A, %dma_wait3A_20] : memref<10x80xi32, #tpu.memory_space<vmem>> -> memref<1x80xi32, #tpu.memory_space<vmem>>
    %dma_wait3A_22 = tpu.memref_squeeze %dma_wait3A_21 : memref<1x80xi32, #tpu.memory_space<vmem>> -> memref<80xi32, #tpu.memory_space<vmem>>
    %dma_wait3A_23 = arith.constant 0 : i32
    %dma_wait3A_24 = arith.constant 0 : i32
    %dma_wait3A_25 = tpu.memref_slice %arg5[%dma_wait3A_23, %dma_wait3A_24] : memref<10112x128xf32, #tpu.memory_space<vmem_shared>> -> memref<10112x128xf32, #tpu.memory_space<vmem_shared>>
    tpu.wait_indirect_dma semaphore(%arg9 : memref<!tpu.dma_semaphore, #tpu.memory_space<semaphore_mem>>) src(%dma_wait3A_25 : memref<10112x128xf32, #tpu.memory_space<vmem_shared>>) dst(%arg7 : memref<80x128xf32, #tpu.memory_space<vmem>>)
    %add3A_26 = arith.constant 0 : i32
    %add3A_27 = arith.addi %mul3A_2, %add3A_26 : i32
    %dma_start3A_28 = arith.constant 0 : i32
    %dma_start3A_29 = tpu.memref_slice %arg4[%add3A_27, %dma_start3A_28] : memref<25600x128xf32, #tpu.memory_space<hbm>> -> memref<80x128xf32, #tpu.memory_space<hbm>>
    %dma_start3A_30 = arith.constant 0 : i32
    %dma_start3A_31 = tpu.memref_slice %arg4[%add3A_27, %dma_start3A_30] : memref<25600x128xf32, #tpu.memory_space<hbm>> -> memref<80x128xf32, #tpu.memory_space<hbm>>
    tpu.enqueue_dma source(%arg7 : memref<80x128xf32, #tpu.memory_space<vmem>>) target(%dma_start3A_31 : memref<80x128xf32, #tpu.memory_space<hbm>>) target_semaphore(%arg11 : memref<!tpu.dma_semaphore, #tpu.memory_space<semaphore_mem>>)
    %dma_wait3A_32 = arith.constant 0 : i32
    %dma_wait3A_33 = arith.constant 0 : i32
    %dma_wait3A_34 = tpu.memref_slice %arg6[%dma_wait3A_32, %dma_wait3A_33] : memref<10x80xi32, #tpu.memory_space<vmem>> -> memref<1x80xi32, #tpu.memory_space<vmem>>
    %dma_wait3A_35 = tpu.memref_squeeze %dma_wait3A_34 : memref<1x80xi32, #tpu.memory_space<vmem>> -> memref<80xi32, #tpu.memory_space<vmem>>
    %dma_wait3A_36 = arith.constant 0 : i32
    %dma_wait3A_37 = arith.constant 0 : i32
    %dma_wait3A_38 = tpu.memref_slice %arg5[%dma_wait3A_36, %dma_wait3A_37] : memref<10112x128xf32, #tpu.memory_space<vmem_shared>> -> memref<10112x128xf32, #tpu.memory_space<vmem_shared>>
    tpu.wait_indirect_dma semaphore(%arg10 : memref<!tpu.dma_semaphore, #tpu.memory_space<semaphore_mem>>) src(%dma_wait3A_38 : memref<10112x128xf32, #tpu.memory_space<vmem_shared>>) dst(%arg8 : memref<80x128xf32, #tpu.memory_space<vmem>>)
    %add3A_39 = arith.constant 80 : i32
    %add3A_40 = arith.addi %mul3A_2, %add3A_39 : i32
    %dma_start3A_41 = arith.constant 0 : i32
    %dma_start3A_42 = tpu.memref_slice %arg4[%add3A_40, %dma_start3A_41] : memref<25600x128xf32, #tpu.memory_space<hbm>> -> memref<80x128xf32, #tpu.memory_space<hbm>>
    %dma_start3A_43 = arith.constant 0 : i32
    %dma_start3A_44 = tpu.memref_slice %arg4[%add3A_40, %dma_start3A_43] : memref<25600x128xf32, #tpu.memory_space<hbm>> -> memref<80x128xf32, #tpu.memory_space<hbm>>
    tpu.enqueue_dma source(%arg8 : memref<80x128xf32, #tpu.memory_space<vmem>>) target(%dma_start3A_44 : memref<80x128xf32, #tpu.memory_space<hbm>>) target_semaphore(%arg12 : memref<!tpu.dma_semaphore, #tpu.memory_space<semaphore_mem>>)
    %scan3A = arith.constant 0 : i32
    %scan3A_45 = arith.constant 1 : i32
    %scan3A_46 = arith.constant 4 : i32
    %scan3A_47 = arith.addi %scan3A_45, %scan3A_46 : i32
    %scan3A_48 = arith.constant 1 : i32
    scf.for %scan3A_58 = %scan3A_45 to %scan3A_47 step %scan3A_48  : i32 {
      %mul3A_59 = arith.constant 2 : i32
      %mul3A_60 = arith.muli %mul3A_59, %scan3A_58 : i32
      %dma_wait3A_61 = arith.constant 0 : i32
      %dma_wait3A_62 = tpu.memref_slice %arg4[%mul3A_2, %dma_wait3A_61] : memref<25600x128xf32, #tpu.memory_space<hbm>> -> memref<80x128xf32, #tpu.memory_space<hbm>>
      %dma_wait3A_63 = arith.constant 0 : i32
      %dma_wait3A_64 = tpu.memref_slice %arg4[%mul3A_2, %dma_wait3A_63] : memref<25600x128xf32, #tpu.memory_space<hbm>> -> memref<80x128xf32, #tpu.memory_space<hbm>>
      tpu.wait_dma2 semaphore(%arg11 : memref<!tpu.dma_semaphore, #tpu.memory_space<semaphore_mem>>) src(%arg7 : memref<80x128xf32, #tpu.memory_space<vmem>>) dst(%dma_wait3A_64 : memref<80x128xf32, #tpu.memory_space<hbm>>)
      %dma_start3A_65 = arith.constant 0 : i32
      %dma_start3A_66 = tpu.memref_slice %arg6[%mul3A_60, %dma_start3A_65] : memref<10x80xi32, #tpu.memory_space<vmem>> -> memref<1x80xi32, #tpu.memory_space<vmem>>
      %dma_start3A_67 = tpu.memref_squeeze %dma_start3A_66 : memref<1x80xi32, #tpu.memory_space<vmem>> -> memref<80xi32, #tpu.memory_space<vmem>>
      %dma_start3A_68 = arith.constant 0 : i32
      %dma_start3A_69 = arith.constant 0 : i32
      %dma_start3A_70 = tpu.memref_slice %arg5[%dma_start3A_68, %dma_start3A_69] : memref<10112x128xf32, #tpu.memory_space<vmem_shared>> -> memref<10112x128xf32, #tpu.memory_space<vmem_shared>>
      tpu.enqueue_indirect_dma source(%dma_start3A_70 : memref<10112x128xf32, #tpu.memory_space<vmem_shared>>) target(%arg7 : memref<80x128xf32, #tpu.memory_space<vmem>>) offsets(%dma_start3A_67 : memref<80xi32, #tpu.memory_space<vmem>>) semaphore(%arg9 : memref<!tpu.dma_semaphore, #tpu.memory_space<semaphore_mem>>)
      %dma_wait3A_71 = arith.constant 0 : i32
      %dma_wait3A_72 = tpu.memref_slice %arg4[%mul3A_2, %dma_wait3A_71] : memref<25600x128xf32, #tpu.memory_space<hbm>> -> memref<80x128xf32, #tpu.memory_space<hbm>>
      %dma_wait3A_73 = arith.constant 0 : i32
      %dma_wait3A_74 = tpu.memref_slice %arg4[%mul3A_2, %dma_wait3A_73] : memref<25600x128xf32, #tpu.memory_space<hbm>> -> memref<80x128xf32, #tpu.memory_space<hbm>>
      tpu.wait_dma2 semaphore(%arg12 : memref<!tpu.dma_semaphore, #tpu.memory_space<semaphore_mem>>) src(%arg8 : memref<80x128xf32, #tpu.memory_space<vmem>>) dst(%dma_wait3A_74 : memref<80x128xf32, #tpu.memory_space<hbm>>)
      %add3A_75 = arith.constant 1 : i32
      %add3A_76 = arith.addi %mul3A_60, %add3A_75 : i32
      %dma_start3A_77 = arith.constant 0 : i32
      %dma_start3A_78 = tpu.memref_slice %arg6[%add3A_76, %dma_start3A_77] : memref<10x80xi32, #tpu.memory_space<vmem>> -> memref<1x80xi32, #tpu.memory_space<vmem>>
      %dma_start3A_79 = tpu.memref_squeeze %dma_start3A_78 : memref<1x80xi32, #tpu.memory_space<vmem>> -> memref<80xi32, #tpu.memory_space<vmem>>
      %dma_start3A_80 = arith.constant 0 : i32
      %dma_start3A_81 = arith.constant 0 : i32
      %dma_start3A_82 = tpu.memref_slice %arg5[%dma_start3A_80, %dma_start3A_81] : memref<10112x128xf32, #tpu.memory_space<vmem_shared>> -> memref<10112x128xf32, #tpu.memory_space<vmem_shared>>
      tpu.enqueue_indirect_dma source(%dma_start3A_82 : memref<10112x128xf32, #tpu.memory_space<vmem_shared>>) target(%arg8 : memref<80x128xf32, #tpu.memory_space<vmem>>) offsets(%dma_start3A_79 : memref<80xi32, #tpu.memory_space<vmem>>) semaphore(%arg10 : memref<!tpu.dma_semaphore, #tpu.memory_space<semaphore_mem>>)
      %dma_wait3A_83 = arith.constant 0 : i32
      %dma_wait3A_84 = arith.constant 0 : i32
      %dma_wait3A_85 = tpu.memref_slice %arg6[%dma_wait3A_83, %dma_wait3A_84] : memref<10x80xi32, #tpu.memory_space<vmem>> -> memref<1x80xi32, #tpu.memory_space<vmem>>
      %dma_wait3A_86 = tpu.memref_squeeze %dma_wait3A_85 : memref<1x80xi32, #tpu.memory_space<vmem>> -> memref<80xi32, #tpu.memory_space<vmem>>
      %dma_wait3A_87 = arith.constant 0 : i32
      %dma_wait3A_88 = arith.constant 0 : i32
      %dma_wait3A_89 = tpu.memref_slice %arg5[%dma_wait3A_87, %dma_wait3A_88] : memref<10112x128xf32, #tpu.memory_space<vmem_shared>> -> memref<10112x128xf32, #tpu.memory_space<vmem_shared>>
      tpu.wait_indirect_dma semaphore(%arg9 : memref<!tpu.dma_semaphore, #tpu.memory_space<semaphore_mem>>) src(%dma_wait3A_89 : memref<10112x128xf32, #tpu.memory_space<vmem_shared>>) dst(%arg7 : memref<80x128xf32, #tpu.memory_space<vmem>>)
      %mul3A_90 = arith.constant 80 : i32
      %mul3A_91 = arith.muli %mul3A_60, %mul3A_90 : i32
      %add3A_92 = arith.addi %mul3A_2, %mul3A_91 : i32
      %dma_start3A_93 = arith.constant 0 : i32
      %dma_start3A_94 = tpu.memref_slice %arg4[%add3A_92, %dma_start3A_93] : memref<25600x128xf32, #tpu.memory_space<hbm>> -> memref<80x128xf32, #tpu.memory_space<hbm>>
      %dma_start3A_95 = arith.constant 0 : i32
      %dma_start3A_96 = tpu.memref_slice %arg4[%add3A_92, %dma_start3A_95] : memref<25600x128xf32, #tpu.memory_space<hbm>> -> memref<80x128xf32, #tpu.memory_space<hbm>>
      tpu.enqueue_dma source(%arg7 : memref<80x128xf32, #tpu.memory_space<vmem>>) target(%dma_start3A_96 : memref<80x128xf32, #tpu.memory_space<hbm>>) target_semaphore(%arg11 : memref<!tpu.dma_semaphore, #tpu.memory_space<semaphore_mem>>)
      %dma_wait3A_97 = arith.constant 0 : i32
      %dma_wait3A_98 = arith.constant 0 : i32
      %dma_wait3A_99 = tpu.memref_slice %arg6[%dma_wait3A_97, %dma_wait3A_98] : memref<10x80xi32, #tpu.memory_space<vmem>> -> memref<1x80xi32, #tpu.memory_space<vmem>>
      %dma_wait3A_100 = tpu.memref_squeeze %dma_wait3A_99 : memref<1x80xi32, #tpu.memory_space<vmem>> -> memref<80xi32, #tpu.memory_space<vmem>>
      %dma_wait3A_101 = arith.constant 0 : i32
      %dma_wait3A_102 = arith.constant 0 : i32
      %dma_wait3A_103 = tpu.memref_slice %arg5[%dma_wait3A_101, %dma_wait3A_102] : memref<10112x128xf32, #tpu.memory_space<vmem_shared>> -> memref<10112x128xf32, #tpu.memory_space<vmem_shared>>
      tpu.wait_indirect_dma semaphore(%arg10 : memref<!tpu.dma_semaphore, #tpu.memory_space<semaphore_mem>>) src(%dma_wait3A_103 : memref<10112x128xf32, #tpu.memory_space<vmem_shared>>) dst(%arg8 : memref<80x128xf32, #tpu.memory_space<vmem>>)
      %add3A_104 = arith.constant 1 : i32
      %add3A_105 = arith.addi %mul3A_60, %add3A_104 : i32
      %mul3A_106 = arith.constant 80 : i32
      %mul3A_107 = arith.muli %add3A_105, %mul3A_106 : i32
      %add3A_108 = arith.addi %mul3A_2, %mul3A_107 : i32
      %dma_start3A_109 = arith.constant 0 : i32
      %dma_start3A_110 = tpu.memref_slice %arg4[%add3A_108, %dma_start3A_109] : memref<25600x128xf32, #tpu.memory_space<hbm>> -> memref<80x128xf32, #tpu.memory_space<hbm>>
      %dma_start3A_111 = arith.constant 0 : i32
      %dma_start3A_112 = tpu.memref_slice %arg4[%add3A_108, %dma_start3A_111] : memref<25600x128xf32, #tpu.memory_space<hbm>> -> memref<80x128xf32, #tpu.memory_space<hbm>>
      tpu.enqueue_dma source(%arg8 : memref<80x128xf32, #tpu.memory_space<vmem>>) target(%dma_start3A_112 : memref<80x128xf32, #tpu.memory_space<hbm>>) target_semaphore(%arg12 : memref<!tpu.dma_semaphore, #tpu.memory_space<semaphore_mem>>)
    }
    %scan3A_49 = arith.constant 4 : i32
    %dma_wait3A_50 = arith.constant 0 : i32
    %dma_wait3A_51 = tpu.memref_slice %arg4[%mul3A_2, %dma_wait3A_50] : memref<25600x128xf32, #tpu.memory_space<hbm>> -> memref<80x128xf32, #tpu.memory_space<hbm>>
    %dma_wait3A_52 = arith.constant 0 : i32
    %dma_wait3A_53 = tpu.memref_slice %arg4[%mul3A_2, %dma_wait3A_52] : memref<25600x128xf32, #tpu.memory_space<hbm>> -> memref<80x128xf32, #tpu.memory_space<hbm>>
    tpu.wait_dma2 semaphore(%arg11 : memref<!tpu.dma_semaphore, #tpu.memory_space<semaphore_mem>>) src(%arg7 : memref<80x128xf32, #tpu.memory_space<vmem>>) dst(%dma_wait3A_53 : memref<80x128xf32, #tpu.memory_space<hbm>>)
    %dma_wait3A_54 = arith.constant 0 : i32
    %dma_wait3A_55 = tpu.memref_slice %arg4[%mul3A_2, %dma_wait3A_54] : memref<25600x128xf32, #tpu.memory_space<hbm>> -> memref<80x128xf32, #tpu.memory_space<hbm>>
    %dma_wait3A_56 = arith.constant 0 : i32
    %dma_wait3A_57 = tpu.memref_slice %arg4[%mul3A_2, %dma_wait3A_56] : memref<25600x128xf32, #tpu.memory_space<hbm>> -> memref<80x128xf32, #tpu.memory_space<hbm>>
    tpu.wait_dma2 semaphore(%arg12 : memref<!tpu.dma_semaphore, #tpu.memory_space<semaphore_mem>>) src(%arg8 : memref<80x128xf32, #tpu.memory_space<vmem>>) dst(%dma_wait3A_57 : memref<80x128xf32, #tpu.memory_space<hbm>>)
    return
  }
}

#map = affine_map<(d0, d1) -> (0, 0)>
#map1 = affine_map<(d0, d1) -> (0, 0, 0)>
module attributes {stable_mosaic.version = 14 : i64} {
  func.func @k(%arg0: i32, %arg1: i32, %arg2: memref<10112x128xf32, #tpu.memory_space<hbm>>, %arg3: memref<32x74x80xi32, #tpu.memory_space<hbm>>, %arg4: memref<189440x128xf32, #tpu.memory_space<hbm>>, %arg5: memref<10112x128xf32, #tpu.memory_space<vmem_shared>>, %arg6: memref<74x80xi32, #tpu.memory_space<vmem>>, %arg7: memref<80x128xf32, #tpu.memory_space<vmem>>, %arg8: memref<80x128xf32, #tpu.memory_space<vmem>>, %arg9: memref<!tpu.dma_semaphore, #tpu.memory_space<semaphore_mem>>, %arg10: memref<!tpu.dma_semaphore, #tpu.memory_space<semaphore_mem>>, %arg11: memref<!tpu.dma_semaphore, #tpu.memory_space<semaphore_mem>>, %arg12: memref<!tpu.dma_semaphore, #tpu.memory_space<semaphore_mem>>) attributes {dimension_semantics = [#tpu.dimension_semantics<core_parallel>, #tpu.dimension_semantics<subcore_parallel>], iteration_bounds = array<i64: 2, 16>, scalar_prefetch = 0 : i64, scratch_operands = 8 : i64, tpu.core_type = #tpu.core_type<sc_vector_subcore>, window_params = [{transform_indices = #map}, {transform_indices = #map1}, {transform_indices = #map}]} {
    %mul3A = arith.constant 2 : i32
    %mul3A_0 = arith.muli %arg1, %mul3A : i32
    %add3A = arith.addi %mul3A_0, %arg0 : i32
    %mul3A_1 = arith.constant 5920 : i32
    %mul3A_2 = arith.muli %add3A, %mul3A_1 : i32
    %mul3A_3 = arith.constant 632 : i32
    %mul3A_4 = arith.muli %arg1, %mul3A_3 : i32
    %mul3A_5 = arith.constant 632 : i32
    %mul3A_6 = arith.muli %arg1, %mul3A_5 : i32
    "tpu.region"() ({
      %run_scoped3A = tpu.sem_alloc : memref<!tpu.dma_semaphore, #tpu.memory_space<semaphore_mem>>
      %dma_start3A_58 = arith.constant 0 : i32
      %dma_start3A_59 = tpu.memref_slice %arg5[%mul3A_6, %dma_start3A_58] : memref<10112x128xf32, #tpu.memory_space<vmem_shared>> -> memref<632x128xf32, #tpu.memory_space<vmem_shared>>
      %dma_start3A_60 = arith.constant 0 : i32
      %dma_start3A_61 = tpu.memref_slice %arg2[%mul3A_4, %dma_start3A_60] : memref<10112x128xf32, #tpu.memory_space<hbm>> -> memref<632x128xf32, #tpu.memory_space<hbm>>
      tpu.enqueue_dma source(%dma_start3A_61 : memref<632x128xf32, #tpu.memory_space<hbm>>) target(%dma_start3A_59 : memref<632x128xf32, #tpu.memory_space<vmem_shared>>) target_semaphore(%run_scoped3A : memref<!tpu.dma_semaphore, #tpu.memory_space<semaphore_mem>>)
      %dma_wait3A_62 = arith.constant 0 : i32
      %dma_wait3A_63 = tpu.memref_slice %arg5[%mul3A_6, %dma_wait3A_62] : memref<10112x128xf32, #tpu.memory_space<vmem_shared>> -> memref<632x128xf32, #tpu.memory_space<vmem_shared>>
      %dma_wait3A_64 = arith.constant 0 : i32
      %dma_wait3A_65 = tpu.memref_slice %arg2[%mul3A_4, %dma_wait3A_64] : memref<10112x128xf32, #tpu.memory_space<hbm>> -> memref<632x128xf32, #tpu.memory_space<hbm>>
      tpu.wait_dma2 semaphore(%run_scoped3A : memref<!tpu.dma_semaphore, #tpu.memory_space<semaphore_mem>>) src(%dma_wait3A_65 : memref<632x128xf32, #tpu.memory_space<hbm>>) dst(%dma_wait3A_63 : memref<632x128xf32, #tpu.memory_space<vmem_shared>>)
      tpu.yield
    }) : () -> ()
    "tpu.region"() ({
      %run_scoped3A = tpu.sem_alloc : memref<!tpu.dma_semaphore, #tpu.memory_space<semaphore_mem>>
      %dma_start3A_58 = arith.constant 0 : i32
      %dma_start3A_59 = arith.constant 0 : i32
      %dma_start3A_60 = tpu.memref_slice %arg3[%add3A, %dma_start3A_58, %dma_start3A_59] : memref<32x74x80xi32, #tpu.memory_space<hbm>> -> memref<1x74x80xi32, #tpu.memory_space<hbm>>
      %dma_start3A_61 = tpu.memref_squeeze %dma_start3A_60 : memref<1x74x80xi32, #tpu.memory_space<hbm>> -> memref<74x80xi32, #tpu.memory_space<hbm>>
      %dma_start3A_62 = arith.constant 0 : i32
      %dma_start3A_63 = arith.constant 0 : i32
      %dma_start3A_64 = tpu.memref_slice %arg3[%add3A, %dma_start3A_62, %dma_start3A_63] : memref<32x74x80xi32, #tpu.memory_space<hbm>> -> memref<1x74x80xi32, #tpu.memory_space<hbm>>
      %dma_start3A_65 = tpu.memref_squeeze %dma_start3A_64 : memref<1x74x80xi32, #tpu.memory_space<hbm>> -> memref<74x80xi32, #tpu.memory_space<hbm>>
      tpu.enqueue_dma source(%dma_start3A_65 : memref<74x80xi32, #tpu.memory_space<hbm>>) target(%arg6 : memref<74x80xi32, #tpu.memory_space<vmem>>) target_semaphore(%run_scoped3A : memref<!tpu.dma_semaphore, #tpu.memory_space<semaphore_mem>>)
      %dma_wait3A_66 = arith.constant 0 : i32
      %dma_wait3A_67 = arith.constant 0 : i32
      %dma_wait3A_68 = tpu.memref_slice %arg3[%add3A, %dma_wait3A_66, %dma_wait3A_67] : memref<32x74x80xi32, #tpu.memory_space<hbm>> -> memref<1x74x80xi32, #tpu.memory_space<hbm>>
      %dma_wait3A_69 = tpu.memref_squeeze %dma_wait3A_68 : memref<1x74x80xi32, #tpu.memory_space<hbm>> -> memref<74x80xi32, #tpu.memory_space<hbm>>
      %dma_wait3A_70 = arith.constant 0 : i32
      %dma_wait3A_71 = arith.constant 0 : i32
      %dma_wait3A_72 = tpu.memref_slice %arg3[%add3A, %dma_wait3A_70, %dma_wait3A_71] : memref<32x74x80xi32, #tpu.memory_space<hbm>> -> memref<1x74x80xi32, #tpu.memory_space<hbm>>
      %dma_wait3A_73 = tpu.memref_squeeze %dma_wait3A_72 : memref<1x74x80xi32, #tpu.memory_space<hbm>> -> memref<74x80xi32, #tpu.memory_space<hbm>>
      tpu.wait_dma2 semaphore(%run_scoped3A : memref<!tpu.dma_semaphore, #tpu.memory_space<semaphore_mem>>) src(%dma_wait3A_73 : memref<74x80xi32, #tpu.memory_space<hbm>>) dst(%arg6 : memref<74x80xi32, #tpu.memory_space<vmem>>)
      tpu.yield
    }) : () -> ()
    %barrier3A = arith.constant 0 : index
    tpu.barrier barrier_id(%barrier3A)
    %dma_start3A = arith.constant 0 : i32
    %dma_start3A_7 = arith.constant 0 : i32
    %dma_start3A_8 = tpu.memref_slice %arg6[%dma_start3A, %dma_start3A_7] : memref<74x80xi32, #tpu.memory_space<vmem>> -> memref<1x80xi32, #tpu.memory_space<vmem>>
    %dma_start3A_9 = tpu.memref_squeeze %dma_start3A_8 : memref<1x80xi32, #tpu.memory_space<vmem>> -> memref<80xi32, #tpu.memory_space<vmem>>
    %dma_start3A_10 = arith.constant 0 : i32
    %dma_start3A_11 = arith.constant 0 : i32
    %dma_start3A_12 = tpu.memref_slice %arg5[%dma_start3A_10, %dma_start3A_11] : memref<10112x128xf32, #tpu.memory_space<vmem_shared>> -> memref<10112x128xf32, #tpu.memory_space<vmem_shared>>
    tpu.enqueue_indirect_dma source(%dma_start3A_12 : memref<10112x128xf32, #tpu.memory_space<vmem_shared>>) target(%arg7 : memref<80x128xf32, #tpu.memory_space<vmem>>) offsets(%dma_start3A_9 : memref<80xi32, #tpu.memory_space<vmem>>) semaphore(%arg9 : memref<!tpu.dma_semaphore, #tpu.memory_space<semaphore_mem>>)
    %dma_start3A_13 = arith.constant 1 : i32
    %dma_start3A_14 = arith.constant 0 : i32
    %dma_start3A_15 = tpu.memref_slice %arg6[%dma_start3A_13, %dma_start3A_14] : memref<74x80xi32, #tpu.memory_space<vmem>> -> memref<1x80xi32, #tpu.memory_space<vmem>>
    %dma_start3A_16 = tpu.memref_squeeze %dma_start3A_15 : memref<1x80xi32, #tpu.memory_space<vmem>> -> memref<80xi32, #tpu.memory_space<vmem>>
    %dma_start3A_17 = arith.constant 0 : i32
    %dma_start3A_18 = arith.constant 0 : i32
    %dma_start3A_19 = tpu.memref_slice %arg5[%dma_start3A_17, %dma_start3A_18] : memref<10112x128xf32, #tpu.memory_space<vmem_shared>> -> memref<10112x128xf32, #tpu.memory_space<vmem_shared>>
    tpu.enqueue_indirect_dma source(%dma_start3A_19 : memref<10112x128xf32, #tpu.memory_space<vmem_shared>>) target(%arg8 : memref<80x128xf32, #tpu.memory_space<vmem>>) offsets(%dma_start3A_16 : memref<80xi32, #tpu.memory_space<vmem>>) semaphore(%arg10 : memref<!tpu.dma_semaphore, #tpu.memory_space<semaphore_mem>>)
    %dma_wait3A = arith.constant 0 : i32
    %dma_wait3A_20 = arith.constant 0 : i32
    %dma_wait3A_21 = tpu.memref_slice %arg6[%dma_wait3A, %dma_wait3A_20] : memref<74x80xi32, #tpu.memory_space<vmem>> -> memref<1x80xi32, #tpu.memory_space<vmem>>
    %dma_wait3A_22 = tpu.memref_squeeze %dma_wait3A_21 : memref<1x80xi32, #tpu.memory_space<vmem>> -> memref<80xi32, #tpu.memory_space<vmem>>
    %dma_wait3A_23 = arith.constant 0 : i32
    %dma_wait3A_24 = arith.constant 0 : i32
    %dma_wait3A_25 = tpu.memref_slice %arg5[%dma_wait3A_23, %dma_wait3A_24] : memref<10112x128xf32, #tpu.memory_space<vmem_shared>> -> memref<10112x128xf32, #tpu.memory_space<vmem_shared>>
    tpu.wait_indirect_dma semaphore(%arg9 : memref<!tpu.dma_semaphore, #tpu.memory_space<semaphore_mem>>) src(%dma_wait3A_25 : memref<10112x128xf32, #tpu.memory_space<vmem_shared>>) dst(%arg7 : memref<80x128xf32, #tpu.memory_space<vmem>>)
    %add3A_26 = arith.constant 0 : i32
    %add3A_27 = arith.addi %mul3A_2, %add3A_26 : i32
    %dma_start3A_28 = arith.constant 0 : i32
    %dma_start3A_29 = tpu.memref_slice %arg4[%add3A_27, %dma_start3A_28] : memref<189440x128xf32, #tpu.memory_space<hbm>> -> memref<80x128xf32, #tpu.memory_space<hbm>>
    %dma_start3A_30 = arith.constant 0 : i32
    %dma_start3A_31 = tpu.memref_slice %arg4[%add3A_27, %dma_start3A_30] : memref<189440x128xf32, #tpu.memory_space<hbm>> -> memref<80x128xf32, #tpu.memory_space<hbm>>
    tpu.enqueue_dma source(%arg7 : memref<80x128xf32, #tpu.memory_space<vmem>>) target(%dma_start3A_31 : memref<80x128xf32, #tpu.memory_space<hbm>>) target_semaphore(%arg11 : memref<!tpu.dma_semaphore, #tpu.memory_space<semaphore_mem>>)
    %dma_wait3A_32 = arith.constant 0 : i32
    %dma_wait3A_33 = arith.constant 0 : i32
    %dma_wait3A_34 = tpu.memref_slice %arg6[%dma_wait3A_32, %dma_wait3A_33] : memref<74x80xi32, #tpu.memory_space<vmem>> -> memref<1x80xi32, #tpu.memory_space<vmem>>
    %dma_wait3A_35 = tpu.memref_squeeze %dma_wait3A_34 : memref<1x80xi32, #tpu.memory_space<vmem>> -> memref<80xi32, #tpu.memory_space<vmem>>
    %dma_wait3A_36 = arith.constant 0 : i32
    %dma_wait3A_37 = arith.constant 0 : i32
    %dma_wait3A_38 = tpu.memref_slice %arg5[%dma_wait3A_36, %dma_wait3A_37] : memref<10112x128xf32, #tpu.memory_space<vmem_shared>> -> memref<10112x128xf32, #tpu.memory_space<vmem_shared>>
    tpu.wait_indirect_dma semaphore(%arg10 : memref<!tpu.dma_semaphore, #tpu.memory_space<semaphore_mem>>) src(%dma_wait3A_38 : memref<10112x128xf32, #tpu.memory_space<vmem_shared>>) dst(%arg8 : memref<80x128xf32, #tpu.memory_space<vmem>>)
    %add3A_39 = arith.constant 80 : i32
    %add3A_40 = arith.addi %mul3A_2, %add3A_39 : i32
    %dma_start3A_41 = arith.constant 0 : i32
    %dma_start3A_42 = tpu.memref_slice %arg4[%add3A_40, %dma_start3A_41] : memref<189440x128xf32, #tpu.memory_space<hbm>> -> memref<80x128xf32, #tpu.memory_space<hbm>>
    %dma_start3A_43 = arith.constant 0 : i32
    %dma_start3A_44 = tpu.memref_slice %arg4[%add3A_40, %dma_start3A_43] : memref<189440x128xf32, #tpu.memory_space<hbm>> -> memref<80x128xf32, #tpu.memory_space<hbm>>
    tpu.enqueue_dma source(%arg8 : memref<80x128xf32, #tpu.memory_space<vmem>>) target(%dma_start3A_44 : memref<80x128xf32, #tpu.memory_space<hbm>>) target_semaphore(%arg12 : memref<!tpu.dma_semaphore, #tpu.memory_space<semaphore_mem>>)
    %scan3A = arith.constant 0 : i32
    %scan3A_45 = arith.constant 1 : i32
    %scan3A_46 = arith.constant 36 : i32
    %scan3A_47 = arith.addi %scan3A_45, %scan3A_46 : i32
    %scan3A_48 = arith.constant 1 : i32
    scf.for %scan3A_58 = %scan3A_45 to %scan3A_47 step %scan3A_48  : i32 {
      %mul3A_59 = arith.constant 2 : i32
      %mul3A_60 = arith.muli %mul3A_59, %scan3A_58 : i32
      %dma_wait3A_61 = arith.constant 0 : i32
      %dma_wait3A_62 = tpu.memref_slice %arg4[%mul3A_2, %dma_wait3A_61] : memref<189440x128xf32, #tpu.memory_space<hbm>> -> memref<80x128xf32, #tpu.memory_space<hbm>>
      %dma_wait3A_63 = arith.constant 0 : i32
      %dma_wait3A_64 = tpu.memref_slice %arg4[%mul3A_2, %dma_wait3A_63] : memref<189440x128xf32, #tpu.memory_space<hbm>> -> memref<80x128xf32, #tpu.memory_space<hbm>>
      tpu.wait_dma2 semaphore(%arg11 : memref<!tpu.dma_semaphore, #tpu.memory_space<semaphore_mem>>) src(%arg7 : memref<80x128xf32, #tpu.memory_space<vmem>>) dst(%dma_wait3A_64 : memref<80x128xf32, #tpu.memory_space<hbm>>)
      %dma_start3A_65 = arith.constant 0 : i32
      %dma_start3A_66 = tpu.memref_slice %arg6[%mul3A_60, %dma_start3A_65] : memref<74x80xi32, #tpu.memory_space<vmem>> -> memref<1x80xi32, #tpu.memory_space<vmem>>
      %dma_start3A_67 = tpu.memref_squeeze %dma_start3A_66 : memref<1x80xi32, #tpu.memory_space<vmem>> -> memref<80xi32, #tpu.memory_space<vmem>>
      %dma_start3A_68 = arith.constant 0 : i32
      %dma_start3A_69 = arith.constant 0 : i32
      %dma_start3A_70 = tpu.memref_slice %arg5[%dma_start3A_68, %dma_start3A_69] : memref<10112x128xf32, #tpu.memory_space<vmem_shared>> -> memref<10112x128xf32, #tpu.memory_space<vmem_shared>>
      tpu.enqueue_indirect_dma source(%dma_start3A_70 : memref<10112x128xf32, #tpu.memory_space<vmem_shared>>) target(%arg7 : memref<80x128xf32, #tpu.memory_space<vmem>>) offsets(%dma_start3A_67 : memref<80xi32, #tpu.memory_space<vmem>>) semaphore(%arg9 : memref<!tpu.dma_semaphore, #tpu.memory_space<semaphore_mem>>)
      %dma_wait3A_71 = arith.constant 0 : i32
      %dma_wait3A_72 = tpu.memref_slice %arg4[%mul3A_2, %dma_wait3A_71] : memref<189440x128xf32, #tpu.memory_space<hbm>> -> memref<80x128xf32, #tpu.memory_space<hbm>>
      %dma_wait3A_73 = arith.constant 0 : i32
      %dma_wait3A_74 = tpu.memref_slice %arg4[%mul3A_2, %dma_wait3A_73] : memref<189440x128xf32, #tpu.memory_space<hbm>> -> memref<80x128xf32, #tpu.memory_space<hbm>>
      tpu.wait_dma2 semaphore(%arg12 : memref<!tpu.dma_semaphore, #tpu.memory_space<semaphore_mem>>) src(%arg8 : memref<80x128xf32, #tpu.memory_space<vmem>>) dst(%dma_wait3A_74 : memref<80x128xf32, #tpu.memory_space<hbm>>)
      %add3A_75 = arith.constant 1 : i32
      %add3A_76 = arith.addi %mul3A_60, %add3A_75 : i32
      %dma_start3A_77 = arith.constant 0 : i32
      %dma_start3A_78 = tpu.memref_slice %arg6[%add3A_76, %dma_start3A_77] : memref<74x80xi32, #tpu.memory_space<vmem>> -> memref<1x80xi32, #tpu.memory_space<vmem>>
      %dma_start3A_79 = tpu.memref_squeeze %dma_start3A_78 : memref<1x80xi32, #tpu.memory_space<vmem>> -> memref<80xi32, #tpu.memory_space<vmem>>
      %dma_start3A_80 = arith.constant 0 : i32
      %dma_start3A_81 = arith.constant 0 : i32
      %dma_start3A_82 = tpu.memref_slice %arg5[%dma_start3A_80, %dma_start3A_81] : memref<10112x128xf32, #tpu.memory_space<vmem_shared>> -> memref<10112x128xf32, #tpu.memory_space<vmem_shared>>
      tpu.enqueue_indirect_dma source(%dma_start3A_82 : memref<10112x128xf32, #tpu.memory_space<vmem_shared>>) target(%arg8 : memref<80x128xf32, #tpu.memory_space<vmem>>) offsets(%dma_start3A_79 : memref<80xi32, #tpu.memory_space<vmem>>) semaphore(%arg10 : memref<!tpu.dma_semaphore, #tpu.memory_space<semaphore_mem>>)
      %dma_wait3A_83 = arith.constant 0 : i32
      %dma_wait3A_84 = arith.constant 0 : i32
      %dma_wait3A_85 = tpu.memref_slice %arg6[%dma_wait3A_83, %dma_wait3A_84] : memref<74x80xi32, #tpu.memory_space<vmem>> -> memref<1x80xi32, #tpu.memory_space<vmem>>
      %dma_wait3A_86 = tpu.memref_squeeze %dma_wait3A_85 : memref<1x80xi32, #tpu.memory_space<vmem>> -> memref<80xi32, #tpu.memory_space<vmem>>
      %dma_wait3A_87 = arith.constant 0 : i32
      %dma_wait3A_88 = arith.constant 0 : i32
      %dma_wait3A_89 = tpu.memref_slice %arg5[%dma_wait3A_87, %dma_wait3A_88] : memref<10112x128xf32, #tpu.memory_space<vmem_shared>> -> memref<10112x128xf32, #tpu.memory_space<vmem_shared>>
      tpu.wait_indirect_dma semaphore(%arg9 : memref<!tpu.dma_semaphore, #tpu.memory_space<semaphore_mem>>) src(%dma_wait3A_89 : memref<10112x128xf32, #tpu.memory_space<vmem_shared>>) dst(%arg7 : memref<80x128xf32, #tpu.memory_space<vmem>>)
      %mul3A_90 = arith.constant 80 : i32
      %mul3A_91 = arith.muli %mul3A_60, %mul3A_90 : i32
      %add3A_92 = arith.addi %mul3A_2, %mul3A_91 : i32
      %dma_start3A_93 = arith.constant 0 : i32
      %dma_start3A_94 = tpu.memref_slice %arg4[%add3A_92, %dma_start3A_93] : memref<189440x128xf32, #tpu.memory_space<hbm>> -> memref<80x128xf32, #tpu.memory_space<hbm>>
      %dma_start3A_95 = arith.constant 0 : i32
      %dma_start3A_96 = tpu.memref_slice %arg4[%add3A_92, %dma_start3A_95] : memref<189440x128xf32, #tpu.memory_space<hbm>> -> memref<80x128xf32, #tpu.memory_space<hbm>>
      tpu.enqueue_dma source(%arg7 : memref<80x128xf32, #tpu.memory_space<vmem>>) target(%dma_start3A_96 : memref<80x128xf32, #tpu.memory_space<hbm>>) target_semaphore(%arg11 : memref<!tpu.dma_semaphore, #tpu.memory_space<semaphore_mem>>)
      %dma_wait3A_97 = arith.constant 0 : i32
      %dma_wait3A_98 = arith.constant 0 : i32
      %dma_wait3A_99 = tpu.memref_slice %arg6[%dma_wait3A_97, %dma_wait3A_98] : memref<74x80xi32, #tpu.memory_space<vmem>> -> memref<1x80xi32, #tpu.memory_space<vmem>>
      %dma_wait3A_100 = tpu.memref_squeeze %dma_wait3A_99 : memref<1x80xi32, #tpu.memory_space<vmem>> -> memref<80xi32, #tpu.memory_space<vmem>>
      %dma_wait3A_101 = arith.constant 0 : i32
      %dma_wait3A_102 = arith.constant 0 : i32
      %dma_wait3A_103 = tpu.memref_slice %arg5[%dma_wait3A_101, %dma_wait3A_102] : memref<10112x128xf32, #tpu.memory_space<vmem_shared>> -> memref<10112x128xf32, #tpu.memory_space<vmem_shared>>
      tpu.wait_indirect_dma semaphore(%arg10 : memref<!tpu.dma_semaphore, #tpu.memory_space<semaphore_mem>>) src(%dma_wait3A_103 : memref<10112x128xf32, #tpu.memory_space<vmem_shared>>) dst(%arg8 : memref<80x128xf32, #tpu.memory_space<vmem>>)
      %add3A_104 = arith.constant 1 : i32
      %add3A_105 = arith.addi %mul3A_60, %add3A_104 : i32
      %mul3A_106 = arith.constant 80 : i32
      %mul3A_107 = arith.muli %add3A_105, %mul3A_106 : i32
      %add3A_108 = arith.addi %mul3A_2, %mul3A_107 : i32
      %dma_start3A_109 = arith.constant 0 : i32
      %dma_start3A_110 = tpu.memref_slice %arg4[%add3A_108, %dma_start3A_109] : memref<189440x128xf32, #tpu.memory_space<hbm>> -> memref<80x128xf32, #tpu.memory_space<hbm>>
      %dma_start3A_111 = arith.constant 0 : i32
      %dma_start3A_112 = tpu.memref_slice %arg4[%add3A_108, %dma_start3A_111] : memref<189440x128xf32, #tpu.memory_space<hbm>> -> memref<80x128xf32, #tpu.memory_space<hbm>>
      tpu.enqueue_dma source(%arg8 : memref<80x128xf32, #tpu.memory_space<vmem>>) target(%dma_start3A_112 : memref<80x128xf32, #tpu.memory_space<hbm>>) target_semaphore(%arg12 : memref<!tpu.dma_semaphore, #tpu.memory_space<semaphore_mem>>)
    }
    %scan3A_49 = arith.constant 36 : i32
    %dma_wait3A_50 = arith.constant 0 : i32
    %dma_wait3A_51 = tpu.memref_slice %arg4[%mul3A_2, %dma_wait3A_50] : memref<189440x128xf32, #tpu.memory_space<hbm>> -> memref<80x128xf32, #tpu.memory_space<hbm>>
    %dma_wait3A_52 = arith.constant 0 : i32
    %dma_wait3A_53 = tpu.memref_slice %arg4[%mul3A_2, %dma_wait3A_52] : memref<189440x128xf32, #tpu.memory_space<hbm>> -> memref<80x128xf32, #tpu.memory_space<hbm>>
    tpu.wait_dma2 semaphore(%arg11 : memref<!tpu.dma_semaphore, #tpu.memory_space<semaphore_mem>>) src(%arg7 : memref<80x128xf32, #tpu.memory_space<vmem>>) dst(%dma_wait3A_53 : memref<80x128xf32, #tpu.memory_space<hbm>>)
    %dma_wait3A_54 = arith.constant 0 : i32
    %dma_wait3A_55 = tpu.memref_slice %arg4[%mul3A_2, %dma_wait3A_54] : memref<189440x128xf32, #tpu.memory_space<hbm>> -> memref<80x128xf32, #tpu.memory_space<hbm>>
    %dma_wait3A_56 = arith.constant 0 : i32
    %dma_wait3A_57 = tpu.memref_slice %arg4[%mul3A_2, %dma_wait3A_56] : memref<189440x128xf32, #tpu.memory_space<hbm>> -> memref<80x128xf32, #tpu.memory_space<hbm>>
    tpu.wait_dma2 semaphore(%arg12 : memref<!tpu.dma_semaphore, #tpu.memory_space<semaphore_mem>>) src(%arg8 : memref<80x128xf32, #tpu.memory_space<vmem>>) dst(%dma_wait3A_57 : memref<80x128xf32, #tpu.memory_space<hbm>>)
    return
  }
}

#map = affine_map<(d0, d1) -> (0, 0)>
#map1 = affine_map<(d0, d1) -> (0, 0, 0)>
module attributes {stable_mosaic.version = 14 : i64} {
  func.func @k(%arg0: i32, %arg1: i32, %arg2: memref<10112x128xf32, #tpu.memory_space<hbm>>, %arg3: memref<32x60x80xi32, #tpu.memory_space<hbm>>, %arg4: memref<153600x128xf32, #tpu.memory_space<hbm>>, %arg5: memref<10112x128xf32, #tpu.memory_space<vmem_shared>>, %arg6: memref<60x80xi32, #tpu.memory_space<vmem>>, %arg7: memref<80x128xf32, #tpu.memory_space<vmem>>, %arg8: memref<80x128xf32, #tpu.memory_space<vmem>>, %arg9: memref<!tpu.dma_semaphore, #tpu.memory_space<semaphore_mem>>, %arg10: memref<!tpu.dma_semaphore, #tpu.memory_space<semaphore_mem>>, %arg11: memref<!tpu.dma_semaphore, #tpu.memory_space<semaphore_mem>>, %arg12: memref<!tpu.dma_semaphore, #tpu.memory_space<semaphore_mem>>) attributes {dimension_semantics = [#tpu.dimension_semantics<core_parallel>, #tpu.dimension_semantics<subcore_parallel>], iteration_bounds = array<i64: 2, 16>, scalar_prefetch = 0 : i64, scratch_operands = 8 : i64, tpu.core_type = #tpu.core_type<sc_vector_subcore>, window_params = [{transform_indices = #map}, {transform_indices = #map1}, {transform_indices = #map}]} {
    %mul3A = arith.constant 2 : i32
    %mul3A_0 = arith.muli %arg1, %mul3A : i32
    %add3A = arith.addi %mul3A_0, %arg0 : i32
    %mul3A_1 = arith.constant 4800 : i32
    %mul3A_2 = arith.muli %add3A, %mul3A_1 : i32
    %mul3A_3 = arith.constant 632 : i32
    %mul3A_4 = arith.muli %arg1, %mul3A_3 : i32
    %mul3A_5 = arith.constant 632 : i32
    %mul3A_6 = arith.muli %arg1, %mul3A_5 : i32
    "tpu.region"() ({
      %run_scoped3A = tpu.sem_alloc : memref<!tpu.dma_semaphore, #tpu.memory_space<semaphore_mem>>
      %dma_start3A_58 = arith.constant 0 : i32
      %dma_start3A_59 = tpu.memref_slice %arg5[%mul3A_6, %dma_start3A_58] : memref<10112x128xf32, #tpu.memory_space<vmem_shared>> -> memref<632x128xf32, #tpu.memory_space<vmem_shared>>
      %dma_start3A_60 = arith.constant 0 : i32
      %dma_start3A_61 = tpu.memref_slice %arg2[%mul3A_4, %dma_start3A_60] : memref<10112x128xf32, #tpu.memory_space<hbm>> -> memref<632x128xf32, #tpu.memory_space<hbm>>
      tpu.enqueue_dma source(%dma_start3A_61 : memref<632x128xf32, #tpu.memory_space<hbm>>) target(%dma_start3A_59 : memref<632x128xf32, #tpu.memory_space<vmem_shared>>) target_semaphore(%run_scoped3A : memref<!tpu.dma_semaphore, #tpu.memory_space<semaphore_mem>>)
      %dma_wait3A_62 = arith.constant 0 : i32
      %dma_wait3A_63 = tpu.memref_slice %arg5[%mul3A_6, %dma_wait3A_62] : memref<10112x128xf32, #tpu.memory_space<vmem_shared>> -> memref<632x128xf32, #tpu.memory_space<vmem_shared>>
      %dma_wait3A_64 = arith.constant 0 : i32
      %dma_wait3A_65 = tpu.memref_slice %arg2[%mul3A_4, %dma_wait3A_64] : memref<10112x128xf32, #tpu.memory_space<hbm>> -> memref<632x128xf32, #tpu.memory_space<hbm>>
      tpu.wait_dma2 semaphore(%run_scoped3A : memref<!tpu.dma_semaphore, #tpu.memory_space<semaphore_mem>>) src(%dma_wait3A_65 : memref<632x128xf32, #tpu.memory_space<hbm>>) dst(%dma_wait3A_63 : memref<632x128xf32, #tpu.memory_space<vmem_shared>>)
      tpu.yield
    }) : () -> ()
    "tpu.region"() ({
      %run_scoped3A = tpu.sem_alloc : memref<!tpu.dma_semaphore, #tpu.memory_space<semaphore_mem>>
      %dma_start3A_58 = arith.constant 0 : i32
      %dma_start3A_59 = arith.constant 0 : i32
      %dma_start3A_60 = tpu.memref_slice %arg3[%add3A, %dma_start3A_58, %dma_start3A_59] : memref<32x60x80xi32, #tpu.memory_space<hbm>> -> memref<1x60x80xi32, #tpu.memory_space<hbm>>
      %dma_start3A_61 = tpu.memref_squeeze %dma_start3A_60 : memref<1x60x80xi32, #tpu.memory_space<hbm>> -> memref<60x80xi32, #tpu.memory_space<hbm>>
      %dma_start3A_62 = arith.constant 0 : i32
      %dma_start3A_63 = arith.constant 0 : i32
      %dma_start3A_64 = tpu.memref_slice %arg3[%add3A, %dma_start3A_62, %dma_start3A_63] : memref<32x60x80xi32, #tpu.memory_space<hbm>> -> memref<1x60x80xi32, #tpu.memory_space<hbm>>
      %dma_start3A_65 = tpu.memref_squeeze %dma_start3A_64 : memref<1x60x80xi32, #tpu.memory_space<hbm>> -> memref<60x80xi32, #tpu.memory_space<hbm>>
      tpu.enqueue_dma source(%dma_start3A_65 : memref<60x80xi32, #tpu.memory_space<hbm>>) target(%arg6 : memref<60x80xi32, #tpu.memory_space<vmem>>) target_semaphore(%run_scoped3A : memref<!tpu.dma_semaphore, #tpu.memory_space<semaphore_mem>>)
      %dma_wait3A_66 = arith.constant 0 : i32
      %dma_wait3A_67 = arith.constant 0 : i32
      %dma_wait3A_68 = tpu.memref_slice %arg3[%add3A, %dma_wait3A_66, %dma_wait3A_67] : memref<32x60x80xi32, #tpu.memory_space<hbm>> -> memref<1x60x80xi32, #tpu.memory_space<hbm>>
      %dma_wait3A_69 = tpu.memref_squeeze %dma_wait3A_68 : memref<1x60x80xi32, #tpu.memory_space<hbm>> -> memref<60x80xi32, #tpu.memory_space<hbm>>
      %dma_wait3A_70 = arith.constant 0 : i32
      %dma_wait3A_71 = arith.constant 0 : i32
      %dma_wait3A_72 = tpu.memref_slice %arg3[%add3A, %dma_wait3A_70, %dma_wait3A_71] : memref<32x60x80xi32, #tpu.memory_space<hbm>> -> memref<1x60x80xi32, #tpu.memory_space<hbm>>
      %dma_wait3A_73 = tpu.memref_squeeze %dma_wait3A_72 : memref<1x60x80xi32, #tpu.memory_space<hbm>> -> memref<60x80xi32, #tpu.memory_space<hbm>>
      tpu.wait_dma2 semaphore(%run_scoped3A : memref<!tpu.dma_semaphore, #tpu.memory_space<semaphore_mem>>) src(%dma_wait3A_73 : memref<60x80xi32, #tpu.memory_space<hbm>>) dst(%arg6 : memref<60x80xi32, #tpu.memory_space<vmem>>)
      tpu.yield
    }) : () -> ()
    %barrier3A = arith.constant 0 : index
    tpu.barrier barrier_id(%barrier3A)
    %dma_start3A = arith.constant 0 : i32
    %dma_start3A_7 = arith.constant 0 : i32
    %dma_start3A_8 = tpu.memref_slice %arg6[%dma_start3A, %dma_start3A_7] : memref<60x80xi32, #tpu.memory_space<vmem>> -> memref<1x80xi32, #tpu.memory_space<vmem>>
    %dma_start3A_9 = tpu.memref_squeeze %dma_start3A_8 : memref<1x80xi32, #tpu.memory_space<vmem>> -> memref<80xi32, #tpu.memory_space<vmem>>
    %dma_start3A_10 = arith.constant 0 : i32
    %dma_start3A_11 = arith.constant 0 : i32
    %dma_start3A_12 = tpu.memref_slice %arg5[%dma_start3A_10, %dma_start3A_11] : memref<10112x128xf32, #tpu.memory_space<vmem_shared>> -> memref<10112x128xf32, #tpu.memory_space<vmem_shared>>
    tpu.enqueue_indirect_dma source(%dma_start3A_12 : memref<10112x128xf32, #tpu.memory_space<vmem_shared>>) target(%arg7 : memref<80x128xf32, #tpu.memory_space<vmem>>) offsets(%dma_start3A_9 : memref<80xi32, #tpu.memory_space<vmem>>) semaphore(%arg9 : memref<!tpu.dma_semaphore, #tpu.memory_space<semaphore_mem>>)
    %dma_start3A_13 = arith.constant 1 : i32
    %dma_start3A_14 = arith.constant 0 : i32
    %dma_start3A_15 = tpu.memref_slice %arg6[%dma_start3A_13, %dma_start3A_14] : memref<60x80xi32, #tpu.memory_space<vmem>> -> memref<1x80xi32, #tpu.memory_space<vmem>>
    %dma_start3A_16 = tpu.memref_squeeze %dma_start3A_15 : memref<1x80xi32, #tpu.memory_space<vmem>> -> memref<80xi32, #tpu.memory_space<vmem>>
    %dma_start3A_17 = arith.constant 0 : i32
    %dma_start3A_18 = arith.constant 0 : i32
    %dma_start3A_19 = tpu.memref_slice %arg5[%dma_start3A_17, %dma_start3A_18] : memref<10112x128xf32, #tpu.memory_space<vmem_shared>> -> memref<10112x128xf32, #tpu.memory_space<vmem_shared>>
    tpu.enqueue_indirect_dma source(%dma_start3A_19 : memref<10112x128xf32, #tpu.memory_space<vmem_shared>>) target(%arg8 : memref<80x128xf32, #tpu.memory_space<vmem>>) offsets(%dma_start3A_16 : memref<80xi32, #tpu.memory_space<vmem>>) semaphore(%arg10 : memref<!tpu.dma_semaphore, #tpu.memory_space<semaphore_mem>>)
    %dma_wait3A = arith.constant 0 : i32
    %dma_wait3A_20 = arith.constant 0 : i32
    %dma_wait3A_21 = tpu.memref_slice %arg6[%dma_wait3A, %dma_wait3A_20] : memref<60x80xi32, #tpu.memory_space<vmem>> -> memref<1x80xi32, #tpu.memory_space<vmem>>
    %dma_wait3A_22 = tpu.memref_squeeze %dma_wait3A_21 : memref<1x80xi32, #tpu.memory_space<vmem>> -> memref<80xi32, #tpu.memory_space<vmem>>
    %dma_wait3A_23 = arith.constant 0 : i32
    %dma_wait3A_24 = arith.constant 0 : i32
    %dma_wait3A_25 = tpu.memref_slice %arg5[%dma_wait3A_23, %dma_wait3A_24] : memref<10112x128xf32, #tpu.memory_space<vmem_shared>> -> memref<10112x128xf32, #tpu.memory_space<vmem_shared>>
    tpu.wait_indirect_dma semaphore(%arg9 : memref<!tpu.dma_semaphore, #tpu.memory_space<semaphore_mem>>) src(%dma_wait3A_25 : memref<10112x128xf32, #tpu.memory_space<vmem_shared>>) dst(%arg7 : memref<80x128xf32, #tpu.memory_space<vmem>>)
    %add3A_26 = arith.constant 0 : i32
    %add3A_27 = arith.addi %mul3A_2, %add3A_26 : i32
    %dma_start3A_28 = arith.constant 0 : i32
    %dma_start3A_29 = tpu.memref_slice %arg4[%add3A_27, %dma_start3A_28] : memref<153600x128xf32, #tpu.memory_space<hbm>> -> memref<80x128xf32, #tpu.memory_space<hbm>>
    %dma_start3A_30 = arith.constant 0 : i32
    %dma_start3A_31 = tpu.memref_slice %arg4[%add3A_27, %dma_start3A_30] : memref<153600x128xf32, #tpu.memory_space<hbm>> -> memref<80x128xf32, #tpu.memory_space<hbm>>
    tpu.enqueue_dma source(%arg7 : memref<80x128xf32, #tpu.memory_space<vmem>>) target(%dma_start3A_31 : memref<80x128xf32, #tpu.memory_space<hbm>>) target_semaphore(%arg11 : memref<!tpu.dma_semaphore, #tpu.memory_space<semaphore_mem>>)
    %dma_wait3A_32 = arith.constant 0 : i32
    %dma_wait3A_33 = arith.constant 0 : i32
    %dma_wait3A_34 = tpu.memref_slice %arg6[%dma_wait3A_32, %dma_wait3A_33] : memref<60x80xi32, #tpu.memory_space<vmem>> -> memref<1x80xi32, #tpu.memory_space<vmem>>
    %dma_wait3A_35 = tpu.memref_squeeze %dma_wait3A_34 : memref<1x80xi32, #tpu.memory_space<vmem>> -> memref<80xi32, #tpu.memory_space<vmem>>
    %dma_wait3A_36 = arith.constant 0 : i32
    %dma_wait3A_37 = arith.constant 0 : i32
    %dma_wait3A_38 = tpu.memref_slice %arg5[%dma_wait3A_36, %dma_wait3A_37] : memref<10112x128xf32, #tpu.memory_space<vmem_shared>> -> memref<10112x128xf32, #tpu.memory_space<vmem_shared>>
    tpu.wait_indirect_dma semaphore(%arg10 : memref<!tpu.dma_semaphore, #tpu.memory_space<semaphore_mem>>) src(%dma_wait3A_38 : memref<10112x128xf32, #tpu.memory_space<vmem_shared>>) dst(%arg8 : memref<80x128xf32, #tpu.memory_space<vmem>>)
    %add3A_39 = arith.constant 80 : i32
    %add3A_40 = arith.addi %mul3A_2, %add3A_39 : i32
    %dma_start3A_41 = arith.constant 0 : i32
    %dma_start3A_42 = tpu.memref_slice %arg4[%add3A_40, %dma_start3A_41] : memref<153600x128xf32, #tpu.memory_space<hbm>> -> memref<80x128xf32, #tpu.memory_space<hbm>>
    %dma_start3A_43 = arith.constant 0 : i32
    %dma_start3A_44 = tpu.memref_slice %arg4[%add3A_40, %dma_start3A_43] : memref<153600x128xf32, #tpu.memory_space<hbm>> -> memref<80x128xf32, #tpu.memory_space<hbm>>
    tpu.enqueue_dma source(%arg8 : memref<80x128xf32, #tpu.memory_space<vmem>>) target(%dma_start3A_44 : memref<80x128xf32, #tpu.memory_space<hbm>>) target_semaphore(%arg12 : memref<!tpu.dma_semaphore, #tpu.memory_space<semaphore_mem>>)
    %scan3A = arith.constant 0 : i32
    %scan3A_45 = arith.constant 1 : i32
    %scan3A_46 = arith.constant 29 : i32
    %scan3A_47 = arith.addi %scan3A_45, %scan3A_46 : i32
    %scan3A_48 = arith.constant 1 : i32
    scf.for %scan3A_58 = %scan3A_45 to %scan3A_47 step %scan3A_48  : i32 {
      %mul3A_59 = arith.constant 2 : i32
      %mul3A_60 = arith.muli %mul3A_59, %scan3A_58 : i32
      %dma_wait3A_61 = arith.constant 0 : i32
      %dma_wait3A_62 = tpu.memref_slice %arg4[%mul3A_2, %dma_wait3A_61] : memref<153600x128xf32, #tpu.memory_space<hbm>> -> memref<80x128xf32, #tpu.memory_space<hbm>>
      %dma_wait3A_63 = arith.constant 0 : i32
      %dma_wait3A_64 = tpu.memref_slice %arg4[%mul3A_2, %dma_wait3A_63] : memref<153600x128xf32, #tpu.memory_space<hbm>> -> memref<80x128xf32, #tpu.memory_space<hbm>>
      tpu.wait_dma2 semaphore(%arg11 : memref<!tpu.dma_semaphore, #tpu.memory_space<semaphore_mem>>) src(%arg7 : memref<80x128xf32, #tpu.memory_space<vmem>>) dst(%dma_wait3A_64 : memref<80x128xf32, #tpu.memory_space<hbm>>)
      %dma_start3A_65 = arith.constant 0 : i32
      %dma_start3A_66 = tpu.memref_slice %arg6[%mul3A_60, %dma_start3A_65] : memref<60x80xi32, #tpu.memory_space<vmem>> -> memref<1x80xi32, #tpu.memory_space<vmem>>
      %dma_start3A_67 = tpu.memref_squeeze %dma_start3A_66 : memref<1x80xi32, #tpu.memory_space<vmem>> -> memref<80xi32, #tpu.memory_space<vmem>>
      %dma_start3A_68 = arith.constant 0 : i32
      %dma_start3A_69 = arith.constant 0 : i32
      %dma_start3A_70 = tpu.memref_slice %arg5[%dma_start3A_68, %dma_start3A_69] : memref<10112x128xf32, #tpu.memory_space<vmem_shared>> -> memref<10112x128xf32, #tpu.memory_space<vmem_shared>>
      tpu.enqueue_indirect_dma source(%dma_start3A_70 : memref<10112x128xf32, #tpu.memory_space<vmem_shared>>) target(%arg7 : memref<80x128xf32, #tpu.memory_space<vmem>>) offsets(%dma_start3A_67 : memref<80xi32, #tpu.memory_space<vmem>>) semaphore(%arg9 : memref<!tpu.dma_semaphore, #tpu.memory_space<semaphore_mem>>)
      %dma_wait3A_71 = arith.constant 0 : i32
      %dma_wait3A_72 = tpu.memref_slice %arg4[%mul3A_2, %dma_wait3A_71] : memref<153600x128xf32, #tpu.memory_space<hbm>> -> memref<80x128xf32, #tpu.memory_space<hbm>>
      %dma_wait3A_73 = arith.constant 0 : i32
      %dma_wait3A_74 = tpu.memref_slice %arg4[%mul3A_2, %dma_wait3A_73] : memref<153600x128xf32, #tpu.memory_space<hbm>> -> memref<80x128xf32, #tpu.memory_space<hbm>>
      tpu.wait_dma2 semaphore(%arg12 : memref<!tpu.dma_semaphore, #tpu.memory_space<semaphore_mem>>) src(%arg8 : memref<80x128xf32, #tpu.memory_space<vmem>>) dst(%dma_wait3A_74 : memref<80x128xf32, #tpu.memory_space<hbm>>)
      %add3A_75 = arith.constant 1 : i32
      %add3A_76 = arith.addi %mul3A_60, %add3A_75 : i32
      %dma_start3A_77 = arith.constant 0 : i32
      %dma_start3A_78 = tpu.memref_slice %arg6[%add3A_76, %dma_start3A_77] : memref<60x80xi32, #tpu.memory_space<vmem>> -> memref<1x80xi32, #tpu.memory_space<vmem>>
      %dma_start3A_79 = tpu.memref_squeeze %dma_start3A_78 : memref<1x80xi32, #tpu.memory_space<vmem>> -> memref<80xi32, #tpu.memory_space<vmem>>
      %dma_start3A_80 = arith.constant 0 : i32
      %dma_start3A_81 = arith.constant 0 : i32
      %dma_start3A_82 = tpu.memref_slice %arg5[%dma_start3A_80, %dma_start3A_81] : memref<10112x128xf32, #tpu.memory_space<vmem_shared>> -> memref<10112x128xf32, #tpu.memory_space<vmem_shared>>
      tpu.enqueue_indirect_dma source(%dma_start3A_82 : memref<10112x128xf32, #tpu.memory_space<vmem_shared>>) target(%arg8 : memref<80x128xf32, #tpu.memory_space<vmem>>) offsets(%dma_start3A_79 : memref<80xi32, #tpu.memory_space<vmem>>) semaphore(%arg10 : memref<!tpu.dma_semaphore, #tpu.memory_space<semaphore_mem>>)
      %dma_wait3A_83 = arith.constant 0 : i32
      %dma_wait3A_84 = arith.constant 0 : i32
      %dma_wait3A_85 = tpu.memref_slice %arg6[%dma_wait3A_83, %dma_wait3A_84] : memref<60x80xi32, #tpu.memory_space<vmem>> -> memref<1x80xi32, #tpu.memory_space<vmem>>
      %dma_wait3A_86 = tpu.memref_squeeze %dma_wait3A_85 : memref<1x80xi32, #tpu.memory_space<vmem>> -> memref<80xi32, #tpu.memory_space<vmem>>
      %dma_wait3A_87 = arith.constant 0 : i32
      %dma_wait3A_88 = arith.constant 0 : i32
      %dma_wait3A_89 = tpu.memref_slice %arg5[%dma_wait3A_87, %dma_wait3A_88] : memref<10112x128xf32, #tpu.memory_space<vmem_shared>> -> memref<10112x128xf32, #tpu.memory_space<vmem_shared>>
      tpu.wait_indirect_dma semaphore(%arg9 : memref<!tpu.dma_semaphore, #tpu.memory_space<semaphore_mem>>) src(%dma_wait3A_89 : memref<10112x128xf32, #tpu.memory_space<vmem_shared>>) dst(%arg7 : memref<80x128xf32, #tpu.memory_space<vmem>>)
      %mul3A_90 = arith.constant 80 : i32
      %mul3A_91 = arith.muli %mul3A_60, %mul3A_90 : i32
      %add3A_92 = arith.addi %mul3A_2, %mul3A_91 : i32
      %dma_start3A_93 = arith.constant 0 : i32
      %dma_start3A_94 = tpu.memref_slice %arg4[%add3A_92, %dma_start3A_93] : memref<153600x128xf32, #tpu.memory_space<hbm>> -> memref<80x128xf32, #tpu.memory_space<hbm>>
      %dma_start3A_95 = arith.constant 0 : i32
      %dma_start3A_96 = tpu.memref_slice %arg4[%add3A_92, %dma_start3A_95] : memref<153600x128xf32, #tpu.memory_space<hbm>> -> memref<80x128xf32, #tpu.memory_space<hbm>>
      tpu.enqueue_dma source(%arg7 : memref<80x128xf32, #tpu.memory_space<vmem>>) target(%dma_start3A_96 : memref<80x128xf32, #tpu.memory_space<hbm>>) target_semaphore(%arg11 : memref<!tpu.dma_semaphore, #tpu.memory_space<semaphore_mem>>)
      %dma_wait3A_97 = arith.constant 0 : i32
      %dma_wait3A_98 = arith.constant 0 : i32
      %dma_wait3A_99 = tpu.memref_slice %arg6[%dma_wait3A_97, %dma_wait3A_98] : memref<60x80xi32, #tpu.memory_space<vmem>> -> memref<1x80xi32, #tpu.memory_space<vmem>>
      %dma_wait3A_100 = tpu.memref_squeeze %dma_wait3A_99 : memref<1x80xi32, #tpu.memory_space<vmem>> -> memref<80xi32, #tpu.memory_space<vmem>>
      %dma_wait3A_101 = arith.constant 0 : i32
      %dma_wait3A_102 = arith.constant 0 : i32
      %dma_wait3A_103 = tpu.memref_slice %arg5[%dma_wait3A_101, %dma_wait3A_102] : memref<10112x128xf32, #tpu.memory_space<vmem_shared>> -> memref<10112x128xf32, #tpu.memory_space<vmem_shared>>
      tpu.wait_indirect_dma semaphore(%arg10 : memref<!tpu.dma_semaphore, #tpu.memory_space<semaphore_mem>>) src(%dma_wait3A_103 : memref<10112x128xf32, #tpu.memory_space<vmem_shared>>) dst(%arg8 : memref<80x128xf32, #tpu.memory_space<vmem>>)
      %add3A_104 = arith.constant 1 : i32
      %add3A_105 = arith.addi %mul3A_60, %add3A_104 : i32
      %mul3A_106 = arith.constant 80 : i32
      %mul3A_107 = arith.muli %add3A_105, %mul3A_106 : i32
      %add3A_108 = arith.addi %mul3A_2, %mul3A_107 : i32
      %dma_start3A_109 = arith.constant 0 : i32
      %dma_start3A_110 = tpu.memref_slice %arg4[%add3A_108, %dma_start3A_109] : memref<153600x128xf32, #tpu.memory_space<hbm>> -> memref<80x128xf32, #tpu.memory_space<hbm>>
      %dma_start3A_111 = arith.constant 0 : i32
      %dma_start3A_112 = tpu.memref_slice %arg4[%add3A_108, %dma_start3A_111] : memref<153600x128xf32, #tpu.memory_space<hbm>> -> memref<80x128xf32, #tpu.memory_space<hbm>>
      tpu.enqueue_dma source(%arg8 : memref<80x128xf32, #tpu.memory_space<vmem>>) target(%dma_start3A_112 : memref<80x128xf32, #tpu.memory_space<hbm>>) target_semaphore(%arg12 : memref<!tpu.dma_semaphore, #tpu.memory_space<semaphore_mem>>)
    }
    %scan3A_49 = arith.constant 29 : i32
    %dma_wait3A_50 = arith.constant 0 : i32
    %dma_wait3A_51 = tpu.memref_slice %arg4[%mul3A_2, %dma_wait3A_50] : memref<153600x128xf32, #tpu.memory_space<hbm>> -> memref<80x128xf32, #tpu.memory_space<hbm>>
    %dma_wait3A_52 = arith.constant 0 : i32
    %dma_wait3A_53 = tpu.memref_slice %arg4[%mul3A_2, %dma_wait3A_52] : memref<153600x128xf32, #tpu.memory_space<hbm>> -> memref<80x128xf32, #tpu.memory_space<hbm>>
    tpu.wait_dma2 semaphore(%arg11 : memref<!tpu.dma_semaphore, #tpu.memory_space<semaphore_mem>>) src(%arg7 : memref<80x128xf32, #tpu.memory_space<vmem>>) dst(%dma_wait3A_53 : memref<80x128xf32, #tpu.memory_space<hbm>>)
    %dma_wait3A_54 = arith.constant 0 : i32
    %dma_wait3A_55 = tpu.memref_slice %arg4[%mul3A_2, %dma_wait3A_54] : memref<153600x128xf32, #tpu.memory_space<hbm>> -> memref<80x128xf32, #tpu.memory_space<hbm>>
    %dma_wait3A_56 = arith.constant 0 : i32
    %dma_wait3A_57 = tpu.memref_slice %arg4[%mul3A_2, %dma_wait3A_56] : memref<153600x128xf32, #tpu.memory_space<hbm>> -> memref<80x128xf32, #tpu.memory_space<hbm>>
    tpu.wait_dma2 semaphore(%arg12 : memref<!tpu.dma_semaphore, #tpu.memory_space<semaphore_mem>>) src(%arg8 : memref<80x128xf32, #tpu.memory_space<vmem>>) dst(%dma_wait3A_57 : memref<80x128xf32, #tpu.memory_space<hbm>>)
    return
  }
}

#map = affine_map<(d0, d1) -> (0, 0)>
#map1 = affine_map<(d0, d1) -> (0, 0, 0)>
module attributes {stable_mosaic.version = 14 : i64} {
  func.func @k(%arg0: i32, %arg1: i32, %arg2: memref<10112x128xf32, #tpu.memory_space<hbm>>, %arg3: memref<32x76x80xi32, #tpu.memory_space<hbm>>, %arg4: memref<194560x128xf32, #tpu.memory_space<hbm>>, %arg5: memref<10112x128xf32, #tpu.memory_space<vmem_shared>>, %arg6: memref<76x80xi32, #tpu.memory_space<vmem>>, %arg7: memref<80x128xf32, #tpu.memory_space<vmem>>, %arg8: memref<80x128xf32, #tpu.memory_space<vmem>>, %arg9: memref<!tpu.dma_semaphore, #tpu.memory_space<semaphore_mem>>, %arg10: memref<!tpu.dma_semaphore, #tpu.memory_space<semaphore_mem>>, %arg11: memref<!tpu.dma_semaphore, #tpu.memory_space<semaphore_mem>>, %arg12: memref<!tpu.dma_semaphore, #tpu.memory_space<semaphore_mem>>) attributes {dimension_semantics = [#tpu.dimension_semantics<core_parallel>, #tpu.dimension_semantics<subcore_parallel>], iteration_bounds = array<i64: 2, 16>, scalar_prefetch = 0 : i64, scratch_operands = 8 : i64, tpu.core_type = #tpu.core_type<sc_vector_subcore>, window_params = [{transform_indices = #map}, {transform_indices = #map1}, {transform_indices = #map}]} {
    %mul3A = arith.constant 2 : i32
    %mul3A_0 = arith.muli %arg1, %mul3A : i32
    %add3A = arith.addi %mul3A_0, %arg0 : i32
    %mul3A_1 = arith.constant 6080 : i32
    %mul3A_2 = arith.muli %add3A, %mul3A_1 : i32
    %mul3A_3 = arith.constant 632 : i32
    %mul3A_4 = arith.muli %arg1, %mul3A_3 : i32
    %mul3A_5 = arith.constant 632 : i32
    %mul3A_6 = arith.muli %arg1, %mul3A_5 : i32
    "tpu.region"() ({
      %run_scoped3A = tpu.sem_alloc : memref<!tpu.dma_semaphore, #tpu.memory_space<semaphore_mem>>
      %dma_start3A_58 = arith.constant 0 : i32
      %dma_start3A_59 = tpu.memref_slice %arg5[%mul3A_6, %dma_start3A_58] : memref<10112x128xf32, #tpu.memory_space<vmem_shared>> -> memref<632x128xf32, #tpu.memory_space<vmem_shared>>
      %dma_start3A_60 = arith.constant 0 : i32
      %dma_start3A_61 = tpu.memref_slice %arg2[%mul3A_4, %dma_start3A_60] : memref<10112x128xf32, #tpu.memory_space<hbm>> -> memref<632x128xf32, #tpu.memory_space<hbm>>
      tpu.enqueue_dma source(%dma_start3A_61 : memref<632x128xf32, #tpu.memory_space<hbm>>) target(%dma_start3A_59 : memref<632x128xf32, #tpu.memory_space<vmem_shared>>) target_semaphore(%run_scoped3A : memref<!tpu.dma_semaphore, #tpu.memory_space<semaphore_mem>>)
      %dma_wait3A_62 = arith.constant 0 : i32
      %dma_wait3A_63 = tpu.memref_slice %arg5[%mul3A_6, %dma_wait3A_62] : memref<10112x128xf32, #tpu.memory_space<vmem_shared>> -> memref<632x128xf32, #tpu.memory_space<vmem_shared>>
      %dma_wait3A_64 = arith.constant 0 : i32
      %dma_wait3A_65 = tpu.memref_slice %arg2[%mul3A_4, %dma_wait3A_64] : memref<10112x128xf32, #tpu.memory_space<hbm>> -> memref<632x128xf32, #tpu.memory_space<hbm>>
      tpu.wait_dma2 semaphore(%run_scoped3A : memref<!tpu.dma_semaphore, #tpu.memory_space<semaphore_mem>>) src(%dma_wait3A_65 : memref<632x128xf32, #tpu.memory_space<hbm>>) dst(%dma_wait3A_63 : memref<632x128xf32, #tpu.memory_space<vmem_shared>>)
      tpu.yield
    }) : () -> ()
    "tpu.region"() ({
      %run_scoped3A = tpu.sem_alloc : memref<!tpu.dma_semaphore, #tpu.memory_space<semaphore_mem>>
      %dma_start3A_58 = arith.constant 0 : i32
      %dma_start3A_59 = arith.constant 0 : i32
      %dma_start3A_60 = tpu.memref_slice %arg3[%add3A, %dma_start3A_58, %dma_start3A_59] : memref<32x76x80xi32, #tpu.memory_space<hbm>> -> memref<1x76x80xi32, #tpu.memory_space<hbm>>
      %dma_start3A_61 = tpu.memref_squeeze %dma_start3A_60 : memref<1x76x80xi32, #tpu.memory_space<hbm>> -> memref<76x80xi32, #tpu.memory_space<hbm>>
      %dma_start3A_62 = arith.constant 0 : i32
      %dma_start3A_63 = arith.constant 0 : i32
      %dma_start3A_64 = tpu.memref_slice %arg3[%add3A, %dma_start3A_62, %dma_start3A_63] : memref<32x76x80xi32, #tpu.memory_space<hbm>> -> memref<1x76x80xi32, #tpu.memory_space<hbm>>
      %dma_start3A_65 = tpu.memref_squeeze %dma_start3A_64 : memref<1x76x80xi32, #tpu.memory_space<hbm>> -> memref<76x80xi32, #tpu.memory_space<hbm>>
      tpu.enqueue_dma source(%dma_start3A_65 : memref<76x80xi32, #tpu.memory_space<hbm>>) target(%arg6 : memref<76x80xi32, #tpu.memory_space<vmem>>) target_semaphore(%run_scoped3A : memref<!tpu.dma_semaphore, #tpu.memory_space<semaphore_mem>>)
      %dma_wait3A_66 = arith.constant 0 : i32
      %dma_wait3A_67 = arith.constant 0 : i32
      %dma_wait3A_68 = tpu.memref_slice %arg3[%add3A, %dma_wait3A_66, %dma_wait3A_67] : memref<32x76x80xi32, #tpu.memory_space<hbm>> -> memref<1x76x80xi32, #tpu.memory_space<hbm>>
      %dma_wait3A_69 = tpu.memref_squeeze %dma_wait3A_68 : memref<1x76x80xi32, #tpu.memory_space<hbm>> -> memref<76x80xi32, #tpu.memory_space<hbm>>
      %dma_wait3A_70 = arith.constant 0 : i32
      %dma_wait3A_71 = arith.constant 0 : i32
      %dma_wait3A_72 = tpu.memref_slice %arg3[%add3A, %dma_wait3A_70, %dma_wait3A_71] : memref<32x76x80xi32, #tpu.memory_space<hbm>> -> memref<1x76x80xi32, #tpu.memory_space<hbm>>
      %dma_wait3A_73 = tpu.memref_squeeze %dma_wait3A_72 : memref<1x76x80xi32, #tpu.memory_space<hbm>> -> memref<76x80xi32, #tpu.memory_space<hbm>>
      tpu.wait_dma2 semaphore(%run_scoped3A : memref<!tpu.dma_semaphore, #tpu.memory_space<semaphore_mem>>) src(%dma_wait3A_73 : memref<76x80xi32, #tpu.memory_space<hbm>>) dst(%arg6 : memref<76x80xi32, #tpu.memory_space<vmem>>)
      tpu.yield
    }) : () -> ()
    %barrier3A = arith.constant 0 : index
    tpu.barrier barrier_id(%barrier3A)
    %dma_start3A = arith.constant 0 : i32
    %dma_start3A_7 = arith.constant 0 : i32
    %dma_start3A_8 = tpu.memref_slice %arg6[%dma_start3A, %dma_start3A_7] : memref<76x80xi32, #tpu.memory_space<vmem>> -> memref<1x80xi32, #tpu.memory_space<vmem>>
    %dma_start3A_9 = tpu.memref_squeeze %dma_start3A_8 : memref<1x80xi32, #tpu.memory_space<vmem>> -> memref<80xi32, #tpu.memory_space<vmem>>
    %dma_start3A_10 = arith.constant 0 : i32
    %dma_start3A_11 = arith.constant 0 : i32
    %dma_start3A_12 = tpu.memref_slice %arg5[%dma_start3A_10, %dma_start3A_11] : memref<10112x128xf32, #tpu.memory_space<vmem_shared>> -> memref<10112x128xf32, #tpu.memory_space<vmem_shared>>
    tpu.enqueue_indirect_dma source(%dma_start3A_12 : memref<10112x128xf32, #tpu.memory_space<vmem_shared>>) target(%arg7 : memref<80x128xf32, #tpu.memory_space<vmem>>) offsets(%dma_start3A_9 : memref<80xi32, #tpu.memory_space<vmem>>) semaphore(%arg9 : memref<!tpu.dma_semaphore, #tpu.memory_space<semaphore_mem>>)
    %dma_start3A_13 = arith.constant 1 : i32
    %dma_start3A_14 = arith.constant 0 : i32
    %dma_start3A_15 = tpu.memref_slice %arg6[%dma_start3A_13, %dma_start3A_14] : memref<76x80xi32, #tpu.memory_space<vmem>> -> memref<1x80xi32, #tpu.memory_space<vmem>>
    %dma_start3A_16 = tpu.memref_squeeze %dma_start3A_15 : memref<1x80xi32, #tpu.memory_space<vmem>> -> memref<80xi32, #tpu.memory_space<vmem>>
    %dma_start3A_17 = arith.constant 0 : i32
    %dma_start3A_18 = arith.constant 0 : i32
    %dma_start3A_19 = tpu.memref_slice %arg5[%dma_start3A_17, %dma_start3A_18] : memref<10112x128xf32, #tpu.memory_space<vmem_shared>> -> memref<10112x128xf32, #tpu.memory_space<vmem_shared>>
    tpu.enqueue_indirect_dma source(%dma_start3A_19 : memref<10112x128xf32, #tpu.memory_space<vmem_shared>>) target(%arg8 : memref<80x128xf32, #tpu.memory_space<vmem>>) offsets(%dma_start3A_16 : memref<80xi32, #tpu.memory_space<vmem>>) semaphore(%arg10 : memref<!tpu.dma_semaphore, #tpu.memory_space<semaphore_mem>>)
    %dma_wait3A = arith.constant 0 : i32
    %dma_wait3A_20 = arith.constant 0 : i32
    %dma_wait3A_21 = tpu.memref_slice %arg6[%dma_wait3A, %dma_wait3A_20] : memref<76x80xi32, #tpu.memory_space<vmem>> -> memref<1x80xi32, #tpu.memory_space<vmem>>
    %dma_wait3A_22 = tpu.memref_squeeze %dma_wait3A_21 : memref<1x80xi32, #tpu.memory_space<vmem>> -> memref<80xi32, #tpu.memory_space<vmem>>
    %dma_wait3A_23 = arith.constant 0 : i32
    %dma_wait3A_24 = arith.constant 0 : i32
    %dma_wait3A_25 = tpu.memref_slice %arg5[%dma_wait3A_23, %dma_wait3A_24] : memref<10112x128xf32, #tpu.memory_space<vmem_shared>> -> memref<10112x128xf32, #tpu.memory_space<vmem_shared>>
    tpu.wait_indirect_dma semaphore(%arg9 : memref<!tpu.dma_semaphore, #tpu.memory_space<semaphore_mem>>) src(%dma_wait3A_25 : memref<10112x128xf32, #tpu.memory_space<vmem_shared>>) dst(%arg7 : memref<80x128xf32, #tpu.memory_space<vmem>>)
    %add3A_26 = arith.constant 0 : i32
    %add3A_27 = arith.addi %mul3A_2, %add3A_26 : i32
    %dma_start3A_28 = arith.constant 0 : i32
    %dma_start3A_29 = tpu.memref_slice %arg4[%add3A_27, %dma_start3A_28] : memref<194560x128xf32, #tpu.memory_space<hbm>> -> memref<80x128xf32, #tpu.memory_space<hbm>>
    %dma_start3A_30 = arith.constant 0 : i32
    %dma_start3A_31 = tpu.memref_slice %arg4[%add3A_27, %dma_start3A_30] : memref<194560x128xf32, #tpu.memory_space<hbm>> -> memref<80x128xf32, #tpu.memory_space<hbm>>
    tpu.enqueue_dma source(%arg7 : memref<80x128xf32, #tpu.memory_space<vmem>>) target(%dma_start3A_31 : memref<80x128xf32, #tpu.memory_space<hbm>>) target_semaphore(%arg11 : memref<!tpu.dma_semaphore, #tpu.memory_space<semaphore_mem>>)
    %dma_wait3A_32 = arith.constant 0 : i32
    %dma_wait3A_33 = arith.constant 0 : i32
    %dma_wait3A_34 = tpu.memref_slice %arg6[%dma_wait3A_32, %dma_wait3A_33] : memref<76x80xi32, #tpu.memory_space<vmem>> -> memref<1x80xi32, #tpu.memory_space<vmem>>
    %dma_wait3A_35 = tpu.memref_squeeze %dma_wait3A_34 : memref<1x80xi32, #tpu.memory_space<vmem>> -> memref<80xi32, #tpu.memory_space<vmem>>
    %dma_wait3A_36 = arith.constant 0 : i32
    %dma_wait3A_37 = arith.constant 0 : i32
    %dma_wait3A_38 = tpu.memref_slice %arg5[%dma_wait3A_36, %dma_wait3A_37] : memref<10112x128xf32, #tpu.memory_space<vmem_shared>> -> memref<10112x128xf32, #tpu.memory_space<vmem_shared>>
    tpu.wait_indirect_dma semaphore(%arg10 : memref<!tpu.dma_semaphore, #tpu.memory_space<semaphore_mem>>) src(%dma_wait3A_38 : memref<10112x128xf32, #tpu.memory_space<vmem_shared>>) dst(%arg8 : memref<80x128xf32, #tpu.memory_space<vmem>>)
    %add3A_39 = arith.constant 80 : i32
    %add3A_40 = arith.addi %mul3A_2, %add3A_39 : i32
    %dma_start3A_41 = arith.constant 0 : i32
    %dma_start3A_42 = tpu.memref_slice %arg4[%add3A_40, %dma_start3A_41] : memref<194560x128xf32, #tpu.memory_space<hbm>> -> memref<80x128xf32, #tpu.memory_space<hbm>>
    %dma_start3A_43 = arith.constant 0 : i32
    %dma_start3A_44 = tpu.memref_slice %arg4[%add3A_40, %dma_start3A_43] : memref<194560x128xf32, #tpu.memory_space<hbm>> -> memref<80x128xf32, #tpu.memory_space<hbm>>
    tpu.enqueue_dma source(%arg8 : memref<80x128xf32, #tpu.memory_space<vmem>>) target(%dma_start3A_44 : memref<80x128xf32, #tpu.memory_space<hbm>>) target_semaphore(%arg12 : memref<!tpu.dma_semaphore, #tpu.memory_space<semaphore_mem>>)
    %scan3A = arith.constant 0 : i32
    %scan3A_45 = arith.constant 1 : i32
    %scan3A_46 = arith.constant 37 : i32
    %scan3A_47 = arith.addi %scan3A_45, %scan3A_46 : i32
    %scan3A_48 = arith.constant 1 : i32
    scf.for %scan3A_58 = %scan3A_45 to %scan3A_47 step %scan3A_48  : i32 {
      %mul3A_59 = arith.constant 2 : i32
      %mul3A_60 = arith.muli %mul3A_59, %scan3A_58 : i32
      %dma_wait3A_61 = arith.constant 0 : i32
      %dma_wait3A_62 = tpu.memref_slice %arg4[%mul3A_2, %dma_wait3A_61] : memref<194560x128xf32, #tpu.memory_space<hbm>> -> memref<80x128xf32, #tpu.memory_space<hbm>>
      %dma_wait3A_63 = arith.constant 0 : i32
      %dma_wait3A_64 = tpu.memref_slice %arg4[%mul3A_2, %dma_wait3A_63] : memref<194560x128xf32, #tpu.memory_space<hbm>> -> memref<80x128xf32, #tpu.memory_space<hbm>>
      tpu.wait_dma2 semaphore(%arg11 : memref<!tpu.dma_semaphore, #tpu.memory_space<semaphore_mem>>) src(%arg7 : memref<80x128xf32, #tpu.memory_space<vmem>>) dst(%dma_wait3A_64 : memref<80x128xf32, #tpu.memory_space<hbm>>)
      %dma_start3A_65 = arith.constant 0 : i32
      %dma_start3A_66 = tpu.memref_slice %arg6[%mul3A_60, %dma_start3A_65] : memref<76x80xi32, #tpu.memory_space<vmem>> -> memref<1x80xi32, #tpu.memory_space<vmem>>
      %dma_start3A_67 = tpu.memref_squeeze %dma_start3A_66 : memref<1x80xi32, #tpu.memory_space<vmem>> -> memref<80xi32, #tpu.memory_space<vmem>>
      %dma_start3A_68 = arith.constant 0 : i32
      %dma_start3A_69 = arith.constant 0 : i32
      %dma_start3A_70 = tpu.memref_slice %arg5[%dma_start3A_68, %dma_start3A_69] : memref<10112x128xf32, #tpu.memory_space<vmem_shared>> -> memref<10112x128xf32, #tpu.memory_space<vmem_shared>>
      tpu.enqueue_indirect_dma source(%dma_start3A_70 : memref<10112x128xf32, #tpu.memory_space<vmem_shared>>) target(%arg7 : memref<80x128xf32, #tpu.memory_space<vmem>>) offsets(%dma_start3A_67 : memref<80xi32, #tpu.memory_space<vmem>>) semaphore(%arg9 : memref<!tpu.dma_semaphore, #tpu.memory_space<semaphore_mem>>)
      %dma_wait3A_71 = arith.constant 0 : i32
      %dma_wait3A_72 = tpu.memref_slice %arg4[%mul3A_2, %dma_wait3A_71] : memref<194560x128xf32, #tpu.memory_space<hbm>> -> memref<80x128xf32, #tpu.memory_space<hbm>>
      %dma_wait3A_73 = arith.constant 0 : i32
      %dma_wait3A_74 = tpu.memref_slice %arg4[%mul3A_2, %dma_wait3A_73] : memref<194560x128xf32, #tpu.memory_space<hbm>> -> memref<80x128xf32, #tpu.memory_space<hbm>>
      tpu.wait_dma2 semaphore(%arg12 : memref<!tpu.dma_semaphore, #tpu.memory_space<semaphore_mem>>) src(%arg8 : memref<80x128xf32, #tpu.memory_space<vmem>>) dst(%dma_wait3A_74 : memref<80x128xf32, #tpu.memory_space<hbm>>)
      %add3A_75 = arith.constant 1 : i32
      %add3A_76 = arith.addi %mul3A_60, %add3A_75 : i32
      %dma_start3A_77 = arith.constant 0 : i32
      %dma_start3A_78 = tpu.memref_slice %arg6[%add3A_76, %dma_start3A_77] : memref<76x80xi32, #tpu.memory_space<vmem>> -> memref<1x80xi32, #tpu.memory_space<vmem>>
      %dma_start3A_79 = tpu.memref_squeeze %dma_start3A_78 : memref<1x80xi32, #tpu.memory_space<vmem>> -> memref<80xi32, #tpu.memory_space<vmem>>
      %dma_start3A_80 = arith.constant 0 : i32
      %dma_start3A_81 = arith.constant 0 : i32
      %dma_start3A_82 = tpu.memref_slice %arg5[%dma_start3A_80, %dma_start3A_81] : memref<10112x128xf32, #tpu.memory_space<vmem_shared>> -> memref<10112x128xf32, #tpu.memory_space<vmem_shared>>
      tpu.enqueue_indirect_dma source(%dma_start3A_82 : memref<10112x128xf32, #tpu.memory_space<vmem_shared>>) target(%arg8 : memref<80x128xf32, #tpu.memory_space<vmem>>) offsets(%dma_start3A_79 : memref<80xi32, #tpu.memory_space<vmem>>) semaphore(%arg10 : memref<!tpu.dma_semaphore, #tpu.memory_space<semaphore_mem>>)
      %dma_wait3A_83 = arith.constant 0 : i32
      %dma_wait3A_84 = arith.constant 0 : i32
      %dma_wait3A_85 = tpu.memref_slice %arg6[%dma_wait3A_83, %dma_wait3A_84] : memref<76x80xi32, #tpu.memory_space<vmem>> -> memref<1x80xi32, #tpu.memory_space<vmem>>
      %dma_wait3A_86 = tpu.memref_squeeze %dma_wait3A_85 : memref<1x80xi32, #tpu.memory_space<vmem>> -> memref<80xi32, #tpu.memory_space<vmem>>
      %dma_wait3A_87 = arith.constant 0 : i32
      %dma_wait3A_88 = arith.constant 0 : i32
      %dma_wait3A_89 = tpu.memref_slice %arg5[%dma_wait3A_87, %dma_wait3A_88] : memref<10112x128xf32, #tpu.memory_space<vmem_shared>> -> memref<10112x128xf32, #tpu.memory_space<vmem_shared>>
      tpu.wait_indirect_dma semaphore(%arg9 : memref<!tpu.dma_semaphore, #tpu.memory_space<semaphore_mem>>) src(%dma_wait3A_89 : memref<10112x128xf32, #tpu.memory_space<vmem_shared>>) dst(%arg7 : memref<80x128xf32, #tpu.memory_space<vmem>>)
      %mul3A_90 = arith.constant 80 : i32
      %mul3A_91 = arith.muli %mul3A_60, %mul3A_90 : i32
      %add3A_92 = arith.addi %mul3A_2, %mul3A_91 : i32
      %dma_start3A_93 = arith.constant 0 : i32
      %dma_start3A_94 = tpu.memref_slice %arg4[%add3A_92, %dma_start3A_93] : memref<194560x128xf32, #tpu.memory_space<hbm>> -> memref<80x128xf32, #tpu.memory_space<hbm>>
      %dma_start3A_95 = arith.constant 0 : i32
      %dma_start3A_96 = tpu.memref_slice %arg4[%add3A_92, %dma_start3A_95] : memref<194560x128xf32, #tpu.memory_space<hbm>> -> memref<80x128xf32, #tpu.memory_space<hbm>>
      tpu.enqueue_dma source(%arg7 : memref<80x128xf32, #tpu.memory_space<vmem>>) target(%dma_start3A_96 : memref<80x128xf32, #tpu.memory_space<hbm>>) target_semaphore(%arg11 : memref<!tpu.dma_semaphore, #tpu.memory_space<semaphore_mem>>)
      %dma_wait3A_97 = arith.constant 0 : i32
      %dma_wait3A_98 = arith.constant 0 : i32
      %dma_wait3A_99 = tpu.memref_slice %arg6[%dma_wait3A_97, %dma_wait3A_98] : memref<76x80xi32, #tpu.memory_space<vmem>> -> memref<1x80xi32, #tpu.memory_space<vmem>>
      %dma_wait3A_100 = tpu.memref_squeeze %dma_wait3A_99 : memref<1x80xi32, #tpu.memory_space<vmem>> -> memref<80xi32, #tpu.memory_space<vmem>>
      %dma_wait3A_101 = arith.constant 0 : i32
      %dma_wait3A_102 = arith.constant 0 : i32
      %dma_wait3A_103 = tpu.memref_slice %arg5[%dma_wait3A_101, %dma_wait3A_102] : memref<10112x128xf32, #tpu.memory_space<vmem_shared>> -> memref<10112x128xf32, #tpu.memory_space<vmem_shared>>
      tpu.wait_indirect_dma semaphore(%arg10 : memref<!tpu.dma_semaphore, #tpu.memory_space<semaphore_mem>>) src(%dma_wait3A_103 : memref<10112x128xf32, #tpu.memory_space<vmem_shared>>) dst(%arg8 : memref<80x128xf32, #tpu.memory_space<vmem>>)
      %add3A_104 = arith.constant 1 : i32
      %add3A_105 = arith.addi %mul3A_60, %add3A_104 : i32
      %mul3A_106 = arith.constant 80 : i32
      %mul3A_107 = arith.muli %add3A_105, %mul3A_106 : i32
      %add3A_108 = arith.addi %mul3A_2, %mul3A_107 : i32
      %dma_start3A_109 = arith.constant 0 : i32
      %dma_start3A_110 = tpu.memref_slice %arg4[%add3A_108, %dma_start3A_109] : memref<194560x128xf32, #tpu.memory_space<hbm>> -> memref<80x128xf32, #tpu.memory_space<hbm>>
      %dma_start3A_111 = arith.constant 0 : i32
      %dma_start3A_112 = tpu.memref_slice %arg4[%add3A_108, %dma_start3A_111] : memref<194560x128xf32, #tpu.memory_space<hbm>> -> memref<80x128xf32, #tpu.memory_space<hbm>>
      tpu.enqueue_dma source(%arg8 : memref<80x128xf32, #tpu.memory_space<vmem>>) target(%dma_start3A_112 : memref<80x128xf32, #tpu.memory_space<hbm>>) target_semaphore(%arg12 : memref<!tpu.dma_semaphore, #tpu.memory_space<semaphore_mem>>)
    }
    %scan3A_49 = arith.constant 37 : i32
    %dma_wait3A_50 = arith.constant 0 : i32
    %dma_wait3A_51 = tpu.memref_slice %arg4[%mul3A_2, %dma_wait3A_50] : memref<194560x128xf32, #tpu.memory_space<hbm>> -> memref<80x128xf32, #tpu.memory_space<hbm>>
    %dma_wait3A_52 = arith.constant 0 : i32
    %dma_wait3A_53 = tpu.memref_slice %arg4[%mul3A_2, %dma_wait3A_52] : memref<194560x128xf32, #tpu.memory_space<hbm>> -> memref<80x128xf32, #tpu.memory_space<hbm>>
    tpu.wait_dma2 semaphore(%arg11 : memref<!tpu.dma_semaphore, #tpu.memory_space<semaphore_mem>>) src(%arg7 : memref<80x128xf32, #tpu.memory_space<vmem>>) dst(%dma_wait3A_53 : memref<80x128xf32, #tpu.memory_space<hbm>>)
    %dma_wait3A_54 = arith.constant 0 : i32
    %dma_wait3A_55 = tpu.memref_slice %arg4[%mul3A_2, %dma_wait3A_54] : memref<194560x128xf32, #tpu.memory_space<hbm>> -> memref<80x128xf32, #tpu.memory_space<hbm>>
    %dma_wait3A_56 = arith.constant 0 : i32
    %dma_wait3A_57 = tpu.memref_slice %arg4[%mul3A_2, %dma_wait3A_56] : memref<194560x128xf32, #tpu.memory_space<hbm>> -> memref<80x128xf32, #tpu.memory_space<hbm>>
    tpu.wait_dma2 semaphore(%arg12 : memref<!tpu.dma_semaphore, #tpu.memory_space<semaphore_mem>>) src(%arg8 : memref<80x128xf32, #tpu.memory_space<vmem>>) dst(%dma_wait3A_57 : memref<80x128xf32, #tpu.memory_space<hbm>>)
    return
  }
}

module attributes {stable_mosaic.version = 14 : i64} {
  func.func @_mlp_body(%arg0: i32, %arg1: memref<64x320000xf32, #tpu.memory_space<any>>, %arg2: memref<2560x128xf32, #tpu.memory_space<vmem>>, %arg3: memref<2560x128xf32, #tpu.memory_space<vmem>>, %arg4: memref<64x2560xf32, #tpu.memory_space<vmem>>, %arg5: memref<320x320xbf16, #tpu.memory_space<vmem>>, %arg6: memref<1x320xf32, #tpu.memory_space<vmem>>, %arg7: memref<64x320xbf16, #tpu.memory_space<vmem>>, %arg8: memref<64x1xf32, #tpu.memory_space<vmem>>, %arg9: memref<64x2560xf32, #tpu.memory_space<vmem>>) attributes {dimension_semantics = [#tpu.dimension_semantics<arbitrary>], iteration_bounds = array<i64: 5>, scalar_prefetch = 0 : i64, scratch_operands = 0 : i64, tpu.core_type = #tpu.core_type<tc>, window_params = [{}, {transform_indices = @transform_1, window_bounds = array<i64: 2560, 128>}, {transform_indices = @transform_2, window_bounds = array<i64: 2560, 128>}, {transform_indices = @transform_3, window_bounds = array<i64: 64, 2560>}, {pipeline_mode = #tpu.pipeline_mode<synchronous>, transform_indices = @transform_4, window_bounds = array<i64: 320, 320>}, {pipeline_mode = #tpu.pipeline_mode<synchronous>, transform_indices = @transform_5, window_bounds = array<i64: 1, 320>}, {pipeline_mode = #tpu.pipeline_mode<synchronous>, transform_indices = @transform_6, window_bounds = array<i64: 64, 320>}, {pipeline_mode = #tpu.pipeline_mode<synchronous>, transform_indices = @transform_7, window_bounds = array<i64: 64, 1>}, {transform_indices = @transform_8, window_bounds = array<i64: 64, 2560>}]} {
    %get3A = arith.constant 0 : index
    %get3A_0 = arith.constant 0 : index
    %get3A_1 = vector.load %arg4[%get3A, %get3A_0] : memref<64x2560xf32, #tpu.memory_space<vmem>>, vector<64x2560xf32>
    %transpose3A = tpu.transpose %get3A_1, [1, 0] : vector<64x2560xf32> -> vector<2560x64xf32>
    %get3A_2 = arith.constant 0 : index
    %get3A_3 = arith.constant 0 : index
    %get3A_4 = vector.load %arg2[%get3A_2, %get3A_3] : memref<2560x128xf32, #tpu.memory_space<vmem>>, vector<2560x128xf32>
    %get3A_5 = arith.constant 0 : index
    %get3A_6 = arith.constant 0 : index
    %get3A_7 = vector.load %arg3[%get3A_5, %get3A_6] : memref<2560x128xf32, #tpu.memory_space<vmem>>, vector<2560x128xf32>
    %concatenate3A = tpu.concatenate %get3A_4, %get3A_7, %transpose3A in 1 : vector<2560x128xf32>, vector<2560x128xf32>, vector<2560x64xf32> -> vector<2560x320xf32>
    %convert_element_type3A = arith.truncf %concatenate3A : vector<2560x320xf32> to vector<2560x320xbf16>
    %get3A_8 = arith.constant 0 : index
    %get3A_9 = arith.constant 0 : index
    %get3A_10 = vector.load %arg5[%get3A_8, %get3A_9] : memref<320x320xbf16, #tpu.memory_space<vmem>>, vector<320x320xbf16>
    %dot_general3A = arith.constant dense<0.000000e+00> : vector<2560x320xf32>
    %dot_general3A_11 = tpu.matmul %convert_element_type3A, %get3A_10, %dot_general3A {dimension_numbers = #tpu.dot_dimension_numbers<[1], [1], [0], [0], [0, 0, 1, 0], [], []>, transpose_lhs_hint = false} : vector<2560x320xbf16>, vector<320x320xbf16>, vector<2560x320xf32> -> vector<2560x320xf32>
    %get3A_12 = arith.constant 0 : index
    %get3A_13 = arith.constant 0 : index
    %get3A_14 = vector.load %arg6[%get3A_12, %get3A_13] : memref<1x320xf32, #tpu.memory_space<vmem>>, vector<1x320xf32>
    %add3A = vector.broadcast %get3A_14 : vector<1x320xf32> to vector<2560x320xf32>
    %add3A_15 = arith.addf %dot_general3A_11, %add3A : vector<2560x320xf32>
    %mul3A = arith.constant 5.000000e-01 : f32
    %mul3A_16 = vector.broadcast %mul3A : f32 to vector<2560x320xf32>
    %mul3A_17 = arith.mulf %mul3A_16, %add3A_15 : vector<2560x320xf32>
    %mul3A_18 = arith.constant 0.707106769 : f32
    %mul3A_19 = vector.broadcast %mul3A_18 : f32 to vector<2560x320xf32>
    %mul3A_20 = arith.mulf %add3A_15, %mul3A_19 : vector<2560x320xf32>
    %erf3A = math.erf %mul3A_20 : vector<2560x320xf32>
    %add3A_21 = arith.constant 1.000000e+00 : f32
    %add3A_22 = vector.broadcast %add3A_21 : f32 to vector<2560x320xf32>
    %add3A_23 = arith.addf %add3A_22, %erf3A : vector<2560x320xf32>
    %mul3A_24 = arith.mulf %mul3A_17, %add3A_23 : vector<2560x320xf32>
    %get3A_25 = arith.constant 0 : index
    %get3A_26 = arith.constant 0 : index
    %get3A_27 = vector.load %arg7[%get3A_25, %get3A_26] : memref<64x320xbf16, #tpu.memory_space<vmem>>, vector<64x320xbf16>
    %convert_element_type3A_28 = arith.truncf %mul3A_24 : vector<2560x320xf32> to vector<2560x320xbf16>
    %dot_general3A_29 = arith.constant dense<0.000000e+00> : vector<64x2560xf32>
    %dot_general3A_30 = tpu.matmul %get3A_27, %convert_element_type3A_28, %dot_general3A_29 {dimension_numbers = #tpu.dot_dimension_numbers<[1], [1], [0], [0], [0, 0, 1, 0], [], []>, transpose_lhs_hint = false} : vector<64x320xbf16>, vector<2560x320xbf16>, vector<64x2560xf32> -> vector<64x2560xf32>
    %get3A_31 = arith.constant 0 : index
    %get3A_32 = arith.constant 0 : index
    %get3A_33 = vector.load %arg8[%get3A_31, %get3A_32] : memref<64x1xf32, #tpu.memory_space<vmem>>, vector<64x1xf32>
    %add3A_34 = vector.broadcast %get3A_33 : vector<64x1xf32> to vector<64x2560xf32>
    %add3A_35 = arith.addf %dot_general3A_30, %add3A_34 : vector<64x2560xf32>
    %swap3A = arith.constant 0 : index
    %swap3A_36 = arith.constant 0 : index
    %swap3A_37 = vector.load %arg9[%swap3A, %swap3A_36] : memref<64x2560xf32, #tpu.memory_space<vmem>>, vector<64x2560xf32>
    tpu.vector_store %arg9[%swap3A, %swap3A_36], %add3A_35 {strides = array<i32>} : memref<64x2560xf32, #tpu.memory_space<vmem>>, vector<64x2560xf32>,
    return
  }
  func.func @transform_1(%arg0: i32) -> (i32, i32) {
    %c0_i32 = arith.constant 0 : i32
    %c0_i32_0 = arith.constant 0 : i32
    return %arg0, %c0_i32 : i32, i32
  }
  func.func @transform_2(%arg0: i32) -> (i32, i32) {
    %add3A = arith.constant 5 : i32
    %add3A_0 = arith.addi %arg0, %add3A : i32
    %c0_i32 = arith.constant 0 : i32
    %c0_i32_1 = arith.constant 0 : i32
    return %add3A_0, %c0_i32 : i32, i32
  }
  func.func @transform_3(%arg0: i32) -> (i32, i32) {
    %add3A = arith.constant 0 : i32
    %add3A_0 = arith.addi %arg0, %add3A : i32
    %c0_i32 = arith.constant 0 : i32
    %c0_i32_1 = arith.constant 0 : i32
    return %c0_i32, %add3A_0 : i32, i32
  }
  func.func @transform_4(%arg0: i32) -> (i32, i32) {
    %c0_i32 = arith.constant 0 : i32
    %c0_i32_0 = arith.constant 0 : i32
    %c0_i32_1 = arith.constant 0 : i32
    return %c0_i32, %c0_i32_0 : i32, i32
  }
  func.func @transform_5(%arg0: i32) -> (i32, i32) {
    %c0_i32 = arith.constant 0 : i32
    %c0_i32_0 = arith.constant 0 : i32
    %c0_i32_1 = arith.constant 0 : i32
    return %c0_i32, %c0_i32_0 : i32, i32
  }
  func.func @transform_6(%arg0: i32) -> (i32, i32) {
    %c0_i32 = arith.constant 0 : i32
    %c0_i32_0 = arith.constant 0 : i32
    %c0_i32_1 = arith.constant 0 : i32
    return %c0_i32, %c0_i32_0 : i32, i32
  }
  func.func @transform_7(%arg0: i32) -> (i32, i32) {
    %c0_i32 = arith.constant 0 : i32
    %c0_i32_0 = arith.constant 0 : i32
    %c0_i32_1 = arith.constant 0 : i32
    return %c0_i32, %c0_i32_0 : i32, i32
  }
  func.func @transform_8(%arg0: i32) -> (i32, i32) {
    %add3A = arith.constant 0 : i32
    %add3A_0 = arith.addi %arg0, %add3A : i32
    %c0_i32 = arith.constant 0 : i32
    %c0_i32_1 = arith.constant 0 : i32
    return %c0_i32, %add3A_0 : i32, i32
  }
}

module attributes {stable_mosaic.version = 14 : i64} {
  func.func @_mlp_body(%arg0: i32, %arg1: memref<64x320000xf32, #tpu.memory_space<any>>, %arg2: memref<2560x128xf32, #tpu.memory_space<vmem>>, %arg3: memref<2560x128xf32, #tpu.memory_space<vmem>>, %arg4: memref<64x2560xf32, #tpu.memory_space<vmem>>, %arg5: memref<320x320xbf16, #tpu.memory_space<vmem>>, %arg6: memref<1x320xf32, #tpu.memory_space<vmem>>, %arg7: memref<64x320xbf16, #tpu.memory_space<vmem>>, %arg8: memref<64x1xf32, #tpu.memory_space<vmem>>, %arg9: memref<64x2560xf32, #tpu.memory_space<vmem>>) attributes {dimension_semantics = [#tpu.dimension_semantics<arbitrary>], iteration_bounds = array<i64: 15>, scalar_prefetch = 0 : i64, scratch_operands = 0 : i64, tpu.core_type = #tpu.core_type<tc>, window_params = [{}, {transform_indices = @transform_1, window_bounds = array<i64: 2560, 128>}, {transform_indices = @transform_2, window_bounds = array<i64: 2560, 128>}, {transform_indices = @transform_3, window_bounds = array<i64: 64, 2560>}, {pipeline_mode = #tpu.pipeline_mode<synchronous>, transform_indices = @transform_4, window_bounds = array<i64: 320, 320>}, {pipeline_mode = #tpu.pipeline_mode<synchronous>, transform_indices = @transform_5, window_bounds = array<i64: 1, 320>}, {pipeline_mode = #tpu.pipeline_mode<synchronous>, transform_indices = @transform_6, window_bounds = array<i64: 64, 320>}, {pipeline_mode = #tpu.pipeline_mode<synchronous>, transform_indices = @transform_7, window_bounds = array<i64: 64, 1>}, {transform_indices = @transform_8, window_bounds = array<i64: 64, 2560>}]} {
    %get3A = arith.constant 0 : index
    %get3A_0 = arith.constant 0 : index
    %get3A_1 = vector.load %arg4[%get3A, %get3A_0] : memref<64x2560xf32, #tpu.memory_space<vmem>>, vector<64x2560xf32>
    %transpose3A = tpu.transpose %get3A_1, [1, 0] : vector<64x2560xf32> -> vector<2560x64xf32>
    %get3A_2 = arith.constant 0 : index
    %get3A_3 = arith.constant 0 : index
    %get3A_4 = vector.load %arg2[%get3A_2, %get3A_3] : memref<2560x128xf32, #tpu.memory_space<vmem>>, vector<2560x128xf32>
    %get3A_5 = arith.constant 0 : index
    %get3A_6 = arith.constant 0 : index
    %get3A_7 = vector.load %arg3[%get3A_5, %get3A_6] : memref<2560x128xf32, #tpu.memory_space<vmem>>, vector<2560x128xf32>
    %concatenate3A = tpu.concatenate %get3A_4, %get3A_7, %transpose3A in 1 : vector<2560x128xf32>, vector<2560x128xf32>, vector<2560x64xf32> -> vector<2560x320xf32>
    %convert_element_type3A = arith.truncf %concatenate3A : vector<2560x320xf32> to vector<2560x320xbf16>
    %get3A_8 = arith.constant 0 : index
    %get3A_9 = arith.constant 0 : index
    %get3A_10 = vector.load %arg5[%get3A_8, %get3A_9] : memref<320x320xbf16, #tpu.memory_space<vmem>>, vector<320x320xbf16>
    %dot_general3A = arith.constant dense<0.000000e+00> : vector<2560x320xf32>
    %dot_general3A_11 = tpu.matmul %convert_element_type3A, %get3A_10, %dot_general3A {dimension_numbers = #tpu.dot_dimension_numbers<[1], [1], [0], [0], [0, 0, 1, 0], [], []>, transpose_lhs_hint = false} : vector<2560x320xbf16>, vector<320x320xbf16>, vector<2560x320xf32> -> vector<2560x320xf32>
    %get3A_12 = arith.constant 0 : index
    %get3A_13 = arith.constant 0 : index
    %get3A_14 = vector.load %arg6[%get3A_12, %get3A_13] : memref<1x320xf32, #tpu.memory_space<vmem>>, vector<1x320xf32>
    %add3A = vector.broadcast %get3A_14 : vector<1x320xf32> to vector<2560x320xf32>
    %add3A_15 = arith.addf %dot_general3A_11, %add3A : vector<2560x320xf32>
    %mul3A = arith.constant 5.000000e-01 : f32
    %mul3A_16 = vector.broadcast %mul3A : f32 to vector<2560x320xf32>
    %mul3A_17 = arith.mulf %mul3A_16, %add3A_15 : vector<2560x320xf32>
    %mul3A_18 = arith.constant 0.707106769 : f32
    %mul3A_19 = vector.broadcast %mul3A_18 : f32 to vector<2560x320xf32>
    %mul3A_20 = arith.mulf %add3A_15, %mul3A_19 : vector<2560x320xf32>
    %erf3A = math.erf %mul3A_20 : vector<2560x320xf32>
    %add3A_21 = arith.constant 1.000000e+00 : f32
    %add3A_22 = vector.broadcast %add3A_21 : f32 to vector<2560x320xf32>
    %add3A_23 = arith.addf %add3A_22, %erf3A : vector<2560x320xf32>
    %mul3A_24 = arith.mulf %mul3A_17, %add3A_23 : vector<2560x320xf32>
    %get3A_25 = arith.constant 0 : index
    %get3A_26 = arith.constant 0 : index
    %get3A_27 = vector.load %arg7[%get3A_25, %get3A_26] : memref<64x320xbf16, #tpu.memory_space<vmem>>, vector<64x320xbf16>
    %convert_element_type3A_28 = arith.truncf %mul3A_24 : vector<2560x320xf32> to vector<2560x320xbf16>
    %dot_general3A_29 = arith.constant dense<0.000000e+00> : vector<64x2560xf32>
    %dot_general3A_30 = tpu.matmul %get3A_27, %convert_element_type3A_28, %dot_general3A_29 {dimension_numbers = #tpu.dot_dimension_numbers<[1], [1], [0], [0], [0, 0, 1, 0], [], []>, transpose_lhs_hint = false} : vector<64x320xbf16>, vector<2560x320xbf16>, vector<64x2560xf32> -> vector<64x2560xf32>
    %get3A_31 = arith.constant 0 : index
    %get3A_32 = arith.constant 0 : index
    %get3A_33 = vector.load %arg8[%get3A_31, %get3A_32] : memref<64x1xf32, #tpu.memory_space<vmem>>, vector<64x1xf32>
    %add3A_34 = vector.broadcast %get3A_33 : vector<64x1xf32> to vector<64x2560xf32>
    %add3A_35 = arith.addf %dot_general3A_30, %add3A_34 : vector<64x2560xf32>
    %swap3A = arith.constant 0 : index
    %swap3A_36 = arith.constant 0 : index
    %swap3A_37 = vector.load %arg9[%swap3A, %swap3A_36] : memref<64x2560xf32, #tpu.memory_space<vmem>>, vector<64x2560xf32>
    tpu.vector_store %arg9[%swap3A, %swap3A_36], %add3A_35 {strides = array<i32>} : memref<64x2560xf32, #tpu.memory_space<vmem>>, vector<64x2560xf32>,
    return
  }
  func.func @transform_1(%arg0: i32) -> (i32, i32) {
    %c0_i32 = arith.constant 0 : i32
    %c0_i32_0 = arith.constant 0 : i32
    return %arg0, %c0_i32 : i32, i32
  }
  func.func @transform_2(%arg0: i32) -> (i32, i32) {
    %add3A = arith.constant 15 : i32
    %add3A_0 = arith.addi %arg0, %add3A : i32
    %c0_i32 = arith.constant 0 : i32
    %c0_i32_1 = arith.constant 0 : i32
    return %add3A_0, %c0_i32 : i32, i32
  }
  func.func @transform_3(%arg0: i32) -> (i32, i32) {
    %add3A = arith.constant 5 : i32
    %add3A_0 = arith.addi %arg0, %add3A : i32
    %c0_i32 = arith.constant 0 : i32
    %c0_i32_1 = arith.constant 0 : i32
    return %c0_i32, %add3A_0 : i32, i32
  }
  func.func @transform_4(%arg0: i32) -> (i32, i32) {
    %c0_i32 = arith.constant 0 : i32
    %c0_i32_0 = arith.constant 0 : i32
    %c0_i32_1 = arith.constant 0 : i32
    return %c0_i32, %c0_i32_0 : i32, i32
  }
  func.func @transform_5(%arg0: i32) -> (i32, i32) {
    %c0_i32 = arith.constant 0 : i32
    %c0_i32_0 = arith.constant 0 : i32
    %c0_i32_1 = arith.constant 0 : i32
    return %c0_i32, %c0_i32_0 : i32, i32
  }
  func.func @transform_6(%arg0: i32) -> (i32, i32) {
    %c0_i32 = arith.constant 0 : i32
    %c0_i32_0 = arith.constant 0 : i32
    %c0_i32_1 = arith.constant 0 : i32
    return %c0_i32, %c0_i32_0 : i32, i32
  }
  func.func @transform_7(%arg0: i32) -> (i32, i32) {
    %c0_i32 = arith.constant 0 : i32
    %c0_i32_0 = arith.constant 0 : i32
    %c0_i32_1 = arith.constant 0 : i32
    return %c0_i32, %c0_i32_0 : i32, i32
  }
  func.func @transform_8(%arg0: i32) -> (i32, i32) {
    %add3A = arith.constant 5 : i32
    %add3A_0 = arith.addi %arg0, %add3A : i32
    %c0_i32 = arith.constant 0 : i32
    %c0_i32_1 = arith.constant 0 : i32
    return %c0_i32, %add3A_0 : i32, i32
  }
}

module attributes {stable_mosaic.version = 14 : i64} {
  func.func @_mlp_body(%arg0: i32, %arg1: memref<64x320000xf32, #tpu.memory_space<any>>, %arg2: memref<2560x128xf32, #tpu.memory_space<vmem>>, %arg3: memref<2560x128xf32, #tpu.memory_space<vmem>>, %arg4: memref<64x2560xf32, #tpu.memory_space<vmem>>, %arg5: memref<320x320xbf16, #tpu.memory_space<vmem>>, %arg6: memref<1x320xf32, #tpu.memory_space<vmem>>, %arg7: memref<64x320xbf16, #tpu.memory_space<vmem>>, %arg8: memref<64x1xf32, #tpu.memory_space<vmem>>, %arg9: memref<64x2560xf32, #tpu.memory_space<vmem>>) attributes {dimension_semantics = [#tpu.dimension_semantics<arbitrary>], iteration_bounds = array<i64: 30>, scalar_prefetch = 0 : i64, scratch_operands = 0 : i64, tpu.core_type = #tpu.core_type<tc>, window_params = [{}, {transform_indices = @transform_1, window_bounds = array<i64: 2560, 128>}, {transform_indices = @transform_2, window_bounds = array<i64: 2560, 128>}, {transform_indices = @transform_3, window_bounds = array<i64: 64, 2560>}, {pipeline_mode = #tpu.pipeline_mode<synchronous>, transform_indices = @transform_4, window_bounds = array<i64: 320, 320>}, {pipeline_mode = #tpu.pipeline_mode<synchronous>, transform_indices = @transform_5, window_bounds = array<i64: 1, 320>}, {pipeline_mode = #tpu.pipeline_mode<synchronous>, transform_indices = @transform_6, window_bounds = array<i64: 64, 320>}, {pipeline_mode = #tpu.pipeline_mode<synchronous>, transform_indices = @transform_7, window_bounds = array<i64: 64, 1>}, {transform_indices = @transform_8, window_bounds = array<i64: 64, 2560>}]} {
    %get3A = arith.constant 0 : index
    %get3A_0 = arith.constant 0 : index
    %get3A_1 = vector.load %arg4[%get3A, %get3A_0] : memref<64x2560xf32, #tpu.memory_space<vmem>>, vector<64x2560xf32>
    %transpose3A = tpu.transpose %get3A_1, [1, 0] : vector<64x2560xf32> -> vector<2560x64xf32>
    %get3A_2 = arith.constant 0 : index
    %get3A_3 = arith.constant 0 : index
    %get3A_4 = vector.load %arg2[%get3A_2, %get3A_3] : memref<2560x128xf32, #tpu.memory_space<vmem>>, vector<2560x128xf32>
    %get3A_5 = arith.constant 0 : index
    %get3A_6 = arith.constant 0 : index
    %get3A_7 = vector.load %arg3[%get3A_5, %get3A_6] : memref<2560x128xf32, #tpu.memory_space<vmem>>, vector<2560x128xf32>
    %concatenate3A = tpu.concatenate %get3A_4, %get3A_7, %transpose3A in 1 : vector<2560x128xf32>, vector<2560x128xf32>, vector<2560x64xf32> -> vector<2560x320xf32>
    %convert_element_type3A = arith.truncf %concatenate3A : vector<2560x320xf32> to vector<2560x320xbf16>
    %get3A_8 = arith.constant 0 : index
    %get3A_9 = arith.constant 0 : index
    %get3A_10 = vector.load %arg5[%get3A_8, %get3A_9] : memref<320x320xbf16, #tpu.memory_space<vmem>>, vector<320x320xbf16>
    %dot_general3A = arith.constant dense<0.000000e+00> : vector<2560x320xf32>
    %dot_general3A_11 = tpu.matmul %convert_element_type3A, %get3A_10, %dot_general3A {dimension_numbers = #tpu.dot_dimension_numbers<[1], [1], [0], [0], [0, 0, 1, 0], [], []>, transpose_lhs_hint = false} : vector<2560x320xbf16>, vector<320x320xbf16>, vector<2560x320xf32> -> vector<2560x320xf32>
    %get3A_12 = arith.constant 0 : index
    %get3A_13 = arith.constant 0 : index
    %get3A_14 = vector.load %arg6[%get3A_12, %get3A_13] : memref<1x320xf32, #tpu.memory_space<vmem>>, vector<1x320xf32>
    %add3A = vector.broadcast %get3A_14 : vector<1x320xf32> to vector<2560x320xf32>
    %add3A_15 = arith.addf %dot_general3A_11, %add3A : vector<2560x320xf32>
    %mul3A = arith.constant 5.000000e-01 : f32
    %mul3A_16 = vector.broadcast %mul3A : f32 to vector<2560x320xf32>
    %mul3A_17 = arith.mulf %mul3A_16, %add3A_15 : vector<2560x320xf32>
    %mul3A_18 = arith.constant 0.707106769 : f32
    %mul3A_19 = vector.broadcast %mul3A_18 : f32 to vector<2560x320xf32>
    %mul3A_20 = arith.mulf %add3A_15, %mul3A_19 : vector<2560x320xf32>
    %erf3A = math.erf %mul3A_20 : vector<2560x320xf32>
    %add3A_21 = arith.constant 1.000000e+00 : f32
    %add3A_22 = vector.broadcast %add3A_21 : f32 to vector<2560x320xf32>
    %add3A_23 = arith.addf %add3A_22, %erf3A : vector<2560x320xf32>
    %mul3A_24 = arith.mulf %mul3A_17, %add3A_23 : vector<2560x320xf32>
    %get3A_25 = arith.constant 0 : index
    %get3A_26 = arith.constant 0 : index
    %get3A_27 = vector.load %arg7[%get3A_25, %get3A_26] : memref<64x320xbf16, #tpu.memory_space<vmem>>, vector<64x320xbf16>
    %convert_element_type3A_28 = arith.truncf %mul3A_24 : vector<2560x320xf32> to vector<2560x320xbf16>
    %dot_general3A_29 = arith.constant dense<0.000000e+00> : vector<64x2560xf32>
    %dot_general3A_30 = tpu.matmul %get3A_27, %convert_element_type3A_28, %dot_general3A_29 {dimension_numbers = #tpu.dot_dimension_numbers<[1], [1], [0], [0], [0, 0, 1, 0], [], []>, transpose_lhs_hint = false} : vector<64x320xbf16>, vector<2560x320xbf16>, vector<64x2560xf32> -> vector<64x2560xf32>
    %get3A_31 = arith.constant 0 : index
    %get3A_32 = arith.constant 0 : index
    %get3A_33 = vector.load %arg8[%get3A_31, %get3A_32] : memref<64x1xf32, #tpu.memory_space<vmem>>, vector<64x1xf32>
    %add3A_34 = vector.broadcast %get3A_33 : vector<64x1xf32> to vector<64x2560xf32>
    %add3A_35 = arith.addf %dot_general3A_30, %add3A_34 : vector<64x2560xf32>
    %swap3A = arith.constant 0 : index
    %swap3A_36 = arith.constant 0 : index
    %swap3A_37 = vector.load %arg9[%swap3A, %swap3A_36] : memref<64x2560xf32, #tpu.memory_space<vmem>>, vector<64x2560xf32>
    tpu.vector_store %arg9[%swap3A, %swap3A_36], %add3A_35 {strides = array<i32>} : memref<64x2560xf32, #tpu.memory_space<vmem>>, vector<64x2560xf32>,
    return
  }
  func.func @transform_1(%arg0: i32) -> (i32, i32) {
    %c0_i32 = arith.constant 0 : i32
    %c0_i32_0 = arith.constant 0 : i32
    return %arg0, %c0_i32 : i32, i32
  }
  func.func @transform_2(%arg0: i32) -> (i32, i32) {
    %add3A = arith.constant 30 : i32
    %add3A_0 = arith.addi %arg0, %add3A : i32
    %c0_i32 = arith.constant 0 : i32
    %c0_i32_1 = arith.constant 0 : i32
    return %add3A_0, %c0_i32 : i32, i32
  }
  func.func @transform_3(%arg0: i32) -> (i32, i32) {
    %add3A = arith.constant 20 : i32
    %add3A_0 = arith.addi %arg0, %add3A : i32
    %c0_i32 = arith.constant 0 : i32
    %c0_i32_1 = arith.constant 0 : i32
    return %c0_i32, %add3A_0 : i32, i32
  }
  func.func @transform_4(%arg0: i32) -> (i32, i32) {
    %c0_i32 = arith.constant 0 : i32
    %c0_i32_0 = arith.constant 0 : i32
    %c0_i32_1 = arith.constant 0 : i32
    return %c0_i32, %c0_i32_0 : i32, i32
  }
  func.func @transform_5(%arg0: i32) -> (i32, i32) {
    %c0_i32 = arith.constant 0 : i32
    %c0_i32_0 = arith.constant 0 : i32
    %c0_i32_1 = arith.constant 0 : i32
    return %c0_i32, %c0_i32_0 : i32, i32
  }
  func.func @transform_6(%arg0: i32) -> (i32, i32) {
    %c0_i32 = arith.constant 0 : i32
    %c0_i32_0 = arith.constant 0 : i32
    %c0_i32_1 = arith.constant 0 : i32
    return %c0_i32, %c0_i32_0 : i32, i32
  }
  func.func @transform_7(%arg0: i32) -> (i32, i32) {
    %c0_i32 = arith.constant 0 : i32
    %c0_i32_0 = arith.constant 0 : i32
    %c0_i32_1 = arith.constant 0 : i32
    return %c0_i32, %c0_i32_0 : i32, i32
  }
  func.func @transform_8(%arg0: i32) -> (i32, i32) {
    %add3A = arith.constant 20 : i32
    %add3A_0 = arith.addi %arg0, %add3A : i32
    %c0_i32 = arith.constant 0 : i32
    %c0_i32_1 = arith.constant 0 : i32
    return %c0_i32, %add3A_0 : i32, i32
  }
}

module attributes {stable_mosaic.version = 14 : i64} {
  func.func @_mlp_body(%arg0: i32, %arg1: memref<64x320000xf32, #tpu.memory_space<any>>, %arg2: memref<2560x128xf32, #tpu.memory_space<vmem>>, %arg3: memref<2560x128xf32, #tpu.memory_space<vmem>>, %arg4: memref<64x2560xf32, #tpu.memory_space<vmem>>, %arg5: memref<320x320xbf16, #tpu.memory_space<vmem>>, %arg6: memref<1x320xf32, #tpu.memory_space<vmem>>, %arg7: memref<64x320xbf16, #tpu.memory_space<vmem>>, %arg8: memref<64x1xf32, #tpu.memory_space<vmem>>, %arg9: memref<64x2560xf32, #tpu.memory_space<vmem>>) attributes {dimension_semantics = [#tpu.dimension_semantics<arbitrary>], iteration_bounds = array<i64: 37>, scalar_prefetch = 0 : i64, scratch_operands = 0 : i64, tpu.core_type = #tpu.core_type<tc>, window_params = [{}, {transform_indices = @transform_1, window_bounds = array<i64: 2560, 128>}, {transform_indices = @transform_2, window_bounds = array<i64: 2560, 128>}, {transform_indices = @transform_3, window_bounds = array<i64: 64, 2560>}, {pipeline_mode = #tpu.pipeline_mode<synchronous>, transform_indices = @transform_4, window_bounds = array<i64: 320, 320>}, {pipeline_mode = #tpu.pipeline_mode<synchronous>, transform_indices = @transform_5, window_bounds = array<i64: 1, 320>}, {pipeline_mode = #tpu.pipeline_mode<synchronous>, transform_indices = @transform_6, window_bounds = array<i64: 64, 320>}, {pipeline_mode = #tpu.pipeline_mode<synchronous>, transform_indices = @transform_7, window_bounds = array<i64: 64, 1>}, {transform_indices = @transform_8, window_bounds = array<i64: 64, 2560>}]} {
    %get3A = arith.constant 0 : index
    %get3A_0 = arith.constant 0 : index
    %get3A_1 = vector.load %arg4[%get3A, %get3A_0] : memref<64x2560xf32, #tpu.memory_space<vmem>>, vector<64x2560xf32>
    %transpose3A = tpu.transpose %get3A_1, [1, 0] : vector<64x2560xf32> -> vector<2560x64xf32>
    %get3A_2 = arith.constant 0 : index
    %get3A_3 = arith.constant 0 : index
    %get3A_4 = vector.load %arg2[%get3A_2, %get3A_3] : memref<2560x128xf32, #tpu.memory_space<vmem>>, vector<2560x128xf32>
    %get3A_5 = arith.constant 0 : index
    %get3A_6 = arith.constant 0 : index
    %get3A_7 = vector.load %arg3[%get3A_5, %get3A_6] : memref<2560x128xf32, #tpu.memory_space<vmem>>, vector<2560x128xf32>
    %concatenate3A = tpu.concatenate %get3A_4, %get3A_7, %transpose3A in 1 : vector<2560x128xf32>, vector<2560x128xf32>, vector<2560x64xf32> -> vector<2560x320xf32>
    %convert_element_type3A = arith.truncf %concatenate3A : vector<2560x320xf32> to vector<2560x320xbf16>
    %get3A_8 = arith.constant 0 : index
    %get3A_9 = arith.constant 0 : index
    %get3A_10 = vector.load %arg5[%get3A_8, %get3A_9] : memref<320x320xbf16, #tpu.memory_space<vmem>>, vector<320x320xbf16>
    %dot_general3A = arith.constant dense<0.000000e+00> : vector<2560x320xf32>
    %dot_general3A_11 = tpu.matmul %convert_element_type3A, %get3A_10, %dot_general3A {dimension_numbers = #tpu.dot_dimension_numbers<[1], [1], [0], [0], [0, 0, 1, 0], [], []>, transpose_lhs_hint = false} : vector<2560x320xbf16>, vector<320x320xbf16>, vector<2560x320xf32> -> vector<2560x320xf32>
    %get3A_12 = arith.constant 0 : index
    %get3A_13 = arith.constant 0 : index
    %get3A_14 = vector.load %arg6[%get3A_12, %get3A_13] : memref<1x320xf32, #tpu.memory_space<vmem>>, vector<1x320xf32>
    %add3A = vector.broadcast %get3A_14 : vector<1x320xf32> to vector<2560x320xf32>
    %add3A_15 = arith.addf %dot_general3A_11, %add3A : vector<2560x320xf32>
    %mul3A = arith.constant 5.000000e-01 : f32
    %mul3A_16 = vector.broadcast %mul3A : f32 to vector<2560x320xf32>
    %mul3A_17 = arith.mulf %mul3A_16, %add3A_15 : vector<2560x320xf32>
    %mul3A_18 = arith.constant 0.707106769 : f32
    %mul3A_19 = vector.broadcast %mul3A_18 : f32 to vector<2560x320xf32>
    %mul3A_20 = arith.mulf %add3A_15, %mul3A_19 : vector<2560x320xf32>
    %erf3A = math.erf %mul3A_20 : vector<2560x320xf32>
    %add3A_21 = arith.constant 1.000000e+00 : f32
    %add3A_22 = vector.broadcast %add3A_21 : f32 to vector<2560x320xf32>
    %add3A_23 = arith.addf %add3A_22, %erf3A : vector<2560x320xf32>
    %mul3A_24 = arith.mulf %mul3A_17, %add3A_23 : vector<2560x320xf32>
    %get3A_25 = arith.constant 0 : index
    %get3A_26 = arith.constant 0 : index
    %get3A_27 = vector.load %arg7[%get3A_25, %get3A_26] : memref<64x320xbf16, #tpu.memory_space<vmem>>, vector<64x320xbf16>
    %convert_element_type3A_28 = arith.truncf %mul3A_24 : vector<2560x320xf32> to vector<2560x320xbf16>
    %dot_general3A_29 = arith.constant dense<0.000000e+00> : vector<64x2560xf32>
    %dot_general3A_30 = tpu.matmul %get3A_27, %convert_element_type3A_28, %dot_general3A_29 {dimension_numbers = #tpu.dot_dimension_numbers<[1], [1], [0], [0], [0, 0, 1, 0], [], []>, transpose_lhs_hint = false} : vector<64x320xbf16>, vector<2560x320xbf16>, vector<64x2560xf32> -> vector<64x2560xf32>
    %get3A_31 = arith.constant 0 : index
    %get3A_32 = arith.constant 0 : index
    %get3A_33 = vector.load %arg8[%get3A_31, %get3A_32] : memref<64x1xf32, #tpu.memory_space<vmem>>, vector<64x1xf32>
    %add3A_34 = vector.broadcast %get3A_33 : vector<64x1xf32> to vector<64x2560xf32>
    %add3A_35 = arith.addf %dot_general3A_30, %add3A_34 : vector<64x2560xf32>
    %swap3A = arith.constant 0 : index
    %swap3A_36 = arith.constant 0 : index
    %swap3A_37 = vector.load %arg9[%swap3A, %swap3A_36] : memref<64x2560xf32, #tpu.memory_space<vmem>>, vector<64x2560xf32>
    tpu.vector_store %arg9[%swap3A, %swap3A_36], %add3A_35 {strides = array<i32>} : memref<64x2560xf32, #tpu.memory_space<vmem>>, vector<64x2560xf32>,
    return
  }
  func.func @transform_1(%arg0: i32) -> (i32, i32) {
    %c0_i32 = arith.constant 0 : i32
    %c0_i32_0 = arith.constant 0 : i32
    return %arg0, %c0_i32 : i32, i32
  }
  func.func @transform_2(%arg0: i32) -> (i32, i32) {
    %add3A = arith.constant 37 : i32
    %add3A_0 = arith.addi %arg0, %add3A : i32
    %c0_i32 = arith.constant 0 : i32
    %c0_i32_1 = arith.constant 0 : i32
    return %add3A_0, %c0_i32 : i32, i32
  }
  func.func @transform_3(%arg0: i32) -> (i32, i32) {
    %add3A = arith.constant 50 : i32
    %add3A_0 = arith.addi %arg0, %add3A : i32
    %c0_i32 = arith.constant 0 : i32
    %c0_i32_1 = arith.constant 0 : i32
    return %c0_i32, %add3A_0 : i32, i32
  }
  func.func @transform_4(%arg0: i32) -> (i32, i32) {
    %c0_i32 = arith.constant 0 : i32
    %c0_i32_0 = arith.constant 0 : i32
    %c0_i32_1 = arith.constant 0 : i32
    return %c0_i32, %c0_i32_0 : i32, i32
  }
  func.func @transform_5(%arg0: i32) -> (i32, i32) {
    %c0_i32 = arith.constant 0 : i32
    %c0_i32_0 = arith.constant 0 : i32
    %c0_i32_1 = arith.constant 0 : i32
    return %c0_i32, %c0_i32_0 : i32, i32
  }
  func.func @transform_6(%arg0: i32) -> (i32, i32) {
    %c0_i32 = arith.constant 0 : i32
    %c0_i32_0 = arith.constant 0 : i32
    %c0_i32_1 = arith.constant 0 : i32
    return %c0_i32, %c0_i32_0 : i32, i32
  }
  func.func @transform_7(%arg0: i32) -> (i32, i32) {
    %c0_i32 = arith.constant 0 : i32
    %c0_i32_0 = arith.constant 0 : i32
    %c0_i32_1 = arith.constant 0 : i32
    return %c0_i32, %c0_i32_0 : i32, i32
  }
  func.func @transform_8(%arg0: i32) -> (i32, i32) {
    %add3A = arith.constant 50 : i32
    %add3A_0 = arith.addi %arg0, %add3A : i32
    %c0_i32 = arith.constant 0 : i32
    %c0_i32_1 = arith.constant 0 : i32
    return %c0_i32, %add3A_0 : i32, i32
  }
}

module attributes {stable_mosaic.version = 14 : i64} {
  func.func @_mlp_body(%arg0: i32, %arg1: memref<64x320000xf32, #tpu.memory_space<any>>, %arg2: memref<2560x128xf32, #tpu.memory_space<vmem>>, %arg3: memref<2560x128xf32, #tpu.memory_space<vmem>>, %arg4: memref<64x2560xf32, #tpu.memory_space<vmem>>, %arg5: memref<320x320xbf16, #tpu.memory_space<vmem>>, %arg6: memref<1x320xf32, #tpu.memory_space<vmem>>, %arg7: memref<64x320xbf16, #tpu.memory_space<vmem>>, %arg8: memref<64x1xf32, #tpu.memory_space<vmem>>, %arg9: memref<64x2560xf32, #tpu.memory_space<vmem>>) attributes {dimension_semantics = [#tpu.dimension_semantics<arbitrary>], iteration_bounds = array<i64: 38>, scalar_prefetch = 0 : i64, scratch_operands = 0 : i64, tpu.core_type = #tpu.core_type<tc>, window_params = [{}, {transform_indices = @transform_1, window_bounds = array<i64: 2560, 128>}, {transform_indices = @transform_2, window_bounds = array<i64: 2560, 128>}, {transform_indices = @transform_3, window_bounds = array<i64: 64, 2560>}, {pipeline_mode = #tpu.pipeline_mode<synchronous>, transform_indices = @transform_4, window_bounds = array<i64: 320, 320>}, {pipeline_mode = #tpu.pipeline_mode<synchronous>, transform_indices = @transform_5, window_bounds = array<i64: 1, 320>}, {pipeline_mode = #tpu.pipeline_mode<synchronous>, transform_indices = @transform_6, window_bounds = array<i64: 64, 320>}, {pipeline_mode = #tpu.pipeline_mode<synchronous>, transform_indices = @transform_7, window_bounds = array<i64: 64, 1>}, {transform_indices = @transform_8, window_bounds = array<i64: 64, 2560>}]} {
    %get3A = arith.constant 0 : index
    %get3A_0 = arith.constant 0 : index
    %get3A_1 = vector.load %arg4[%get3A, %get3A_0] : memref<64x2560xf32, #tpu.memory_space<vmem>>, vector<64x2560xf32>
    %transpose3A = tpu.transpose %get3A_1, [1, 0] : vector<64x2560xf32> -> vector<2560x64xf32>
    %get3A_2 = arith.constant 0 : index
    %get3A_3 = arith.constant 0 : index
    %get3A_4 = vector.load %arg2[%get3A_2, %get3A_3] : memref<2560x128xf32, #tpu.memory_space<vmem>>, vector<2560x128xf32>
    %get3A_5 = arith.constant 0 : index
    %get3A_6 = arith.constant 0 : index
    %get3A_7 = vector.load %arg3[%get3A_5, %get3A_6] : memref<2560x128xf32, #tpu.memory_space<vmem>>, vector<2560x128xf32>
    %concatenate3A = tpu.concatenate %get3A_4, %get3A_7, %transpose3A in 1 : vector<2560x128xf32>, vector<2560x128xf32>, vector<2560x64xf32> -> vector<2560x320xf32>
    %convert_element_type3A = arith.truncf %concatenate3A : vector<2560x320xf32> to vector<2560x320xbf16>
    %get3A_8 = arith.constant 0 : index
    %get3A_9 = arith.constant 0 : index
    %get3A_10 = vector.load %arg5[%get3A_8, %get3A_9] : memref<320x320xbf16, #tpu.memory_space<vmem>>, vector<320x320xbf16>
    %dot_general3A = arith.constant dense<0.000000e+00> : vector<2560x320xf32>
    %dot_general3A_11 = tpu.matmul %convert_element_type3A, %get3A_10, %dot_general3A {dimension_numbers = #tpu.dot_dimension_numbers<[1], [1], [0], [0], [0, 0, 1, 0], [], []>, transpose_lhs_hint = false} : vector<2560x320xbf16>, vector<320x320xbf16>, vector<2560x320xf32> -> vector<2560x320xf32>
    %get3A_12 = arith.constant 0 : index
    %get3A_13 = arith.constant 0 : index
    %get3A_14 = vector.load %arg6[%get3A_12, %get3A_13] : memref<1x320xf32, #tpu.memory_space<vmem>>, vector<1x320xf32>
    %add3A = vector.broadcast %get3A_14 : vector<1x320xf32> to vector<2560x320xf32>
    %add3A_15 = arith.addf %dot_general3A_11, %add3A : vector<2560x320xf32>
    %mul3A = arith.constant 5.000000e-01 : f32
    %mul3A_16 = vector.broadcast %mul3A : f32 to vector<2560x320xf32>
    %mul3A_17 = arith.mulf %mul3A_16, %add3A_15 : vector<2560x320xf32>
    %mul3A_18 = arith.constant 0.707106769 : f32
    %mul3A_19 = vector.broadcast %mul3A_18 : f32 to vector<2560x320xf32>
    %mul3A_20 = arith.mulf %add3A_15, %mul3A_19 : vector<2560x320xf32>
    %erf3A = math.erf %mul3A_20 : vector<2560x320xf32>
    %add3A_21 = arith.constant 1.000000e+00 : f32
    %add3A_22 = vector.broadcast %add3A_21 : f32 to vector<2560x320xf32>
    %add3A_23 = arith.addf %add3A_22, %erf3A : vector<2560x320xf32>
    %mul3A_24 = arith.mulf %mul3A_17, %add3A_23 : vector<2560x320xf32>
    %get3A_25 = arith.constant 0 : index
    %get3A_26 = arith.constant 0 : index
    %get3A_27 = vector.load %arg7[%get3A_25, %get3A_26] : memref<64x320xbf16, #tpu.memory_space<vmem>>, vector<64x320xbf16>
    %convert_element_type3A_28 = arith.truncf %mul3A_24 : vector<2560x320xf32> to vector<2560x320xbf16>
    %dot_general3A_29 = arith.constant dense<0.000000e+00> : vector<64x2560xf32>
    %dot_general3A_30 = tpu.matmul %get3A_27, %convert_element_type3A_28, %dot_general3A_29 {dimension_numbers = #tpu.dot_dimension_numbers<[1], [1], [0], [0], [0, 0, 1, 0], [], []>, transpose_lhs_hint = false} : vector<64x320xbf16>, vector<2560x320xbf16>, vector<64x2560xf32> -> vector<64x2560xf32>
    %get3A_31 = arith.constant 0 : index
    %get3A_32 = arith.constant 0 : index
    %get3A_33 = vector.load %arg8[%get3A_31, %get3A_32] : memref<64x1xf32, #tpu.memory_space<vmem>>, vector<64x1xf32>
    %add3A_34 = vector.broadcast %get3A_33 : vector<64x1xf32> to vector<64x2560xf32>
    %add3A_35 = arith.addf %dot_general3A_30, %add3A_34 : vector<64x2560xf32>
    %swap3A = arith.constant 0 : index
    %swap3A_36 = arith.constant 0 : index
    %swap3A_37 = vector.load %arg9[%swap3A, %swap3A_36] : memref<64x2560xf32, #tpu.memory_space<vmem>>, vector<64x2560xf32>
    tpu.vector_store %arg9[%swap3A, %swap3A_36], %add3A_35 {strides = array<i32>} : memref<64x2560xf32, #tpu.memory_space<vmem>>, vector<64x2560xf32>,
    return
  }
  func.func @transform_1(%arg0: i32) -> (i32, i32) {
    %c0_i32 = arith.constant 0 : i32
    %c0_i32_0 = arith.constant 0 : i32
    return %arg0, %c0_i32 : i32, i32
  }
  func.func @transform_2(%arg0: i32) -> (i32, i32) {
    %add3A = arith.constant 38 : i32
    %add3A_0 = arith.addi %arg0, %add3A : i32
    %c0_i32 = arith.constant 0 : i32
    %c0_i32_1 = arith.constant 0 : i32
    return %add3A_0, %c0_i32 : i32, i32
  }
  func.func @transform_3(%arg0: i32) -> (i32, i32) {
    %add3A = arith.constant 87 : i32
    %add3A_0 = arith.addi %arg0, %add3A : i32
    %c0_i32 = arith.constant 0 : i32
    %c0_i32_1 = arith.constant 0 : i32
    return %c0_i32, %add3A_0 : i32, i32
  }
  func.func @transform_4(%arg0: i32) -> (i32, i32) {
    %c0_i32 = arith.constant 0 : i32
    %c0_i32_0 = arith.constant 0 : i32
    %c0_i32_1 = arith.constant 0 : i32
    return %c0_i32, %c0_i32_0 : i32, i32
  }
  func.func @transform_5(%arg0: i32) -> (i32, i32) {
    %c0_i32 = arith.constant 0 : i32
    %c0_i32_0 = arith.constant 0 : i32
    %c0_i32_1 = arith.constant 0 : i32
    return %c0_i32, %c0_i32_0 : i32, i32
  }
  func.func @transform_6(%arg0: i32) -> (i32, i32) {
    %c0_i32 = arith.constant 0 : i32
    %c0_i32_0 = arith.constant 0 : i32
    %c0_i32_1 = arith.constant 0 : i32
    return %c0_i32, %c0_i32_0 : i32, i32
  }
  func.func @transform_7(%arg0: i32) -> (i32, i32) {
    %c0_i32 = arith.constant 0 : i32
    %c0_i32_0 = arith.constant 0 : i32
    %c0_i32_1 = arith.constant 0 : i32
    return %c0_i32, %c0_i32_0 : i32, i32
  }
  func.func @transform_8(%arg0: i32) -> (i32, i32) {
    %add3A = arith.constant 87 : i32
    %add3A_0 = arith.addi %arg0, %add3A : i32
    %c0_i32 = arith.constant 0 : i32
    %c0_i32_1 = arith.constant 0 : i32
    return %c0_i32, %add3A_0 : i32, i32
  }
}

</mosaic_0001>

<sc_bundles>
// kernel: kernel.12.cloned.1.call-start
scs
__scs_entry_jumppad:
0x0: {  	(pc) =	sbr.rel $0x88, $3  }
0x1: {  	(tag) =	ssettag $0x0;
	lr =	simm.s32 $0x1  }
0x2: {  	[smem:$0x3F9A] =	sst lr;
	_ =	strace $0xD0000000  }
0x3: {  	_ = 	snop  }
0x4: {  	_ = 	snop  }
0x5: {  	_ = 	snop  }
0x6: {  	_ = 	snop  }
0x7: {  	_ = 	snop  }
__scs_overlays_trampoline_lowered:
0x8: {  	[smem:$0x3FA9] =	sst s0  }
0x9: {  	[smem:$0x3FAA] =	sst s1  }
0xa: {  	[smem:$0x3FAB] =	sst s2  }
0xb: {  	[smem:$0x3FAC] =	sst s3  }
0xc: {  	[smem:$0x3FAD] =	sst s4  }
0xd: {  	[smem:$0x3FAE] =	sst s5  }
0xe: {  	[smem:$0x3FAF] =	sst s6  }
0xf: {  	[smem:$0x3FB0] =	sst s7  }
0x10: {  	[smem:$0x3FB1] =	sst s8  }
0x11: {  	[smem:$0x3FB2] =	sst s9;
	s0 =	simm.s32 @!p0 $0x0  }
0x12: {  	s1 =	sld [smem:$0x3F98];
	s0 =	simm.s32 @p0 $0x1  }
0x13: {  	[smem:$0x3FB3] =	sst s0;
	s0 =	simm.s32 @!p1 $0x0  }
0x14: {  	s2 =	sld [smem:$0x3F97];
	s0 =	simm.s32 @p1 $0x1  }
0x15: {  	[smem:$0x3FB4] =	sst s0;
	s0 =	simm.s32 @!p2 $0x0  }
0x16: {  	s3 =	sld [smem:$0x3FDB];
	s0 =	simm.s32 @p2 $0x1  }
0x17: {  	s4 =	simm.s32 $0x1BF5;
	[smem:$0x3FB6] =	sst s0  }
0x18: {  	s0 =	sld [smem:$0x3F99];
	_ =	swait.ge [sflag:s4], $0x0  }
0x19: {  	s7 =	sld [smem:$0x3F9A]  }
0x1a: {  	s8 =	sadd.s32 $0xFFFFE003, lr  }
0x1b: {  	s9 =	sadd.s32 $0xFFFFFEF7, lr;
	s5 =	simm.s32 $0xFFFFFFFF;
	p2 =	slt.u32 s8, $0xFFFFF086  }
0x1c: {  	p1 =	slt.u32 s9, $0xF7A;
	s5 =	simm.s32 @!p2 $0x0  }
0x1d: {  	s5 =	simm.s32 @p1 $0x1;
	p0 =	seq.s32 s7, s2  }
0x1e: {  	s7 =	smul.u32 @!p0 $0xF7A, s2;
	p2 =	seq.s32 @!p0 s5, $0x0  }
0x1f: {  	s9 =	smul.u32 $0xF7A, s1;
	s8 =	simm.s32 @!p0 $0x1BF5;
	p2 =	por !p2, p0  }
0x20: {  	[sflag:s8] =	ssyncset.s32 @!p0 $0xFFFFF086;
	s6 =	sadd.s32 @!p0 s3, s7;
	s7 =	simm.s32 @!p0 $0x108  }
0x21: {  	s3 =	sadd.s32 s3, s9;
	s6 =	sadd.s32 @!p0 $0x88, s6;
	s7 =	simm.s32 @p2 $0x1082  }
0x22: {  	[simem:s7], [sflag:s8] =	dma.local @!p0 [hbm:s6], $0xF7A  }
0x23: {  	s9 =	sor.u32 $0xD0000000, s2;
	s6 =	simm.s32 $0x108;
	_ =	swait.ge @!p0 [sflag:s8], $0x0  }
0x24: {  	s3 =	sadd.s32 $0x88, s3;
	s6 =	simm.s32 @!p1 $0x1082;
	[sflag:s4] =	ssyncset.s32 $0xFFFFF086  }
0x25: {  	[simem:s6], [sflag:s4] =	dma.local [hbm:s3], $0xF7A  }
0x26: {  	[smem:$0x3F9A] =	sst s1;
	(tag) =	ssettag s2;
	_ =	strace s9  }
0x27: {  	s1 =	sld [smem:$0x3FAA]  }
0x28: {  	s2 =	sld [smem:$0x3FAB]  }
0x29: {  	s4 =	sld [smem:$0x3FAD]  }
0x2a: {  	p0 =	seq.s32 s5, $0x0;
	s5 =	sld [smem:$0x3FAE]  }
0x2b: {  	s6 =	sld [smem:$0x3FAF]  }
0x2c: {  	s7 =	sld [smem:$0x3FB0]  }
0x2d: {  	s3 =	simm.s32 $0x108;
	s8 =	sld [smem:$0x3FB1]  }
0x2e: {  	s3 =	simm.s32 @!p0 $0x1082;
	s9 =	sld [smem:$0x3FB2]  }
0x2f: {  	lr =	sadd.s32 s0, s3;
	s0 =	sld [smem:$0x3FA9]  }
0x30: {  	s3 =	sld [smem:$0x3FAC]  }
0x31: {  	[smem:$0x3FB5] =	sst s10  }
0x32: {  	s10 =	sld [smem:$0x3FB3];
	_ =	sdelay $0x3  }
0x33: {  	p0 =	seq.s32 s10, $0x1;
	s10 =	sld [smem:$0x3FB5];
	_ =	sdelay $0x3  }
0x34: {  	[smem:$0x3FB5] =	sst s10  }
0x35: {  	s10 =	sld [smem:$0x3FB4];
	_ =	sdelay $0x3  }
0x36: {  	p1 =	seq.s32 s10, $0x1;
	s10 =	sld [smem:$0x3FB5];
	_ =	sdelay $0x3  }
0x37: {  	[smem:$0x3FB5] =	sst s10  }
0x38: {  	s10 =	sld [smem:$0x3FB6]  }
0x39: {  	_ = 	snop;
	(pc) =	sbr.ind lr, $3  }
0x3a: {  	_ = 	snop  }
0x3b: {  	_ = 	snop  }
0x3c: {  	p2 =	seq.s32 s10, $0x1;
	s10 =	sld [smem:$0x3FB5]  }
0x3d: {  	_ =	shalt  }
0x3e: {  	_ =	shalt  }
0x3f: {  	_ =	shalt  }
0x40: {  	_ =	shalt  }
0x41: {  	_ =	shalt  }
0x42: {  	_ =	shalt  }
0x43: {  	_ =	shalt  }
0x44: {  	_ =	shalt  }
0x45: {  	_ =	shalt  }
0x46: {  	_ =	shalt  }
0x47: {  	_ =	shalt  }
0x48: {  	_ =	shalt  }
0x49: {  	_ =	shalt  }
0x4a: {  	_ =	shalt  }
0x4b: {  	_ =	shalt  }
0x4c: {  	_ =	shalt  }
0x4d: {  	_ =	shalt  }
0x4e: {  	_ =	shalt  }
0x4f: {  	_ =	shalt  }
0x50: {  	_ =	shalt  }
0x51: {  	_ =	shalt  }
0x52: {  	_ =	shalt  }
0x53: {  	_ =	shalt  }
0x54: {  	_ =	shalt  }
0x55: {  	_ =	shalt  }
0x56: {  	_ =	shalt  }
0x57: {  	_ =	shalt  }
0x58: {  	_ =	shalt  }
0x59: {  	_ =	shalt  }
0x5a: {  	_ =	shalt  }
0x5b: {  	_ =	shalt  }
0x5c: {  	_ =	shalt  }
0x5d: {  	_ =	shalt  }
0x5e: {  	_ =	shalt  }
0x5f: {  	_ =	shalt  }
0x60: {  	_ =	shalt  }
0x61: {  	_ =	shalt  }
0x62: {  	_ =	shalt  }
0x63: {  	_ =	shalt  }
0x64: {  	_ =	shalt  }
0x65: {  	_ =	shalt  }
0x66: {  	_ =	shalt  }
0x67: {  	_ =	shalt  }
0x68: {  	_ =	shalt  }
0x69: {  	_ =	shalt  }
0x6a: {  	_ =	shalt  }
0x6b: {  	_ =	shalt  }
0x6c: {  	_ =	shalt  }
0x6d: {  	_ =	shalt  }
0x6e: {  	_ =	shalt  }
0x6f: {  	_ =	shalt  }
0x70: {  	_ =	shalt  }
0x71: {  	_ =	shalt  }
0x72: {  	_ =	shalt  }
0x73: {  	_ =	shalt  }
0x74: {  	_ =	shalt  }
0x75: {  	_ =	shalt  }
0x76: {  	_ =	shalt  }
0x77: {  	_ =	shalt  }
0x78: {  	_ =	shalt  }
0x79: {  	_ =	shalt  }
0x7a: {  	_ =	shalt  }
0x7b: {  	_ =	shalt  }
0x7c: {  	_ =	shalt  }
0x7d: {  	_ =	shalt  }
0x7e: {  	_ =	shalt  }
0x7f: {  	_ =	shalt  }
0x80: {  	_ =	shalt  }
0x81: {  	_ =	shalt  }
0x82: {  	_ =	shalt  }
0x83: {  	_ =	shalt  }
0x84: {  	_ =	shalt  }
0x85: {  	_ =	shalt  }
0x86: {  	_ =	shalt  }
0x87: {  	_ =	shalt  }
.Lfunc_end0:
.L_simem_size_0:
called_computation_lowered:
.L_overlay_start_0:
0x88: {  	s2 =	sld [smem:$0x3FD9]  }
0x89: {  	s3 =	sld [smem:$0x3FFE];
	_ =	sdelay $0x1  }
0x8a: {  	s1 =	srdreg.scid  }
0x8b: {  	s0 =	sand.u32 $0x1, s1  }
0x8c: {  	s17 =	sshll.u32 s0, $0xA;
	s2 =	sadd.s32 s3, s2  }
0x8d: {  	s2 =	sadd.s32 s2, s17  }
0x8e: {  	[smem:$0x3FC1] =	sst s2  }
0x8f: {  	_ = 	snop  }
0x90: {  	s2 =	sld [smem:$0x3FD0];
	(tm) =	ssettm $0x1  }
0x91: {  	s18 =	sld [smem:$0x3FFB];
	_ =	sdelay $0x3  }
0x92: {  	_ =	strace s18  }
0x93: {  	s3 =	sld [smem:$0x3FFC];
	_ =	sdelay $0x3  }
0x94: {  	_ =	strace s3  }
0x95: {  	s3 =	sld [smem:$0x3FFD];
	_ =	sdelay $0x3  }
0x96: {  	_ =	strace s3  }
0x97: {  	_ =	strace $0x8FFFFFFF  }
0x98: {  	s19 =	sld [smem:$0x3FDB];
	_ =	sdelay $0x1  }
0x99: {  	s4 =	simm.s32 $_scs_section_size  }
0x9a: {  	s5 =	simm.s32 $_size__tile_overlayer_lowered;
	s6 =	simm.s32 $_tile_overlayer_lowered  }
0x9b: {  	s22 =	simm.s32 $0x1BFF;
	s21 =	sshll.u32 s6, $0x1;
	s3 =	sadd.s32 s4, s19  }
0x9c: {  	s7 =	simm.s32 $0x0;
	s20 =	sshll.u32 s5, $0x1;
	s5 =	sadd.s32 s21, s3  }
0x9d: {  	[timem:s7], [sflag:s22] =	dma.local [hbm:s5], s20  }
0x9e: {  	_ =	swait.ge [sflag:s22], s20  }
0x9f: {  	s4 =	ssub.s32 $0x0, s20;
	[sflag:s22] =	ssyncset.done $0x0  }
0xa0: {  	[sflag:s22] =	ssyncadd.s32 s4;
	_ =	sdelay $0x1  }
0xa1: {  	s23 =	simm.s32 $0x1B8B  }
0xa2: {  	_ =	swait.ge [sflag:s23], $0x1  }
0xa3: {  	[sflag:s23] =	ssyncset.done $0x0  }
0xa4: {  	s25 =	simm.s32 $0x1B8E;
	s24 =	sld [smem:$0x3FFE];
	[sflag:s23] =	ssyncadd.s32 $0xFFFFFFFF  }
0xa5: {  	s26 =	simm.s32 $execute0_lowered;
	[smem:$0x3FD2] =	sst s25  }
0xa6: {  	s5 =	sshll.u32 s26, $0x1;
	_ =	strace $0x80000046;
	[dreg:$0x1] =	wrdreg $0xFFFFFFFF  }
0xa7: {  	s28 =	simm.s32 $_size_execute0_lowered;
	s3 =	sadd.s32 s3, s5;
	[dreg:$0x0] =	wrdreg $0x0  }
0xa8: {  	s5 =	sshll.u32 s28, $0x1;
	[dreg:$0x2] =	wrdreg s3  }
0xa9: {  	[dreg:$0x3] =	wrdreg s5  }
0xaa: {  	[dreg:$0x4] =	wrdreg $0xC0  }
0xab: {  	_ =	task [dreg:s7], $0x5FFFF  }
0xac: {  	[dreg:$0x1] =	wrdreg $0xFFFFFFFF  }
0xad: {  	[dreg:$0x0] =	wrdreg $0x60  }
0xae: {  	[dreg:$0x2] =	wrdreg s24  }
0xaf: {  	[dreg:$0x3] =	wrdreg s2  }
0xb0: {  	[dreg:$0x4] =	wrdreg $0x0  }
0xb1: {  	[dreg:$0x5] =	wrdreg $0x9  }
0xb2: {  	_ =	task.clear_ibuf [dreg:s7], $0x6FFFF;
	_ =	strace $0x90000046  }
0xb3: {  	s29 =	simm.s32 $0x9;
	_ =	strace $0x80000048  }
0xb4: {  	_ =	swait.ge [sflag:s29], $0x1  }
0xb5: {  	[sflag:s29] =	ssyncadd.s32 $0xFFFFFFFF  }
0xb6: {  	_ =	strace $0x90000048  }
0xb7: {  	_ =	sfence  }
0xb8: {  	s30 =	sld [smem:$0x0];
	_ =	sdelay $0x2  }
0xb9: {  	s31 =	sshll.u32 s1, $0xD;
	s1 =	sshrl.u32 s1, $0x2  }
0xba: {  	s3 =	sand.u32 $0x4000, s31;
	s1 =	sadd.s32 s1, s30  }
0xbb: {  	s0 =	sor.u32 s3, s0;
	s1 =	sshll.u32 s1, $0x11  }
0xbc: {  	s0 =	sor.u32 s1, s0  }
0xbd: {  	s0 =	sadd.s32 $0x8F2B, s0  }
0xbe: {  	[sflag:s0] =	ssyncadd.remote.s32 $0x1  }
0xbf: {  	_ =	sfence.sel $0xFFFF  }
0xc0: {  	[dreg:$0x0] =	wrdreg $0xFFFFFFFF;
	(pc) =	sbr.abs _section_cstart, $3  }
0xc1: {  	[dreg:$0x1] =	wrdreg $0xFFFFFFFF  }
0xc2: {  	_ =	task.clear_ibuf [dreg:s7], $0x2FFFF;
	_ =	strace $0x9FFFFFFF  }
0xc3: {  	(tm) =	ssettm $0x7FFFFFFF  }
tec
execute0_lowered:
.L_overlay_start_1:
0x0: {  	(tag) =	ssettag $0x1  }
0x1: {  	s4 =	rddreg [dreg:$0x0]  }
0x2: {  	s5 =	rddreg [dreg:$0x1]  }
0x3: {  	s2 =	rddreg [dreg:$0x2];
	s0 =	srdreg.scid  }
0x4: {  	s1 =	stileid.u32;
	s3 =	simm.s32 $0x0;
	s0 =	sand.u32 $0x1, s0  }
0x5: {  	s6 =	sshll.u32 s1, $0x1;
	[smem:$0x7FF] =	sst s3;
	s7 =	smul.u32 $0x2780, s1  }
0x6: {  	s13 =	sshll.u32 s1, $0x6;
	s9 =	smul.u32 $0x4F000, s1;
	s6 =	sor.u32 s0, s6  }
0x7: {  	_ =	strace $0x80000047;
	s14 =	sor.u32 $0x1C05, s13;
	s15 =	smul.u32 $0x19000, s6  }
0x8: {  	s8 =	sshll.u32 s6, $0x8;
	[dreg:$0x5] =	wrdreg s14;
	s17 =	smul.u32 $0x3200, s6  }
0x9: {  	s8 =	sadd.s32 s8, s4;
	s4 =	sadd.s32 s4, s7;
	s20 =	rddreg [dreg:$0x5]  }
0xa: {  	s19 =	sshrl.u32 s9, $0x2;
	[dreg:$0x4] =	wrdreg s4;
	s16 =	sadd.s32 $0x27800, s8  }
0xb: {  	s18 =	sshrl.u32 s15, $0x3;
	s4 =	sadd.s32 s5, s17;
	[dreg:$0x6] =	wrdreg s16  }
0xc: {  	s6 =	sadd.s32 s5, s18;
	s22 =	rddreg [dreg:$0x4];
	s24 =	sadd.s32 $0xA00, s4  }
0xd: {  	s23 =	sadd.s32 s19, s2;
	s21 =	sadd.s32 $0x500, s6;
	[dreg:$0x8] =	wrdreg s24  }
0xe: {  	s5 =	sshrl.u32 s23, $0x3;
	s6 =	simm.s32 $0x5;
	[dreg:$0x7] =	wrdreg s21  }
0xf: {  	[spmem:s5], [sflag:s20] =	dma.local [hbm:s22], $0x2780  }
0x10: {  	_ =	swait.ge [sflag:s6], $0x2780  }
0x11: {  	[sflag:s6] =	ssyncset.done $0x0  }
0x12: {  	s7 =	simm.s32 $0x13C00;
	s25 =	rddreg [dreg:$0x6];
	[sflag:s6] =	ssyncadd.s32 $0xFFFFD880  }
0x13: {  	[tilespmem:s7], [sflag:$0x5] =	stream.linear.gather [hbm4b:s25+s3], $0x500, $0x38;
	[tilespmem:$0x19400] =	vst v63  }
0x14: {  	_ =	swait.ge [sflag:s6], $0x500  }
0x15: {  	[sflag:s6] =	ssyncset.done $0x0  }
0x16: {  	[sflag:s6] =	ssyncadd.s32 $0xFFFFFB00  }
0x17: {  	s9 =	simm.s32 $0x14400;
	s8 =	simm.s32 $0x50;
	[bflag:$0x0] =	sbarrier.arrive $0xFFFF  }
0x18: {  	[tilespmem:s9], [sflag:$0x1] =	stream.indirect.gather [spmem:s2], $0x80, s7, s8, $0xb8;
	[tilespmem:$0x19400] =	vst v63  }
0x19: {  	s26 =	simm.s32 $0x13C80;
	s11 =	simm.s32 $0x16C00;
	s12 =	simm.s32 $0x1  }
0x1a: {  	[tilespmem:s11], [sflag:$0x2] =	stream.indirect.gather [spmem:s2], $0x80, s26, s8, $0xb8;
	[tilespmem:$0x19400] =	vst v63  }
0x1b: {  	_ =	swait.ge [sflag:s12], $0x2800  }
0x1c: {  	[sflag:s12] =	ssyncset.done $0x0  }
0x1d: {  	s13 =	simm.s32 $0x2;
	[sflag:s12] =	ssyncadd.s32 $0xFFFFD800  }
0x1e: {  	[hbm4b:s4+s3] =	stream.linear.scatter [tilespmem:s9], [sflag:$0x3], $0x2800, $0x38;
	[tilespmem:$0x19400] =	vst v63  }
0x1f: {  	_ =	swait.ge [sflag:s13], $0x2800  }
0x20: {  	[sflag:s13] =	ssyncset.done $0x0  }
0x21: {  	s14 =	simm.s32 $0x3;
	s15 =	rddreg [dreg:$0x7];
	[sflag:s13] =	ssyncadd.s32 $0xFFFFD800  }
0x22: {  	[hbm4b:s15+s3] =	stream.linear.scatter [tilespmem:s11], [sflag:$0x4], $0x2800, $0x38;
	[tilespmem:$0x19400] =	vst v63  }
0x23: {  	_ =	swait.ge [sflag:s14], $0x2800  }
0x24: {  	[sflag:s14] =	ssyncset.done $0x0  }
0x25: {  	s16 =	simm.s32 $0x13D00;
	s15 =	simm.s32 $0x4;
	[sflag:s14] =	ssyncadd.s32 $0xFFFFD800  }
0x26: {  	[tilespmem:s9], [sflag:$0x1] =	stream.indirect.gather [spmem:s2], $0x80, s16, s8, $0xb8;
	[tilespmem:$0x19400] =	vst v63  }
0x27: {  	_ =	swait.ge [sflag:s15], $0x2800  }
0x28: {  	[sflag:s15] =	ssyncset.done $0x0  }
0x29: {  	s17 =	simm.s32 $0x13D80;
	[sflag:s15] =	ssyncadd.s32 $0xFFFFD800  }
0x2a: {  	[tilespmem:s11], [sflag:$0x2] =	stream.indirect.gather [spmem:s2], $0x80, s17, s8, $0xb8;
	[tilespmem:$0x19400] =	vst v63  }
0x2b: {  	_ =	swait.ge [sflag:s12], $0x2800  }
0x2c: {  	[sflag:s12] =	ssyncset.done $0x0  }
0x2d: {  	s18 =	rddreg [dreg:$0x8];
	[sflag:s12] =	ssyncadd.s32 $0xFFFFD800  }
0x2e: {  	[hbm4b:s18+s3] =	stream.linear.scatter [tilespmem:s9], [sflag:$0x3], $0x2800, $0x38;
	[tilespmem:$0x19400] =	vst v63  }
0x2f: {  	_ =	swait.ge [sflag:s13], $0x2800  }
0x30: {  	[sflag:s13] =	ssyncset.done $0x0  }
0x31: {  	s18 =	sadd.s32 $0xF00, s4;
	[sflag:s13] =	ssyncadd.s32 $0xFFFFD800  }
0x32: {  	[hbm4b:s18+s3] =	stream.linear.scatter [tilespmem:s11], [sflag:$0x4], $0x2800, $0x38;
	[tilespmem:$0x19400] =	vst v63  }
0x33: {  	_ =	swait.ge [sflag:s14], $0x2800  }
0x34: {  	[sflag:s14] =	ssyncset.done $0x0  }
0x35: {  	s19 =	simm.s32 $0x13E00;
	[sflag:s14] =	ssyncadd.s32 $0xFFFFD800  }
0x36: {  	[tilespmem:s9], [sflag:$0x1] =	stream.indirect.gather [spmem:s2], $0x80, s19, s8, $0xb8;
	[tilespmem:$0x19400] =	vst v63  }
0x37: {  	_ =	swait.ge [sflag:s15], $0x2800  }
0x38: {  	[sflag:s15] =	ssyncset.done $0x0  }
0x39: {  	s20 =	simm.s32 $0x13E80;
	[sflag:s15] =	ssyncadd.s32 $0xFFFFD800  }
0x3a: {  	[tilespmem:s11], [sflag:$0x2] =	stream.indirect.gather [spmem:s2], $0x80, s20, s8, $0xb8;
	[tilespmem:$0x19400] =	vst v63  }
0x3b: {  	_ =	swait.ge [sflag:s12], $0x2800  }
0x3c: {  	[sflag:s12] =	ssyncset.done $0x0  }
0x3d: {  	s21 =	sadd.s32 $0x1400, s4;
	[sflag:s12] =	ssyncadd.s32 $0xFFFFD800  }
0x3e: {  	[hbm4b:s21+s3] =	stream.linear.scatter [tilespmem:s9], [sflag:$0x3], $0x2800, $0x38;
	[tilespmem:$0x19400] =	vst v63  }
0x3f: {  	_ =	swait.ge [sflag:s13], $0x2800  }
0x40: {  	[sflag:s13] =	ssyncset.done $0x0  }
0x41: {  	s22 =	sadd.s32 $0x1900, s4;
	[sflag:s13] =	ssyncadd.s32 $0xFFFFD800  }
0x42: {  	[hbm4b:s22+s3] =	stream.linear.scatter [tilespmem:s11], [sflag:$0x4], $0x2800, $0x38;
	[tilespmem:$0x19400] =	vst v63  }
0x43: {  	_ =	swait.ge [sflag:s14], $0x2800  }
0x44: {  	[sflag:s14] =	ssyncset.done $0x0  }
0x45: {  	s23 =	simm.s32 $0x13F00;
	[sflag:s14] =	ssyncadd.s32 $0xFFFFD800  }
0x46: {  	[tilespmem:s9], [sflag:$0x1] =	stream.indirect.gather [spmem:s2], $0x80, s23, s8, $0xb8;
	[tilespmem:$0x19400] =	vst v63  }
0x47: {  	_ =	swait.ge [sflag:s15], $0x2800  }
0x48: {  	[sflag:s15] =	ssyncset.done $0x0  }
0x49: {  	s24 =	simm.s32 $0x13F80;
	[sflag:s15] =	ssyncadd.s32 $0xFFFFD800  }
0x4a: {  	[tilespmem:s11], [sflag:$0x2] =	stream.indirect.gather [spmem:s2], $0x80, s24, s8, $0xb8;
	[tilespmem:$0x19400] =	vst v63  }
0x4b: {  	_ =	swait.ge [sflag:s12], $0x2800  }
0x4c: {  	[sflag:s12] =	ssyncset.done $0x0  }
0x4d: {  	s25 =	sadd.s32 $0x1E00, s4;
	[sflag:s12] =	ssyncadd.s32 $0xFFFFD800  }
0x4e: {  	[hbm4b:s25+s3] =	stream.linear.scatter [tilespmem:s9], [sflag:$0x3], $0x2800, $0x38;
	[tilespmem:$0x19400] =	vst v63  }
0x4f: {  	_ =	swait.ge [sflag:s13], $0x2800  }
0x50: {  	[sflag:s13] =	ssyncset.done $0x0  }
0x51: {  	s26 =	sadd.s32 $0x2300, s4;
	[sflag:s13] =	ssyncadd.s32 $0xFFFFD800  }
0x52: {  	[hbm4b:s26+s3] =	stream.linear.scatter [tilespmem:s11], [sflag:$0x4], $0x2800, $0x38;
	[tilespmem:$0x19400] =	vst v63  }
0x53: {  	_ =	swait.ge [sflag:s14], $0x2800  }
0x54: {  	[sflag:s14] =	ssyncset.done $0x0  }
0x55: {  	s28 =	simm.s32 $0x14000;
	[sflag:s14] =	ssyncadd.s32 $0xFFFFD800  }
0x56: {  	[tilespmem:s9], [sflag:$0x1] =	stream.indirect.gather [spmem:s2], $0x80, s28, s8, $0xb8;
	[tilespmem:$0x19400] =	vst v63  }
0x57: {  	_ =	swait.ge [sflag:s15], $0x2800  }
0x58: {  	[sflag:s15] =	ssyncset.done $0x0  }
0x59: {  	s29 =	simm.s32 $0x14080;
	[sflag:s15] =	ssyncadd.s32 $0xFFFFD800  }
0x5a: {  	[tilespmem:s11], [sflag:$0x2] =	stream.indirect.gather [spmem:s2], $0x80, s29, s8, $0xb8;
	[tilespmem:$0x19400] =	vst v63  }
0x5b: {  	_ =	swait.ge [sflag:s12], $0x2800  }
0x5c: {  	s0 =	ssub.s32 $0x2, s0;
	[sflag:s12] =	ssyncset.done $0x0  }
0x5d: {  	s10 =	sshrl.u32 s0, $0x1;
	s30 =	sadd.s32 $0x2800, s4;
	[sflag:s12] =	ssyncadd.s32 $0xFFFFD800  }
0x5e: {  	[hbm4b:s30+s3] =	stream.linear.scatter [tilespmem:s9], [sflag:$0x3], $0x2800, $0x38;
	[tilespmem:$0x19400] =	vst v63  }
0x5f: {  	s0 =	ssub.s32 s0, s10;
	_ =	swait.ge [sflag:s13], $0x2800  }
0x60: {  	s0 =	smax.u32 s0, $0x1;
	[sflag:s13] =	ssyncset.done $0x0  }
0x61: {  	s31 =	sadd.s32 $0x2D00, s4;
	p0 =	sne.s32 s0, $0x1;
	[sflag:s13] =	ssyncadd.s32 $0xFFFFD800  }
0x62: {  	[hbm4b:s31+s3] =	stream.linear.scatter [tilespmem:s11], [sflag:$0x4], $0x2800, $0x38;
	[tilespmem:$0x19400] =	vst v63  }
.Ltmp0:
0x63: {  	_ =	swait.ge [sflag:s14], $0x2800;
	(pc) =	sbr.rel @!p0 .LBB2_2-.Ltmp0, $4  }
0x64: {  	[sflag:s14] =	ssyncset.done $0x0  }
0x65: {  	[sflag:s14] =	ssyncadd.s32 $0xFFFFD800  }
0x66: {  	_ =	swait.ge [sflag:s15], $0x2800  }
0x67: {  	s0 =	sadd.s32 $0xFFFFFFFF, s0;
	[sflag:s15] =	ssyncset.done $0x0  }
.LBB2_1:
0x68: {  	s1 =	rddreg [dreg:$0x5]  }
0x69: {  	[sflag:s15] =	ssyncadd.s32 $0xFFFFD800;
	s10 =	rddreg [dreg:$0x4]  }
0x6a: {  	[spmem:s5], [sflag:s1] =	dma.local [hbm:s10], $0x2780  }
0x6b: {  	_ =	swait.ge [sflag:s6], $0x2780  }
0x6c: {  	[sflag:s6] =	ssyncset.done $0x0  }
0x6d: {  	s10 =	rddreg [dreg:$0x6];
	[sflag:s6] =	ssyncadd.s32 $0xFFFFD880  }
0x6e: {  	[tilespmem:s7], [sflag:$0x5] =	stream.linear.gather [hbm4b:s10+s3], $0x500, $0x38;
	[tilespmem:$0x19400] =	vst v63  }
0x6f: {  	_ =	swait.ge [sflag:s6], $0x500  }
0x70: {  	[sflag:s6] =	ssyncset.done $0x0  }
0x71: {  	[sflag:s6] =	ssyncadd.s32 $0xFFFFFB00  }
0x72: {  	[bflag:$0x0] =	sbarrier.arrive $0xFFFF  }
0x73: {  	[tilespmem:s9], [sflag:$0x1] =	stream.indirect.gather [spmem:s2], $0x80, s7, s8, $0xb8;
	[tilespmem:$0x19400] =	vst v63  }
0x74: {  	s10 =	simm.s32 $0x13C80  }
0x75: {  	[tilespmem:s11], [sflag:$0x2] =	stream.indirect.gather [spmem:s2], $0x80, s10, s8, $0xb8;
	[tilespmem:$0x19400] =	vst v63  }
0x76: {  	_ =	swait.ge [sflag:s12], $0x2800  }
0x77: {  	[sflag:s12] =	ssyncset.done $0x0  }
0x78: {  	[sflag:s12] =	ssyncadd.s32 $0xFFFFD800  }
0x79: {  	[hbm4b:s4+s3] =	stream.linear.scatter [tilespmem:s9], [sflag:$0x3], $0x2800, $0x38;
	[tilespmem:$0x19400] =	vst v63  }
0x7a: {  	_ =	swait.ge [sflag:s13], $0x2800  }
0x7b: {  	[sflag:s13] =	ssyncset.done $0x0  }
0x7c: {  	s10 =	rddreg [dreg:$0x7];
	[sflag:s13] =	ssyncadd.s32 $0xFFFFD800  }
0x7d: {  	[hbm4b:s10+s3] =	stream.linear.scatter [tilespmem:s11], [sflag:$0x4], $0x2800, $0x38;
	[tilespmem:$0x19400] =	vst v63  }
0x7e: {  	_ =	swait.ge [sflag:s14], $0x2800  }
0x7f: {  	[sflag:s14] =	ssyncset.done $0x0  }
0x80: {  	[sflag:s14] =	ssyncadd.s32 $0xFFFFD800  }
0x81: {  	[tilespmem:s9], [sflag:$0x1] =	stream.indirect.gather [spmem:s2], $0x80, s16, s8, $0xb8;
	[tilespmem:$0x19400] =	vst v63  }
0x82: {  	_ =	swait.ge [sflag:s15], $0x2800  }
0x83: {  	[sflag:s15] =	ssyncset.done $0x0  }
0x84: {  	[sflag:s15] =	ssyncadd.s32 $0xFFFFD800  }
0x85: {  	[tilespmem:s11], [sflag:$0x2] =	stream.indirect.gather [spmem:s2], $0x80, s17, s8, $0xb8;
	[tilespmem:$0x19400] =	vst v63  }
0x86: {  	_ =	swait.ge [sflag:s12], $0x2800  }
0x87: {  	[sflag:s12] =	ssyncset.done $0x0  }
0x88: {  	s10 =	rddreg [dreg:$0x8];
	[sflag:s12] =	ssyncadd.s32 $0xFFFFD800  }
0x89: {  	[hbm4b:s10+s3] =	stream.linear.scatter [tilespmem:s9], [sflag:$0x3], $0x2800, $0x38;
	[tilespmem:$0x19400] =	vst v63  }
0x8a: {  	_ =	swait.ge [sflag:s13], $0x2800  }
0x8b: {  	[sflag:s13] =	ssyncset.done $0x0  }
0x8c: {  	[sflag:s13] =	ssyncadd.s32 $0xFFFFD800  }
0x8d: {  	[hbm4b:s18+s3] =	stream.linear.scatter [tilespmem:s11], [sflag:$0x4], $0x2800, $0x38;
	[tilespmem:$0x19400] =	vst v63  }
0x8e: {  	_ =	swait.ge [sflag:s14], $0x2800  }
0x8f: {  	[sflag:s14] =	ssyncset.done $0x0  }
0x90: {  	[sflag:s14] =	ssyncadd.s32 $0xFFFFD800  }
0x91: {  	[tilespmem:s9], [sflag:$0x1] =	stream.indirect.gather [spmem:s2], $0x80, s19, s8, $0xb8;
	[tilespmem:$0x19400] =	vst v63  }
0x92: {  	_ =	swait.ge [sflag:s15], $0x2800  }
0x93: {  	[sflag:s15] =	ssyncset.done $0x0  }
0x94: {  	[sflag:s15] =	ssyncadd.s32 $0xFFFFD800  }
0x95: {  	[tilespmem:s11], [sflag:$0x2] =	stream.indirect.gather [spmem:s2], $0x80, s20, s8, $0xb8;
	[tilespmem:$0x19400] =	vst v63  }
0x96: {  	_ =	swait.ge [sflag:s12], $0x2800  }
0x97: {  	[sflag:s12] =	ssyncset.done $0x0  }
0x98: {  	[sflag:s12] =	ssyncadd.s32 $0xFFFFD800  }
0x99: {  	[hbm4b:s21+s3] =	stream.linear.scatter [tilespmem:s9], [sflag:$0x3], $0x2800, $0x38;
	[tilespmem:$0x19400] =	vst v63  }
0x9a: {  	_ =	swait.ge [sflag:s13], $0x2800  }
0x9b: {  	[sflag:s13] =	ssyncset.done $0x0  }
0x9c: {  	[sflag:s13] =	ssyncadd.s32 $0xFFFFD800  }
0x9d: {  	[hbm4b:s22+s3] =	stream.linear.scatter [tilespmem:s11], [sflag:$0x4], $0x2800, $0x38;
	[tilespmem:$0x19400] =	vst v63  }
0x9e: {  	_ =	swait.ge [sflag:s14], $0x2800  }
0x9f: {  	[sflag:s14] =	ssyncset.done $0x0  }
0xa0: {  	[sflag:s14] =	ssyncadd.s32 $0xFFFFD800  }
0xa1: {  	[tilespmem:s9], [sflag:$0x1] =	stream.indirect.gather [spmem:s2], $0x80, s23, s8, $0xb8;
	[tilespmem:$0x19400] =	vst v63  }
0xa2: {  	_ =	swait.ge [sflag:s15], $0x2800  }
0xa3: {  	[sflag:s15] =	ssyncset.done $0x0  }
0xa4: {  	[sflag:s15] =	ssyncadd.s32 $0xFFFFD800  }
0xa5: {  	[tilespmem:s11], [sflag:$0x2] =	stream.indirect.gather [spmem:s2], $0x80, s24, s8, $0xb8;
	[tilespmem:$0x19400] =	vst v63  }
0xa6: {  	_ =	swait.ge [sflag:s12], $0x2800  }
0xa7: {  	[sflag:s12] =	ssyncset.done $0x0  }
0xa8: {  	[sflag:s12] =	ssyncadd.s32 $0xFFFFD800  }
0xa9: {  	[hbm4b:s25+s3] =	stream.linear.scatter [tilespmem:s9], [sflag:$0x3], $0x2800, $0x38;
	[tilespmem:$0x19400] =	vst v63  }
0xaa: {  	_ =	swait.ge [sflag:s13], $0x2800  }
0xab: {  	[sflag:s13] =	ssyncset.done $0x0  }
0xac: {  	[sflag:s13] =	ssyncadd.s32 $0xFFFFD800  }
0xad: {  	[hbm4b:s26+s3] =	stream.linear.scatter [tilespmem:s11], [sflag:$0x4], $0x2800, $0x38;
	[tilespmem:$0x19400] =	vst v63  }
0xae: {  	_ =	swait.ge [sflag:s14], $0x2800  }
0xaf: {  	[sflag:s14] =	ssyncset.done $0x0  }
0xb0: {  	[sflag:s14] =	ssyncadd.s32 $0xFFFFD800  }
0xb1: {  	[tilespmem:s9], [sflag:$0x1] =	stream.indirect.gather [spmem:s2], $0x80, s28, s8, $0xb8;
	[tilespmem:$0x19400] =	vst v63  }
0xb2: {  	_ =	swait.ge [sflag:s15], $0x2800  }
0xb3: {  	[sflag:s15] =	ssyncset.done $0x0  }
0xb4: {  	[sflag:s15] =	ssyncadd.s32 $0xFFFFD800  }
0xb5: {  	[tilespmem:s11], [sflag:$0x2] =	stream.indirect.gather [spmem:s2], $0x80, s29, s8, $0xb8;
	[tilespmem:$0x19400] =	vst v63  }
0xb6: {  	_ =	swait.ge [sflag:s12], $0x2800  }
0xb7: {  	[sflag:s12] =	ssyncset.done $0x0  }
0xb8: {  	[sflag:s12] =	ssyncadd.s32 $0xFFFFD800  }
0xb9: {  	[hbm4b:s30+s3] =	stream.linear.scatter [tilespmem:s9], [sflag:$0x3], $0x2800, $0x38;
	[tilespmem:$0x19400] =	vst v63  }
0xba: {  	_ =	swait.ge [sflag:s13], $0x2800  }
0xbb: {  	[sflag:s13] =	ssyncset.done $0x0  }
0xbc: {  	p0 =	sne.s32 s0, $0x1;
	[sflag:s13] =	ssyncadd.s32 $0xFFFFD800  }
0xbd: {  	[hbm4b:s31+s3] =	stream.linear.scatter [tilespmem:s11], [sflag:$0x4], $0x2800, $0x38;
	[tilespmem:$0x19400] =	vst v63  }
.Ltmp1:
0xbe: {  	_ =	swait.ge [sflag:s14], $0x2800;
	(pc) =	sbr.rel @p0 .LBB2_1-.Ltmp1, $4  }
0xbf: {  	[sflag:s14] =	ssyncset.done $0x0  }
0xc0: {  	[sflag:s14] =	ssyncadd.s32 $0xFFFFD800  }
0xc1: {  	_ =	swait.ge [sflag:s15], $0x2800  }
0xc2: {  	s0 =	sadd.s32 $0xFFFFFFFF, s0;
	[sflag:s15] =	ssyncset.done $0x0  }
.LBB2_2:
0xc3: {  	[sflag:s15] =	ssyncadd.s32 $0xFFFFD800  }
0xc4: {  	_ =	sfence.sel $0x180000  }
0xc5: {  	[bflag:$0x0] =	sbarrier.arrive $0xFFFF  }
0xc6: {  	_ =	strace $0x90000047  }
0xc7: {  	s0 =	stileid.u32;
	[bflag:$0x2] =	sbarrier.arrive $0xFFFF  }
0xc8: {  	p0 =	sne.s32 s0, $0x0;
	s0 =	rddreg [dreg:$0x3]  }
0xc9: {  	s0 =	sadd.s32 @!p0 $0x100000, s0  }
0xca: {  	[sflag:s0] =	ssyncadd.tile.s32 @!p0 $0x1;
	_ =	shalt  }
.Lfunc_end2:
_tile_overlayer_lowered:
.L_overlay_start_2:
0xcb: {  	(tag) =	ssettag $0x2  }
0xcc: {  	s0 =	rddreg [dreg:$0x0];
	s2 =	stileid.u32  }
0xcd: {  	s1 =	rddreg [dreg:$0x1];
	p0 =	sne.s32 s2, $0x0  }
0xce: {  	s3 =	rddreg [dreg:$0x2];
	[bflag:$0x3] =	sbarrier.arrive $0xFFFF;
	s2 =	simm.s32 @!p0 $0x1C05  }
0xcf: {  	[timem:s3], [sflag:s2] =	dma.local @!p0 [hbm:s0], s1  }
0xd0: {  	s0 =	simm.s32 @!p0 $0x5  }
0xd1: {  	_ =	swait.ge @!p0 [sflag:s0], s1  }
0xd2: {  	s1 =	ssub.s32 @!p0 $0x0, s1;
	[sflag:s0] =	ssyncset.done @!p0 $0x0  }
0xd3: {  	[sflag:s0] =	ssyncadd.s32 @!p0 s1  }
0xd4: {  	[bflag:$0x3] =	sbarrier.arrive $0xFFFF  }
0xd5: {  	_ =	shalt  }

// kernel: kernel.15.cloned.1.call-start
scs
__scs_entry_jumppad:
0x0: {  	(pc) =	sbr.rel $0x88, $3  }
0x1: {  	(tag) =	ssettag $0x0;
	lr =	simm.s32 $0x1  }
0x2: {  	[smem:$0x3F9A] =	sst lr;
	_ =	strace $0xD0000000  }
0x3: {  	_ = 	snop  }
0x4: {  	_ = 	snop  }
0x5: {  	_ = 	snop  }
0x6: {  	_ = 	snop  }
0x7: {  	_ = 	snop  }
__scs_overlays_trampoline_lowered:
0x8: {  	[smem:$0x3FA9] =	sst s0  }
0x9: {  	[smem:$0x3FAA] =	sst s1  }
0xa: {  	[smem:$0x3FAB] =	sst s2  }
0xb: {  	[smem:$0x3FAC] =	sst s3  }
0xc: {  	[smem:$0x3FAD] =	sst s4  }
0xd: {  	[smem:$0x3FAE] =	sst s5  }
0xe: {  	[smem:$0x3FAF] =	sst s6  }
0xf: {  	[smem:$0x3FB0] =	sst s7  }
0x10: {  	[smem:$0x3FB1] =	sst s8  }
0x11: {  	[smem:$0x3FB2] =	sst s9;
	s0 =	simm.s32 @!p0 $0x0  }
0x12: {  	s1 =	sld [smem:$0x3F98];
	s0 =	simm.s32 @p0 $0x1  }
0x13: {  	[smem:$0x3FB3] =	sst s0;
	s0 =	simm.s32 @!p1 $0x0  }
0x14: {  	s2 =	sld [smem:$0x3F97];
	s0 =	simm.s32 @p1 $0x1  }
0x15: {  	[smem:$0x3FB4] =	sst s0;
	s0 =	simm.s32 @!p2 $0x0  }
0x16: {  	s3 =	sld [smem:$0x3FDB];
	s0 =	simm.s32 @p2 $0x1  }
0x17: {  	s4 =	simm.s32 $0x1BF5;
	[smem:$0x3FB6] =	sst s0  }
0x18: {  	s0 =	sld [smem:$0x3F99];
	_ =	swait.ge [sflag:s4], $0x0  }
0x19: {  	s7 =	sld [smem:$0x3F9A]  }
0x1a: {  	s8 =	sadd.s32 $0xFFFFE003, lr  }
0x1b: {  	s9 =	sadd.s32 $0xFFFFFEF7, lr;
	s5 =	simm.s32 $0xFFFFFFFF;
	p2 =	slt.u32 s8, $0xFFFFF086  }
0x1c: {  	p1 =	slt.u32 s9, $0xF7A;
	s5 =	simm.s32 @!p2 $0x0  }
0x1d: {  	s5 =	simm.s32 @p1 $0x1;
	p0 =	seq.s32 s7, s2  }
0x1e: {  	s7 =	smul.u32 @!p0 $0xF7A, s2;
	p2 =	seq.s32 @!p0 s5, $0x0  }
0x1f: {  	s9 =	smul.u32 $0xF7A, s1;
	s8 =	simm.s32 @!p0 $0x1BF5;
	p2 =	por !p2, p0  }
0x20: {  	[sflag:s8] =	ssyncset.s32 @!p0 $0xFFFFF086;
	s6 =	sadd.s32 @!p0 s3, s7;
	s7 =	simm.s32 @!p0 $0x108  }
0x21: {  	s3 =	sadd.s32 s3, s9;
	s6 =	sadd.s32 @!p0 $0x88, s6;
	s7 =	simm.s32 @p2 $0x1082  }
0x22: {  	[simem:s7], [sflag:s8] =	dma.local @!p0 [hbm:s6], $0xF7A  }
0x23: {  	s9 =	sor.u32 $0xD0000000, s2;
	s6 =	simm.s32 $0x108;
	_ =	swait.ge @!p0 [sflag:s8], $0x0  }
0x24: {  	s3 =	sadd.s32 $0x88, s3;
	s6 =	simm.s32 @!p1 $0x1082;
	[sflag:s4] =	ssyncset.s32 $0xFFFFF086  }
0x25: {  	[simem:s6], [sflag:s4] =	dma.local [hbm:s3], $0xF7A  }
0x26: {  	[smem:$0x3F9A] =	sst s1;
	(tag) =	ssettag s2;
	_ =	strace s9  }
0x27: {  	s1 =	sld [smem:$0x3FAA]  }
0x28: {  	s2 =	sld [smem:$0x3FAB]  }
0x29: {  	s4 =	sld [smem:$0x3FAD]  }
0x2a: {  	p0 =	seq.s32 s5, $0x0;
	s5 =	sld [smem:$0x3FAE]  }
0x2b: {  	s6 =	sld [smem:$0x3FAF]  }
0x2c: {  	s7 =	sld [smem:$0x3FB0]  }
0x2d: {  	s3 =	simm.s32 $0x108;
	s8 =	sld [smem:$0x3FB1]  }
0x2e: {  	s3 =	simm.s32 @!p0 $0x1082;
	s9 =	sld [smem:$0x3FB2]  }
0x2f: {  	lr =	sadd.s32 s0, s3;
	s0 =	sld [smem:$0x3FA9]  }
0x30: {  	s3 =	sld [smem:$0x3FAC]  }
0x31: {  	[smem:$0x3FB5] =	sst s10  }
0x32: {  	s10 =	sld [smem:$0x3FB3];
	_ =	sdelay $0x3  }
0x33: {  	p0 =	seq.s32 s10, $0x1;
	s10 =	sld [smem:$0x3FB5];
	_ =	sdelay $0x3  }
0x34: {  	[smem:$0x3FB5] =	sst s10  }
0x35: {  	s10 =	sld [smem:$0x3FB4];
	_ =	sdelay $0x3  }
0x36: {  	p1 =	seq.s32 s10, $0x1;
	s10 =	sld [smem:$0x3FB5];
	_ =	sdelay $0x3  }
0x37: {  	[smem:$0x3FB5] =	sst s10  }
0x38: {  	s10 =	sld [smem:$0x3FB6]  }
0x39: {  	_ = 	snop;
	(pc) =	sbr.ind lr, $3  }
0x3a: {  	_ = 	snop  }
0x3b: {  	_ = 	snop  }
0x3c: {  	p2 =	seq.s32 s10, $0x1;
	s10 =	sld [smem:$0x3FB5]  }
0x3d: {  	_ =	shalt  }
0x3e: {  	_ =	shalt  }
0x3f: {  	_ =	shalt  }
0x40: {  	_ =	shalt  }
0x41: {  	_ =	shalt  }
0x42: {  	_ =	shalt  }
0x43: {  	_ =	shalt  }
0x44: {  	_ =	shalt  }
0x45: {  	_ =	shalt  }
0x46: {  	_ =	shalt  }
0x47: {  	_ =	shalt  }
0x48: {  	_ =	shalt  }
0x49: {  	_ =	shalt  }
0x4a: {  	_ =	shalt  }
0x4b: {  	_ =	shalt  }
0x4c: {  	_ =	shalt  }
0x4d: {  	_ =	shalt  }
0x4e: {  	_ =	shalt  }
0x4f: {  	_ =	shalt  }
0x50: {  	_ =	shalt  }
0x51: {  	_ =	shalt  }
0x52: {  	_ =	shalt  }
0x53: {  	_ =	shalt  }
0x54: {  	_ =	shalt  }
0x55: {  	_ =	shalt  }
0x56: {  	_ =	shalt  }
0x57: {  	_ =	shalt  }
0x58: {  	_ =	shalt  }
0x59: {  	_ =	shalt  }
0x5a: {  	_ =	shalt  }
0x5b: {  	_ =	shalt  }
0x5c: {  	_ =	shalt  }
0x5d: {  	_ =	shalt  }
0x5e: {  	_ =	shalt  }
0x5f: {  	_ =	shalt  }
0x60: {  	_ =	shalt  }
0x61: {  	_ =	shalt  }
0x62: {  	_ =	shalt  }
0x63: {  	_ =	shalt  }
0x64: {  	_ =	shalt  }
0x65: {  	_ =	shalt  }
0x66: {  	_ =	shalt  }
0x67: {  	_ =	shalt  }
0x68: {  	_ =	shalt  }
0x69: {  	_ =	shalt  }
0x6a: {  	_ =	shalt  }
0x6b: {  	_ =	shalt  }
0x6c: {  	_ =	shalt  }
0x6d: {  	_ =	shalt  }
0x6e: {  	_ =	shalt  }
0x6f: {  	_ =	shalt  }
0x70: {  	_ =	shalt  }
0x71: {  	_ =	shalt  }
0x72: {  	_ =	shalt  }
0x73: {  	_ =	shalt  }
0x74: {  	_ =	shalt  }
0x75: {  	_ =	shalt  }
0x76: {  	_ =	shalt  }
0x77: {  	_ =	shalt  }
0x78: {  	_ =	shalt  }
0x79: {  	_ =	shalt  }
0x7a: {  	_ =	shalt  }
0x7b: {  	_ =	shalt  }
0x7c: {  	_ =	shalt  }
0x7d: {  	_ =	shalt  }
0x7e: {  	_ =	shalt  }
0x7f: {  	_ =	shalt  }
0x80: {  	_ =	shalt  }
0x81: {  	_ =	shalt  }
0x82: {  	_ =	shalt  }
0x83: {  	_ =	shalt  }
0x84: {  	_ =	shalt  }
0x85: {  	_ =	shalt  }
0x86: {  	_ =	shalt  }
0x87: {  	_ =	shalt  }
.Lfunc_end0:
.L_simem_size_0:
called_computation.1_lowered:
.L_overlay_start_0:
0x88: {  	s2 =	sld [smem:$0x3FD9]  }
0x89: {  	s3 =	sld [smem:$0x3FFE];
	_ =	sdelay $0x1  }
0x8a: {  	s1 =	srdreg.scid  }
0x8b: {  	s0 =	sand.u32 $0x1, s1  }
0x8c: {  	s17 =	sshll.u32 s0, $0xA;
	s2 =	sadd.s32 s3, s2  }
0x8d: {  	s2 =	sadd.s32 s2, s17  }
0x8e: {  	[smem:$0x3FC1] =	sst s2  }
0x8f: {  	_ = 	snop  }
0x90: {  	(tm) =	ssettm $0x1  }
0x91: {  	s18 =	sld [smem:$0x3FFB];
	_ =	sdelay $0x3  }
0x92: {  	_ =	strace s18  }
0x93: {  	s2 =	sld [smem:$0x3FFC];
	_ =	sdelay $0x3  }
0x94: {  	_ =	strace s2  }
0x95: {  	s2 =	sld [smem:$0x3FFD];
	_ =	sdelay $0x3  }
0x96: {  	_ =	strace s2  }
0x97: {  	_ =	strace $0x8FFFFFFF  }
0x98: {  	s19 =	sld [smem:$0x3FDB];
	_ =	sdelay $0x1  }
0x99: {  	s20 =	simm.s32 $_scs_section_size  }
0x9a: {  	s4 =	simm.s32 $_size__tile_overlayer_lowered;
	s5 =	simm.s32 $_tile_overlayer_lowered  }
0x9b: {  	s6 =	simm.s32 $0x1BFF;
	s21 =	sshll.u32 s5, $0x1;
	s3 =	sadd.s32 s20, s19  }
0x9c: {  	s22 =	simm.s32 $0x0;
	s4 =	sshll.u32 s4, $0x1;
	s5 =	sadd.s32 s21, s3  }
0x9d: {  	[timem:s22], [sflag:s6] =	dma.local [hbm:s5], s4  }
0x9e: {  	_ =	swait.ge [sflag:s6], s4  }
0x9f: {  	s4 =	ssub.s32 $0x0, s4;
	[sflag:s6] =	ssyncset.done $0x0  }
0xa0: {  	[sflag:s6] =	ssyncadd.s32 s4;
	_ =	sdelay $0x1  }
0xa1: {  	s23 =	simm.s32 $0x1B8B  }
0xa2: {  	_ =	swait.ge [sflag:s23], $0x1  }
0xa3: {  	[sflag:s23] =	ssyncset.done $0x0  }
0xa4: {  	[sflag:s23] =	ssyncadd.s32 $0xFFFFFFFF  }
0xa5: {  	s4 =	sld [smem:$0x0]  }
0xa6: {  	s5 =	sand.u32 $0xFFFFFFFE, s1  }
0xa7: {  	p0 =	sne.s32 s1, s5  }
0xa8: {  	s5 =	sshll.u32 @p0 s5, $0xE  }
0xa9: {  	s5 =	sadd.s32 @p0 $0x11B8D, s5;
	s6 =	sshll.u32 @p0 s4, $0x11  }
0xaa: {  	s5 =	sor.u32 @p0 s6, s5  }
0xab: {  	[sflag:s5] =	ssyncadd.remote.s32 @p0 $0x1;
	_ =	sdelay $0x1  }
0xac: {  	s5 =	simm.s32 @p0 $0x1B8D  }
0xad: {  	_ =	swait.eq @p0 [sflag:s5], $0x1  }
0xae: {  	[sflag:s5] =	ssyncadd.s32 @p0 $0xFFFFFFFF  }
0xaf: {  	s6 =	sshll.u32 @!p0 s1, $0xE  }
0xb0: {  	s6 =	sor.u32 @!p0 $0x4000, s6;
	s5 =	simm.s32 @!p0 $0x1B8D  }
0xb1: {  	s4 =	sshll.u32 @!p0 s4, $0x11;
	s6 =	sadd.s32 @!p0 $0x11B8D, s6;
	_ =	swait.eq @!p0 [sflag:s5], $0x1  }
0xb2: {  	s4 =	sor.u32 @!p0 s4, s6;
	[sflag:s5] =	ssyncadd.s32 @!p0 $0xFFFFFFFF  }
0xb3: {  	s25 =	simm.s32 $0x1B8E;
	s24 =	sld [smem:$0x3FFE];
	[sflag:s4] =	ssyncadd.remote.s32 @!p0 $0x1  }
0xb4: {  	s26 =	simm.s32 $execute0_lowered;
	[smem:$0x3FD2] =	sst s25  }
0xb5: {  	s5 =	sshll.u32 s26, $0x1;
	_ =	strace $0x80000049;
	[dreg:$0x1] =	wrdreg $0xFFFFFFFF  }
0xb6: {  	s28 =	simm.s32 $_size_execute0_lowered;
	s3 =	sadd.s32 s3, s5;
	[dreg:$0x0] =	wrdreg $0x0  }
0xb7: {  	s5 =	sshll.u32 s28, $0x1;
	[dreg:$0x2] =	wrdreg s3  }
0xb8: {  	[dreg:$0x3] =	wrdreg s5  }
0xb9: {  	[dreg:$0x4] =	wrdreg $0xC0  }
0xba: {  	_ =	task [dreg:s22], $0x5FFFF  }
0xbb: {  	[dreg:$0x1] =	wrdreg $0xFFFFFFFF  }
0xbc: {  	[dreg:$0x0] =	wrdreg $0x60  }
0xbd: {  	[dreg:$0x2] =	wrdreg s24  }
0xbe: {  	[dreg:$0x3] =	wrdreg $0x0  }
0xbf: {  	[dreg:$0x4] =	wrdreg $0xA  }
0xc0: {  	_ =	task.clear_ibuf [dreg:s22], $0x5FFFF;
	_ =	strace $0x90000049  }
0xc1: {  	s29 =	simm.s32 $0xA;
	_ =	strace $0x8000004B  }
0xc2: {  	_ =	swait.ge [sflag:s29], $0x1  }
0xc3: {  	[sflag:s29] =	ssyncadd.s32 $0xFFFFFFFF  }
0xc4: {  	_ =	strace $0x9000004B  }
0xc5: {  	_ =	sfence  }
0xc6: {  	s30 =	sld [smem:$0x0];
	_ =	sdelay $0x2  }
0xc7: {  	s31 =	sshll.u32 s1, $0xD;
	s1 =	sshrl.u32 s1, $0x2  }
0xc8: {  	s4 =	sand.u32 $0x4000, s31;
	s1 =	sadd.s32 s1, s30  }
0xc9: {  	s0 =	sor.u32 s4, s0;
	s1 =	sshll.u32 s1, $0x11  }
0xca: {  	s0 =	sor.u32 s1, s0  }
0xcb: {  	s0 =	sadd.s32 $0x8F2B, s0  }
0xcc: {  	[sflag:s0] =	ssyncadd.remote.s32 $0x1  }
0xcd: {  	_ =	sfence.sel $0xFFFF  }
0xce: {  	[dreg:$0x0] =	wrdreg $0xFFFFFFFF;
	(pc) =	sbr.abs _section_cstart, $3  }
0xcf: {  	[dreg:$0x1] =	wrdreg $0xFFFFFFFF  }
0xd0: {  	_ =	task.clear_ibuf [dreg:s22], $0x2FFFF;
	_ =	strace $0x9FFFFFFF  }
0xd1: {  	(tm) =	ssettm $0x7FFFFFFF  }
tec
execute0_lowered:
.L_overlay_start_1:
0x0: {  	(tag) =	ssettag $0x1  }
0x1: {  	s4 =	rddreg [dreg:$0x0]  }
0x2: {  	s2 =	rddreg [dreg:$0x1]  }
0x3: {  	s0 =	rddreg [dreg:$0x2]  }
0x4: {  	s5 =	srdreg.scid;
	s1 =	stileid.u32;
	s3 =	simm.s32 $0x0  }
0x5: {  	s15 =	simm.s32 $0x14C00;
	s16 =	simm.s32 $0x13C80;
	s17 =	simm.s32 $0x17400  }
0x6: {  	s18 =	simm.s32 $0x1;
	s19 =	simm.s32 $0x2;
	s20 =	simm.s32 $0x3  }
0x7: {  	s21 =	simm.s32 $0x4;
	s22 =	simm.s32 $0x0;
	s7 =	sand.u32 $0x1, s5  }
0x8: {  	s23 =	sshll.u32 s1, $0x1;
	[smem:$0x7FF] =	sst s3;
	s9 =	smul.u32 $0x4F000, s1  }
0x9: {  	s10 =	sadd.s32 $0x2D800, s4;
	s12 =	smul.u32 $0x2780, s1;
	s26 =	sshll.u32 s1, $0x6  }
0xa: {  	s28 =	smul.u32 $0x12C00, s1;
	s5 =	sor.u32 s7, s23;
	_ =	strace $0x8000004A  }
0xb: {  	s8 =	ssub.s32 $0x2, s7;
	s30 =	smul.u32 $0x9600, s7;
	s6 =	sshll.u32 s5, $0x9  }
0xc: {  	s11 =	sshrl.u32 s8, $0x1;
	s24 =	sshrl.u32 s9, $0x2;
	s25 =	smul.u32 $0x9600, s5  }
0xd: {  	s14 =	smul.u32 $0x4B000, s5;
	s5 =	sor.u32 $0x1C05, s26;
	s6 =	sadd.s32 s6, s4  }
0xe: {  	s11 =	ssub.s32 s8, s11;
	s13 =	sadd.s32 s24, s2;
	s4 =	sadd.s32 s4, s12  }
0xf: {  	s12 =	simm.s32 $0x5;
	s6 =	sadd.s32 $0x29800, s6;
	s29 =	sshrl.u32 s14, $0x3  }
0x10: {  	s7 =	sadd.s32 s10, s25;
	s9 =	smax.u32 s11, $0x1;
	s11 =	sshrl.u32 s13, $0x3  }
0x11: {  	s13 =	simm.s32 $0x13C00;
	s31 =	sadd.s32 s10, s29;
	s10 =	sadd.s32 s28, s10  }
0x12: {  	s14 =	simm.s32 $0x50;
	s8 =	sadd.s32 $0x500, s31;
	s10 =	sadd.s32 s30, s10  }
.LBB2_1:
0x13: {  	[spmem:s11], [sflag:s5] =	dma.local [hbm:s4], $0x2780  }
0x14: {  	_ =	swait.ge [sflag:s12], $0x2780  }
0x15: {  	[sflag:s12] =	ssyncset.done $0x0  }
0x16: {  	[sflag:s12] =	ssyncadd.s32 $0xFFFFD880  }
0x17: {  	[tilespmem:s13], [sflag:$0x5] =	stream.linear.gather [hbm4b:s6+s3], $0xF00, $0x38;
	[tilespmem:$0x19C00] =	vst v63  }
0x18: {  	_ =	swait.ge [sflag:s12], $0xF00  }
0x19: {  	[sflag:s12] =	ssyncset.done $0x0  }
0x1a: {  	[sflag:s12] =	ssyncadd.s32 $0xFFFFF100  }
0x1b: {  	[bflag:$0x0] =	sbarrier.arrive $0xFFFF  }
0x1c: {  	[tilespmem:s15], [sflag:$0x1] =	stream.indirect.gather [spmem:s2], $0x80, s13, s14, $0xb8;
	[tilespmem:$0x19C00] =	vst v63  }
0x1d: {  	_ = 	snop  }
0x1e: {  	[tilespmem:s17], [sflag:$0x2] =	stream.indirect.gather [spmem:s2], $0x80, s16, s14, $0xb8;
	[tilespmem:$0x19C00] =	vst v63  }
0x1f: {  	_ =	swait.ge [sflag:s18], $0x2800  }
0x20: {  	[sflag:s18] =	ssyncset.done $0x0  }
0x21: {  	[sflag:s18] =	ssyncadd.s32 $0xFFFFD800  }
0x22: {  	[hbm4b:s7+s3] =	stream.linear.scatter [tilespmem:s15], [sflag:$0x3], $0x2800, $0x38;
	[tilespmem:$0x19C00] =	vst v63  }
0x23: {  	_ =	swait.ge [sflag:s19], $0x2800  }
0x24: {  	[sflag:s19] =	ssyncset.done $0x0  }
0x25: {  	[sflag:s19] =	ssyncadd.s32 $0xFFFFD800  }
0x26: {  	[hbm4b:s8+s3] =	stream.linear.scatter [tilespmem:s17], [sflag:$0x4], $0x2800, $0x38;
	[tilespmem:$0x19C00] =	vst v63  }
0x27: {  	_ =	swait.ge [sflag:s20], $0x2800  }
0x28: {  	[sflag:s20] =	ssyncset.done $0x0  }
0x29: {  	s23 =	simm.s32 $0x13D00;
	[sflag:s20] =	ssyncadd.s32 $0xFFFFD800  }
0x2a: {  	[tilespmem:s15], [sflag:$0x1] =	stream.indirect.gather [spmem:s2], $0x80, s23, s14, $0xb8;
	[tilespmem:$0x19C00] =	vst v63  }
0x2b: {  	_ =	swait.ge [sflag:s21], $0x2800  }
0x2c: {  	[sflag:s21] =	ssyncset.done $0x0  }
0x2d: {  	s30 =	simm.s32 $0x13D80;
	[sflag:s21] =	ssyncadd.s32 $0xFFFFD800  }
0x2e: {  	[tilespmem:s17], [sflag:$0x2] =	stream.indirect.gather [spmem:s2], $0x80, s30, s14, $0xb8;
	[tilespmem:$0x19C00] =	vst v63  }
0x2f: {  	_ =	swait.ge [sflag:s18], $0x2800  }
0x30: {  	s24 =	sadd.s32 $0x0, s10;
	[sflag:s18] =	ssyncset.done $0x0  }
0x31: {  	s31 =	sadd.s32 $0xA00, s24;
	[sflag:s18] =	ssyncadd.s32 $0xFFFFD800  }
0x32: {  	[hbm4b:s31+s3] =	stream.linear.scatter [tilespmem:s15], [sflag:$0x3], $0x2800, $0x38;
	[tilespmem:$0x19C00] =	vst v63  }
0x33: {  	_ =	swait.ge [sflag:s19], $0x2800  }
0x34: {  	s25 =	sadd.s32 $0xF00, s24;
	[sflag:s19] =	ssyncset.done $0x0  }
0x35: {  	s24 =	simm.s32 $0x13E00;
	s23 =	simm.s32 $0xA00;
	[sflag:s19] =	ssyncadd.s32 $0xFFFFD800  }
.LBB2_2:
0x36: {  	[hbm4b:s25+s3] =	stream.linear.scatter [tilespmem:s17], [sflag:$0x4], $0x2800, $0x38;
	[tilespmem:$0x19C00] =	vst v63  }
0x37: {  	s25 =	smov.u32 s23  }
0x38: {  	p0 =	sne.s32 s23, $0x8200;
	s23 =	sadd.s32 $0xA00, s23;
	_ =	swait.ge [sflag:s20], $0x2800  }
0x39: {  	[sflag:s20] =	ssyncset.done $0x0  }
0x3a: {  	[sflag:s20] =	ssyncadd.s32 $0xFFFFD800  }
0x3b: {  	[tilespmem:s15], [sflag:$0x1] =	stream.indirect.gather [spmem:s2], $0x80, s24, s14, $0xb8;
	[tilespmem:$0x19C00] =	vst v63  }
0x3c: {  	_ =	swait.ge [sflag:s21], $0x2800  }
0x3d: {  	[sflag:s21] =	ssyncset.done $0x0  }
0x3e: {  	s26 =	sadd.s32 $0x80, s24;
	[sflag:s21] =	ssyncadd.s32 $0xFFFFD800  }
0x3f: {  	[tilespmem:s17], [sflag:$0x2] =	stream.indirect.gather [spmem:s2], $0x80, s26, s14, $0xb8;
	[tilespmem:$0x19C00] =	vst v63  }
0x40: {  	_ =	swait.ge [sflag:s18], $0x2800  }
0x41: {  	s25 =	sadd.s32 s25, s10;
	[sflag:s18] =	ssyncset.done $0x0  }
.Ltmp0:
0x42: {  	s26 =	sadd.s32 $0xA00, s25;
	[sflag:s18] =	ssyncadd.s32 $0xFFFFD800;
	(pc) =	sbr.rel @p0 .LBB2_2-.Ltmp0, $4  }
0x43: {  	[hbm4b:s26+s3] =	stream.linear.scatter [tilespmem:s15], [sflag:$0x3], $0x2800, $0x38;
	[tilespmem:$0x19C00] =	vst v63  }
0x44: {  	_ =	swait.ge [sflag:s19], $0x2800  }
0x45: {  	[sflag:s19] =	ssyncset.done $0x0  }
0x46: {  	s24 =	sadd.s32 $0x100, s24;
	s25 =	sadd.s32 $0xF00, s25;
	[sflag:s19] =	ssyncadd.s32 $0xFFFFD800  }
0x47: {  	[hbm4b:s25+s3] =	stream.linear.scatter [tilespmem:s17], [sflag:$0x4], $0x2800, $0x38;
	[tilespmem:$0x19C00] =	vst v63  }
0x48: {  	s22 =	sadd.s32 $0x1, s22  }
0x49: {  	_ =	swait.ge [sflag:s20], $0x2800;
	p0 =	sne.s32 s22, s9  }
.Ltmp1:
0x4a: {  	[sflag:s20] =	ssyncset.done $0x0;
	(pc) =	sbr.rel @p0 .LBB2_1-.Ltmp1, $4  }
0x4b: {  	[sflag:s20] =	ssyncadd.s32 $0xFFFFD800  }
0x4c: {  	_ =	swait.ge [sflag:s21], $0x2800  }
0x4d: {  	[sflag:s21] =	ssyncset.done $0x0  }
0x4e: {  	[sflag:s21] =	ssyncadd.s32 $0xFFFFD800  }
0x4f: {  	_ =	sfence.sel $0x180000  }
0x50: {  	[bflag:$0x0] =	sbarrier.arrive $0xFFFF  }
0x51: {  	p0 =	sne.s32 s1, $0x0;
	_ =	strace $0x9000004A  }
0x52: {  	s0 =	sadd.s32 @!p0 $0x100000, s0;
	[bflag:$0x2] =	sbarrier.arrive $0xFFFF  }
0x53: {  	[sflag:s0] =	ssyncadd.tile.s32 @!p0 $0x1;
	_ =	shalt  }
.Lfunc_end2:
_tile_overlayer_lowered:
.L_overlay_start_2:
0x54: {  	(tag) =	ssettag $0x2  }
0x55: {  	s0 =	rddreg [dreg:$0x0];
	s2 =	stileid.u32  }
0x56: {  	s1 =	rddreg [dreg:$0x1];
	p0 =	sne.s32 s2, $0x0  }
0x57: {  	s3 =	rddreg [dreg:$0x2];
	[bflag:$0x3] =	sbarrier.arrive $0xFFFF;
	s2 =	simm.s32 @!p0 $0x1C05  }
0x58: {  	[timem:s3], [sflag:s2] =	dma.local @!p0 [hbm:s0], s1  }
0x59: {  	s0 =	simm.s32 @!p0 $0x5  }
0x5a: {  	_ =	swait.ge @!p0 [sflag:s0], s1  }
0x5b: {  	s1 =	ssub.s32 @!p0 $0x0, s1;
	[sflag:s0] =	ssyncset.done @!p0 $0x0  }
0x5c: {  	[sflag:s0] =	ssyncadd.s32 @!p0 s1  }
0x5d: {  	[bflag:$0x3] =	sbarrier.arrive $0xFFFF  }
0x5e: {  	_ =	shalt  }

// kernel: kernel.18.cloned.1.call-start
scs
__scs_entry_jumppad:
0x0: {  	(pc) =	sbr.rel $0x88, $3  }
0x1: {  	(tag) =	ssettag $0x0;
	lr =	simm.s32 $0x1  }
0x2: {  	[smem:$0x3F9A] =	sst lr;
	_ =	strace $0xD0000000  }
0x3: {  	_ = 	snop  }
0x4: {  	_ = 	snop  }
0x5: {  	_ = 	snop  }
0x6: {  	_ = 	snop  }
0x7: {  	_ = 	snop  }
__scs_overlays_trampoline_lowered:
0x8: {  	[smem:$0x3FA9] =	sst s0  }
0x9: {  	[smem:$0x3FAA] =	sst s1  }
0xa: {  	[smem:$0x3FAB] =	sst s2  }
0xb: {  	[smem:$0x3FAC] =	sst s3  }
0xc: {  	[smem:$0x3FAD] =	sst s4  }
0xd: {  	[smem:$0x3FAE] =	sst s5  }
0xe: {  	[smem:$0x3FAF] =	sst s6  }
0xf: {  	[smem:$0x3FB0] =	sst s7  }
0x10: {  	[smem:$0x3FB1] =	sst s8  }
0x11: {  	[smem:$0x3FB2] =	sst s9;
	s0 =	simm.s32 @!p0 $0x0  }
0x12: {  	s1 =	sld [smem:$0x3F98];
	s0 =	simm.s32 @p0 $0x1  }
0x13: {  	[smem:$0x3FB3] =	sst s0;
	s0 =	simm.s32 @!p1 $0x0  }
0x14: {  	s2 =	sld [smem:$0x3F97];
	s0 =	simm.s32 @p1 $0x1  }
0x15: {  	[smem:$0x3FB4] =	sst s0;
	s0 =	simm.s32 @!p2 $0x0  }
0x16: {  	s3 =	sld [smem:$0x3FDB];
	s0 =	simm.s32 @p2 $0x1  }
0x17: {  	s4 =	simm.s32 $0x1BF5;
	[smem:$0x3FB6] =	sst s0  }
0x18: {  	s0 =	sld [smem:$0x3F99];
	_ =	swait.ge [sflag:s4], $0x0  }
0x19: {  	s7 =	sld [smem:$0x3F9A]  }
0x1a: {  	s8 =	sadd.s32 $0xFFFFE003, lr  }
0x1b: {  	s9 =	sadd.s32 $0xFFFFFEF7, lr;
	s5 =	simm.s32 $0xFFFFFFFF;
	p2 =	slt.u32 s8, $0xFFFFF086  }
0x1c: {  	p1 =	slt.u32 s9, $0xF7A;
	s5 =	simm.s32 @!p2 $0x0  }
0x1d: {  	s5 =	simm.s32 @p1 $0x1;
	p0 =	seq.s32 s7, s2  }
0x1e: {  	s7 =	smul.u32 @!p0 $0xF7A, s2;
	p2 =	seq.s32 @!p0 s5, $0x0  }
0x1f: {  	s9 =	smul.u32 $0xF7A, s1;
	s8 =	simm.s32 @!p0 $0x1BF5;
	p2 =	por !p2, p0  }
0x20: {  	[sflag:s8] =	ssyncset.s32 @!p0 $0xFFFFF086;
	s6 =	sadd.s32 @!p0 s3, s7;
	s7 =	simm.s32 @!p0 $0x108  }
0x21: {  	s3 =	sadd.s32 s3, s9;
	s6 =	sadd.s32 @!p0 $0x88, s6;
	s7 =	simm.s32 @p2 $0x1082  }
0x22: {  	[simem:s7], [sflag:s8] =	dma.local @!p0 [hbm:s6], $0xF7A  }
0x23: {  	s9 =	sor.u32 $0xD0000000, s2;
	s6 =	simm.s32 $0x108;
	_ =	swait.ge @!p0 [sflag:s8], $0x0  }
0x24: {  	s3 =	sadd.s32 $0x88, s3;
	s6 =	simm.s32 @!p1 $0x1082;
	[sflag:s4] =	ssyncset.s32 $0xFFFFF086  }
0x25: {  	[simem:s6], [sflag:s4] =	dma.local [hbm:s3], $0xF7A  }
0x26: {  	[smem:$0x3F9A] =	sst s1;
	(tag) =	ssettag s2;
	_ =	strace s9  }
0x27: {  	s1 =	sld [smem:$0x3FAA]  }
0x28: {  	s2 =	sld [smem:$0x3FAB]  }
0x29: {  	s4 =	sld [smem:$0x3FAD]  }
0x2a: {  	p0 =	seq.s32 s5, $0x0;
	s5 =	sld [smem:$0x3FAE]  }
0x2b: {  	s6 =	sld [smem:$0x3FAF]  }
0x2c: {  	s7 =	sld [smem:$0x3FB0]  }
0x2d: {  	s3 =	simm.s32 $0x108;
	s8 =	sld [smem:$0x3FB1]  }
0x2e: {  	s3 =	simm.s32 @!p0 $0x1082;
	s9 =	sld [smem:$0x3FB2]  }
0x2f: {  	lr =	sadd.s32 s0, s3;
	s0 =	sld [smem:$0x3FA9]  }
0x30: {  	s3 =	sld [smem:$0x3FAC]  }
0x31: {  	[smem:$0x3FB5] =	sst s10  }
0x32: {  	s10 =	sld [smem:$0x3FB3];
	_ =	sdelay $0x3  }
0x33: {  	p0 =	seq.s32 s10, $0x1;
	s10 =	sld [smem:$0x3FB5];
	_ =	sdelay $0x3  }
0x34: {  	[smem:$0x3FB5] =	sst s10  }
0x35: {  	s10 =	sld [smem:$0x3FB4];
	_ =	sdelay $0x3  }
0x36: {  	p1 =	seq.s32 s10, $0x1;
	s10 =	sld [smem:$0x3FB5];
	_ =	sdelay $0x3  }
0x37: {  	[smem:$0x3FB5] =	sst s10  }
0x38: {  	s10 =	sld [smem:$0x3FB6]  }
0x39: {  	_ = 	snop;
	(pc) =	sbr.ind lr, $3  }
0x3a: {  	_ = 	snop  }
0x3b: {  	_ = 	snop  }
0x3c: {  	p2 =	seq.s32 s10, $0x1;
	s10 =	sld [smem:$0x3FB5]  }
0x3d: {  	_ =	shalt  }
0x3e: {  	_ =	shalt  }
0x3f: {  	_ =	shalt  }
0x40: {  	_ =	shalt  }
0x41: {  	_ =	shalt  }
0x42: {  	_ =	shalt  }
0x43: {  	_ =	shalt  }
0x44: {  	_ =	shalt  }
0x45: {  	_ =	shalt  }
0x46: {  	_ =	shalt  }
0x47: {  	_ =	shalt  }
0x48: {  	_ =	shalt  }
0x49: {  	_ =	shalt  }
0x4a: {  	_ =	shalt  }
0x4b: {  	_ =	shalt  }
0x4c: {  	_ =	shalt  }
0x4d: {  	_ =	shalt  }
0x4e: {  	_ =	shalt  }
0x4f: {  	_ =	shalt  }
0x50: {  	_ =	shalt  }
0x51: {  	_ =	shalt  }
0x52: {  	_ =	shalt  }
0x53: {  	_ =	shalt  }
0x54: {  	_ =	shalt  }
0x55: {  	_ =	shalt  }
0x56: {  	_ =	shalt  }
0x57: {  	_ =	shalt  }
0x58: {  	_ =	shalt  }
0x59: {  	_ =	shalt  }
0x5a: {  	_ =	shalt  }
0x5b: {  	_ =	shalt  }
0x5c: {  	_ =	shalt  }
0x5d: {  	_ =	shalt  }
0x5e: {  	_ =	shalt  }
0x5f: {  	_ =	shalt  }
0x60: {  	_ =	shalt  }
0x61: {  	_ =	shalt  }
0x62: {  	_ =	shalt  }
0x63: {  	_ =	shalt  }
0x64: {  	_ =	shalt  }
0x65: {  	_ =	shalt  }
0x66: {  	_ =	shalt  }
0x67: {  	_ =	shalt  }
0x68: {  	_ =	shalt  }
0x69: {  	_ =	shalt  }
0x6a: {  	_ =	shalt  }
0x6b: {  	_ =	shalt  }
0x6c: {  	_ =	shalt  }
0x6d: {  	_ =	shalt  }
0x6e: {  	_ =	shalt  }
0x6f: {  	_ =	shalt  }
0x70: {  	_ =	shalt  }
0x71: {  	_ =	shalt  }
0x72: {  	_ =	shalt  }
0x73: {  	_ =	shalt  }
0x74: {  	_ =	shalt  }
0x75: {  	_ =	shalt  }
0x76: {  	_ =	shalt  }
0x77: {  	_ =	shalt  }
0x78: {  	_ =	shalt  }
0x79: {  	_ =	shalt  }
0x7a: {  	_ =	shalt  }
0x7b: {  	_ =	shalt  }
0x7c: {  	_ =	shalt  }
0x7d: {  	_ =	shalt  }
0x7e: {  	_ =	shalt  }
0x7f: {  	_ =	shalt  }
0x80: {  	_ =	shalt  }
0x81: {  	_ =	shalt  }
0x82: {  	_ =	shalt  }
0x83: {  	_ =	shalt  }
0x84: {  	_ =	shalt  }
0x85: {  	_ =	shalt  }
0x86: {  	_ =	shalt  }
0x87: {  	_ =	shalt  }
.Lfunc_end0:
.L_simem_size_0:
called_computation.2_lowered:
.L_overlay_start_0:
0x88: {  	s2 =	sld [smem:$0x3FD9]  }
0x89: {  	s3 =	sld [smem:$0x3FFE];
	_ =	sdelay $0x1  }
0x8a: {  	s1 =	srdreg.scid  }
0x8b: {  	s0 =	sand.u32 $0x1, s1  }
0x8c: {  	s17 =	sshll.u32 s0, $0xA;
	s2 =	sadd.s32 s3, s2  }
0x8d: {  	s2 =	sadd.s32 s2, s17  }
0x8e: {  	[smem:$0x3FC1] =	sst s2  }
0x8f: {  	_ = 	snop  }
0x90: {  	(tm) =	ssettm $0x1  }
0x91: {  	s18 =	sld [smem:$0x3FFB];
	_ =	sdelay $0x3  }
0x92: {  	_ =	strace s18  }
0x93: {  	s2 =	sld [smem:$0x3FFC];
	_ =	sdelay $0x3  }
0x94: {  	_ =	strace s2  }
0x95: {  	s2 =	sld [smem:$0x3FFD];
	_ =	sdelay $0x3  }
0x96: {  	_ =	strace s2  }
0x97: {  	_ =	strace $0x8FFFFFFF  }
0x98: {  	s19 =	sld [smem:$0x3FDB];
	_ =	sdelay $0x1  }
0x99: {  	s20 =	simm.s32 $_scs_section_size  }
0x9a: {  	s4 =	simm.s32 $_size__tile_overlayer_lowered;
	s5 =	simm.s32 $_tile_overlayer_lowered  }
0x9b: {  	s6 =	simm.s32 $0x1BFF;
	s21 =	sshll.u32 s5, $0x1;
	s3 =	sadd.s32 s20, s19  }
0x9c: {  	s22 =	simm.s32 $0x0;
	s4 =	sshll.u32 s4, $0x1;
	s5 =	sadd.s32 s21, s3  }
0x9d: {  	[timem:s22], [sflag:s6] =	dma.local [hbm:s5], s4  }
0x9e: {  	_ =	swait.ge [sflag:s6], s4  }
0x9f: {  	s4 =	ssub.s32 $0x0, s4;
	[sflag:s6] =	ssyncset.done $0x0  }
0xa0: {  	[sflag:s6] =	ssyncadd.s32 s4;
	_ =	sdelay $0x1  }
0xa1: {  	s23 =	simm.s32 $0x1B8B  }
0xa2: {  	_ =	swait.ge [sflag:s23], $0x1  }
0xa3: {  	[sflag:s23] =	ssyncset.done $0x0  }
0xa4: {  	[sflag:s23] =	ssyncadd.s32 $0xFFFFFFFF  }
0xa5: {  	s4 =	sld [smem:$0x0]  }
0xa6: {  	s5 =	sand.u32 $0xFFFFFFFE, s1  }
0xa7: {  	p0 =	sne.s32 s1, s5  }
0xa8: {  	s5 =	sshll.u32 @p0 s5, $0xE  }
0xa9: {  	s5 =	sadd.s32 @p0 $0x11B8D, s5;
	s6 =	sshll.u32 @p0 s4, $0x11  }
0xaa: {  	s5 =	sor.u32 @p0 s6, s5  }
0xab: {  	[sflag:s5] =	ssyncadd.remote.s32 @p0 $0x1;
	_ =	sdelay $0x1  }
0xac: {  	s5 =	simm.s32 @p0 $0x1B8D  }
0xad: {  	_ =	swait.eq @p0 [sflag:s5], $0x1  }
0xae: {  	[sflag:s5] =	ssyncadd.s32 @p0 $0xFFFFFFFF  }
0xaf: {  	s6 =	sshll.u32 @!p0 s1, $0xE  }
0xb0: {  	s6 =	sor.u32 @!p0 $0x4000, s6;
	s5 =	simm.s32 @!p0 $0x1B8D  }
0xb1: {  	s4 =	sshll.u32 @!p0 s4, $0x11;
	s6 =	sadd.s32 @!p0 $0x11B8D, s6;
	_ =	swait.eq @!p0 [sflag:s5], $0x1  }
0xb2: {  	s4 =	sor.u32 @!p0 s4, s6;
	[sflag:s5] =	ssyncadd.s32 @!p0 $0xFFFFFFFF  }
0xb3: {  	s25 =	simm.s32 $0x1B8E;
	s24 =	sld [smem:$0x3FFE];
	[sflag:s4] =	ssyncadd.remote.s32 @!p0 $0x1  }
0xb4: {  	s26 =	simm.s32 $execute0_lowered;
	[smem:$0x3FD2] =	sst s25  }
0xb5: {  	s5 =	sshll.u32 s26, $0x1;
	_ =	strace $0x8000004C;
	[dreg:$0x1] =	wrdreg $0xFFFFFFFF  }
0xb6: {  	s28 =	simm.s32 $_size_execute0_lowered;
	s3 =	sadd.s32 s3, s5;
	[dreg:$0x0] =	wrdreg $0x0  }
0xb7: {  	s5 =	sshll.u32 s28, $0x1;
	[dreg:$0x2] =	wrdreg s3  }
0xb8: {  	[dreg:$0x3] =	wrdreg s5  }
0xb9: {  	[dreg:$0x4] =	wrdreg $0xC0  }
0xba: {  	_ =	task [dreg:s22], $0x5FFFF  }
0xbb: {  	[dreg:$0x1] =	wrdreg $0xFFFFFFFF  }
0xbc: {  	[dreg:$0x0] =	wrdreg $0x60  }
0xbd: {  	[dreg:$0x2] =	wrdreg s24  }
0xbe: {  	[dreg:$0x3] =	wrdreg $0x0  }
0xbf: {  	[dreg:$0x4] =	wrdreg $0xB  }
0xc0: {  	_ =	task.clear_ibuf [dreg:s22], $0x5FFFF;
	_ =	strace $0x9000004C  }
0xc1: {  	s29 =	simm.s32 $0xB;
	_ =	strace $0x8000004E  }
0xc2: {  	_ =	swait.ge [sflag:s29], $0x1  }
0xc3: {  	[sflag:s29] =	ssyncadd.s32 $0xFFFFFFFF  }
0xc4: {  	_ =	strace $0x9000004E  }
0xc5: {  	_ =	sfence  }
0xc6: {  	s30 =	sld [smem:$0x0];
	_ =	sdelay $0x2  }
0xc7: {  	s31 =	sshll.u32 s1, $0xD;
	s1 =	sshrl.u32 s1, $0x2  }
0xc8: {  	s4 =	sand.u32 $0x4000, s31;
	s1 =	sadd.s32 s1, s30  }
0xc9: {  	s0 =	sor.u32 s4, s0;
	s1 =	sshll.u32 s1, $0x11  }
0xca: {  	s0 =	sor.u32 s1, s0  }
0xcb: {  	s0 =	sadd.s32 $0x8F2B, s0  }
0xcc: {  	[sflag:s0] =	ssyncadd.remote.s32 $0x1  }
0xcd: {  	_ =	sfence.sel $0xFFFF  }
0xce: {  	[dreg:$0x0] =	wrdreg $0xFFFFFFFF;
	(pc) =	sbr.abs _section_cstart, $3  }
0xcf: {  	[dreg:$0x1] =	wrdreg $0xFFFFFFFF  }
0xd0: {  	_ =	task.clear_ibuf [dreg:s22], $0x2FFFF;
	_ =	strace $0x9FFFFFFF  }
0xd1: {  	(tm) =	ssettm $0x7FFFFFFF  }
tec
execute0_lowered:
.L_overlay_start_1:
0x0: {  	(tag) =	ssettag $0x1  }
0x1: {  	s4 =	rddreg [dreg:$0x0]  }
0x2: {  	s2 =	rddreg [dreg:$0x1]  }
0x3: {  	s0 =	rddreg [dreg:$0x2]  }
0x4: {  	s5 =	srdreg.scid;
	s1 =	stileid.u32;
	s3 =	simm.s32 $0x0  }
0x5: {  	s15 =	simm.s32 $0x15C00;
	s16 =	simm.s32 $0x13C80;
	s17 =	simm.s32 $0x18400  }
0x6: {  	s18 =	simm.s32 $0x1;
	s19 =	simm.s32 $0x2;
	s20 =	simm.s32 $0x3  }
0x7: {  	s21 =	simm.s32 $0x4;
	s22 =	simm.s32 $0x0;
	s7 =	sand.u32 $0x1, s5  }
0x8: {  	s23 =	sshll.u32 s1, $0x1;
	[smem:$0x7FF] =	sst s3;
	s9 =	smul.u32 $0x4F000, s1  }
0x9: {  	s10 =	sadd.s32 $0x161800, s4;
	s12 =	smul.u32 $0x2780, s1;
	s26 =	sshll.u32 s1, $0x6  }
0xa: {  	s28 =	smul.u32 $0x25800, s1;
	s5 =	sor.u32 s7, s23;
	_ =	strace $0x8000004D  }
0xb: {  	s8 =	ssub.s32 $0x2, s7;
	s30 =	smul.u32 $0x12C00, s7;
	s6 =	sshll.u32 s5, $0xA  }
0xc: {  	s11 =	sshrl.u32 s8, $0x1;
	s24 =	sshrl.u32 s9, $0x2;
	s25 =	smul.u32 $0x12C00, s5  }
0xd: {  	s14 =	smul.u32 $0x96000, s5;
	s5 =	sor.u32 $0x1C05, s26;
	s6 =	sadd.s32 s6, s4  }
0xe: {  	s11 =	ssub.s32 s8, s11;
	s13 =	sadd.s32 s24, s2;
	s4 =	sadd.s32 s4, s12  }
0xf: {  	s12 =	simm.s32 $0x5;
	s6 =	sadd.s32 $0x159800, s6;
	s29 =	sshrl.u32 s14, $0x3  }
0x10: {  	s7 =	sadd.s32 s10, s25;
	s9 =	smax.u32 s11, $0x1;
	s11 =	sshrl.u32 s13, $0x3  }
0x11: {  	s13 =	simm.s32 $0x13C00;
	s31 =	sadd.s32 s10, s29;
	s10 =	sadd.s32 s28, s10  }
0x12: {  	s14 =	simm.s32 $0x50;
	s8 =	sadd.s32 $0x500, s31;
	s10 =	sadd.s32 s30, s10  }
.LBB2_1:
0x13: {  	[spmem:s11], [sflag:s5] =	dma.local [hbm:s4], $0x2780  }
0x14: {  	_ =	swait.ge [sflag:s12], $0x2780  }
0x15: {  	[sflag:s12] =	ssyncset.done $0x0  }
0x16: {  	[sflag:s12] =	ssyncadd.s32 $0xFFFFD880  }
0x17: {  	[tilespmem:s13], [sflag:$0x5] =	stream.linear.gather [hbm4b:s6+s3], $0x1E00, $0x38;
	[tilespmem:$0x1AC00] =	vst v63  }
0x18: {  	_ =	swait.ge [sflag:s12], $0x1E00  }
0x19: {  	[sflag:s12] =	ssyncset.done $0x0  }
0x1a: {  	[sflag:s12] =	ssyncadd.s32 $0xFFFFE200  }
0x1b: {  	[bflag:$0x0] =	sbarrier.arrive $0xFFFF  }
0x1c: {  	[tilespmem:s15], [sflag:$0x1] =	stream.indirect.gather [spmem:s2], $0x80, s13, s14, $0xb8;
	[tilespmem:$0x1AC00] =	vst v63  }
0x1d: {  	_ = 	snop  }
0x1e: {  	[tilespmem:s17], [sflag:$0x2] =	stream.indirect.gather [spmem:s2], $0x80, s16, s14, $0xb8;
	[tilespmem:$0x1AC00] =	vst v63  }
0x1f: {  	_ =	swait.ge [sflag:s18], $0x2800  }
0x20: {  	[sflag:s18] =	ssyncset.done $0x0  }
0x21: {  	[sflag:s18] =	ssyncadd.s32 $0xFFFFD800  }
0x22: {  	[hbm4b:s7+s3] =	stream.linear.scatter [tilespmem:s15], [sflag:$0x3], $0x2800, $0x38;
	[tilespmem:$0x1AC00] =	vst v63  }
0x23: {  	_ =	swait.ge [sflag:s19], $0x2800  }
0x24: {  	[sflag:s19] =	ssyncset.done $0x0  }
0x25: {  	[sflag:s19] =	ssyncadd.s32 $0xFFFFD800  }
0x26: {  	[hbm4b:s8+s3] =	stream.linear.scatter [tilespmem:s17], [sflag:$0x4], $0x2800, $0x38;
	[tilespmem:$0x1AC00] =	vst v63  }
0x27: {  	_ =	swait.ge [sflag:s20], $0x2800  }
0x28: {  	[sflag:s20] =	ssyncset.done $0x0  }
0x29: {  	s23 =	simm.s32 $0x13D00;
	[sflag:s20] =	ssyncadd.s32 $0xFFFFD800  }
0x2a: {  	[tilespmem:s15], [sflag:$0x1] =	stream.indirect.gather [spmem:s2], $0x80, s23, s14, $0xb8;
	[tilespmem:$0x1AC00] =	vst v63  }
0x2b: {  	_ =	swait.ge [sflag:s21], $0x2800  }
0x2c: {  	[sflag:s21] =	ssyncset.done $0x0  }
0x2d: {  	s30 =	simm.s32 $0x13D80;
	[sflag:s21] =	ssyncadd.s32 $0xFFFFD800  }
0x2e: {  	[tilespmem:s17], [sflag:$0x2] =	stream.indirect.gather [spmem:s2], $0x80, s30, s14, $0xb8;
	[tilespmem:$0x1AC00] =	vst v63  }
0x2f: {  	_ =	swait.ge [sflag:s18], $0x2800  }
0x30: {  	s24 =	sadd.s32 $0x0, s10;
	[sflag:s18] =	ssyncset.done $0x0  }
0x31: {  	s31 =	sadd.s32 $0xA00, s24;
	[sflag:s18] =	ssyncadd.s32 $0xFFFFD800  }
0x32: {  	[hbm4b:s31+s3] =	stream.linear.scatter [tilespmem:s15], [sflag:$0x3], $0x2800, $0x38;
	[tilespmem:$0x1AC00] =	vst v63  }
0x33: {  	_ =	swait.ge [sflag:s19], $0x2800  }
0x34: {  	s25 =	sadd.s32 $0xF00, s24;
	[sflag:s19] =	ssyncset.done $0x0  }
0x35: {  	s24 =	simm.s32 $0x13E00;
	s23 =	simm.s32 $0xA00;
	[sflag:s19] =	ssyncadd.s32 $0xFFFFD800  }
.LBB2_2:
0x36: {  	[hbm4b:s25+s3] =	stream.linear.scatter [tilespmem:s17], [sflag:$0x4], $0x2800, $0x38;
	[tilespmem:$0x1AC00] =	vst v63  }
0x37: {  	s25 =	smov.u32 s23  }
0x38: {  	p0 =	sne.s32 s23, $0x11800;
	s23 =	sadd.s32 $0xA00, s23;
	_ =	swait.ge [sflag:s20], $0x2800  }
0x39: {  	[sflag:s20] =	ssyncset.done $0x0  }
0x3a: {  	[sflag:s20] =	ssyncadd.s32 $0xFFFFD800  }
0x3b: {  	[tilespmem:s15], [sflag:$0x1] =	stream.indirect.gather [spmem:s2], $0x80, s24, s14, $0xb8;
	[tilespmem:$0x1AC00] =	vst v63  }
0x3c: {  	_ =	swait.ge [sflag:s21], $0x2800  }
0x3d: {  	[sflag:s21] =	ssyncset.done $0x0  }
0x3e: {  	s26 =	sadd.s32 $0x80, s24;
	[sflag:s21] =	ssyncadd.s32 $0xFFFFD800  }
0x3f: {  	[tilespmem:s17], [sflag:$0x2] =	stream.indirect.gather [spmem:s2], $0x80, s26, s14, $0xb8;
	[tilespmem:$0x1AC00] =	vst v63  }
0x40: {  	_ =	swait.ge [sflag:s18], $0x2800  }
0x41: {  	s25 =	sadd.s32 s25, s10;
	[sflag:s18] =	ssyncset.done $0x0  }
.Ltmp0:
0x42: {  	s26 =	sadd.s32 $0xA00, s25;
	[sflag:s18] =	ssyncadd.s32 $0xFFFFD800;
	(pc) =	sbr.rel @p0 .LBB2_2-.Ltmp0, $4  }
0x43: {  	[hbm4b:s26+s3] =	stream.linear.scatter [tilespmem:s15], [sflag:$0x3], $0x2800, $0x38;
	[tilespmem:$0x1AC00] =	vst v63  }
0x44: {  	_ =	swait.ge [sflag:s19], $0x2800  }
0x45: {  	[sflag:s19] =	ssyncset.done $0x0  }
0x46: {  	s24 =	sadd.s32 $0x100, s24;
	s25 =	sadd.s32 $0xF00, s25;
	[sflag:s19] =	ssyncadd.s32 $0xFFFFD800  }
0x47: {  	[hbm4b:s25+s3] =	stream.linear.scatter [tilespmem:s17], [sflag:$0x4], $0x2800, $0x38;
	[tilespmem:$0x1AC00] =	vst v63  }
0x48: {  	s22 =	sadd.s32 $0x1, s22  }
0x49: {  	_ =	swait.ge [sflag:s20], $0x2800;
	p0 =	sne.s32 s22, s9  }
.Ltmp1:
0x4a: {  	[sflag:s20] =	ssyncset.done $0x0;
	(pc) =	sbr.rel @p0 .LBB2_1-.Ltmp1, $4  }
0x4b: {  	[sflag:s20] =	ssyncadd.s32 $0xFFFFD800  }
0x4c: {  	_ =	swait.ge [sflag:s21], $0x2800  }
0x4d: {  	[sflag:s21] =	ssyncset.done $0x0  }
0x4e: {  	[sflag:s21] =	ssyncadd.s32 $0xFFFFD800  }
0x4f: {  	_ =	sfence.sel $0x180000  }
0x50: {  	[bflag:$0x0] =	sbarrier.arrive $0xFFFF  }
0x51: {  	p0 =	sne.s32 s1, $0x0;
	_ =	strace $0x9000004D  }
0x52: {  	s0 =	sadd.s32 @!p0 $0x100000, s0;
	[bflag:$0x2] =	sbarrier.arrive $0xFFFF  }
0x53: {  	[sflag:s0] =	ssyncadd.tile.s32 @!p0 $0x1;
	_ =	shalt  }
.Lfunc_end2:
_tile_overlayer_lowered:
.L_overlay_start_2:
0x54: {  	(tag) =	ssettag $0x2  }
0x55: {  	s0 =	rddreg [dreg:$0x0];
	s2 =	stileid.u32  }
0x56: {  	s1 =	rddreg [dreg:$0x1];
	p0 =	sne.s32 s2, $0x0  }
0x57: {  	s3 =	rddreg [dreg:$0x2];
	[bflag:$0x3] =	sbarrier.arrive $0xFFFF;
	s2 =	simm.s32 @!p0 $0x1C05  }
0x58: {  	[timem:s3], [sflag:s2] =	dma.local @!p0 [hbm:s0], s1  }
0x59: {  	s0 =	simm.s32 @!p0 $0x5  }
0x5a: {  	_ =	swait.ge @!p0 [sflag:s0], s1  }
0x5b: {  	s1 =	ssub.s32 @!p0 $0x0, s1;
	[sflag:s0] =	ssyncset.done @!p0 $0x0  }
0x5c: {  	[sflag:s0] =	ssyncadd.s32 @!p0 s1  }
0x5d: {  	[bflag:$0x3] =	sbarrier.arrive $0xFFFF  }
0x5e: {  	_ =	shalt  }

// kernel: kernel.21.cloned.1.call-start
scs
__scs_entry_jumppad:
0x0: {  	(pc) =	sbr.rel $0x88, $3  }
0x1: {  	(tag) =	ssettag $0x0;
	lr =	simm.s32 $0x1  }
0x2: {  	[smem:$0x3F9A] =	sst lr;
	_ =	strace $0xD0000000  }
0x3: {  	_ = 	snop  }
0x4: {  	_ = 	snop  }
0x5: {  	_ = 	snop  }
0x6: {  	_ = 	snop  }
0x7: {  	_ = 	snop  }
__scs_overlays_trampoline_lowered:
0x8: {  	[smem:$0x3FA9] =	sst s0  }
0x9: {  	[smem:$0x3FAA] =	sst s1  }
0xa: {  	[smem:$0x3FAB] =	sst s2  }
0xb: {  	[smem:$0x3FAC] =	sst s3  }
0xc: {  	[smem:$0x3FAD] =	sst s4  }
0xd: {  	[smem:$0x3FAE] =	sst s5  }
0xe: {  	[smem:$0x3FAF] =	sst s6  }
0xf: {  	[smem:$0x3FB0] =	sst s7  }
0x10: {  	[smem:$0x3FB1] =	sst s8  }
0x11: {  	[smem:$0x3FB2] =	sst s9;
	s0 =	simm.s32 @!p0 $0x0  }
0x12: {  	s1 =	sld [smem:$0x3F98];
	s0 =	simm.s32 @p0 $0x1  }
0x13: {  	[smem:$0x3FB3] =	sst s0;
	s0 =	simm.s32 @!p1 $0x0  }
0x14: {  	s2 =	sld [smem:$0x3F97];
	s0 =	simm.s32 @p1 $0x1  }
0x15: {  	[smem:$0x3FB4] =	sst s0;
	s0 =	simm.s32 @!p2 $0x0  }
0x16: {  	s3 =	sld [smem:$0x3FDB];
	s0 =	simm.s32 @p2 $0x1  }
0x17: {  	s4 =	simm.s32 $0x1BF5;
	[smem:$0x3FB6] =	sst s0  }
0x18: {  	s0 =	sld [smem:$0x3F99];
	_ =	swait.ge [sflag:s4], $0x0  }
0x19: {  	s7 =	sld [smem:$0x3F9A]  }
0x1a: {  	s8 =	sadd.s32 $0xFFFFE003, lr  }
0x1b: {  	s9 =	sadd.s32 $0xFFFFFEF7, lr;
	s5 =	simm.s32 $0xFFFFFFFF;
	p2 =	slt.u32 s8, $0xFFFFF086  }
0x1c: {  	p1 =	slt.u32 s9, $0xF7A;
	s5 =	simm.s32 @!p2 $0x0  }
0x1d: {  	s5 =	simm.s32 @p1 $0x1;
	p0 =	seq.s32 s7, s2  }
0x1e: {  	s7 =	smul.u32 @!p0 $0xF7A, s2;
	p2 =	seq.s32 @!p0 s5, $0x0  }
0x1f: {  	s9 =	smul.u32 $0xF7A, s1;
	s8 =	simm.s32 @!p0 $0x1BF5;
	p2 =	por !p2, p0  }
0x20: {  	[sflag:s8] =	ssyncset.s32 @!p0 $0xFFFFF086;
	s6 =	sadd.s32 @!p0 s3, s7;
	s7 =	simm.s32 @!p0 $0x108  }
0x21: {  	s3 =	sadd.s32 s3, s9;
	s6 =	sadd.s32 @!p0 $0x88, s6;
	s7 =	simm.s32 @p2 $0x1082  }
0x22: {  	[simem:s7], [sflag:s8] =	dma.local @!p0 [hbm:s6], $0xF7A  }
0x23: {  	s9 =	sor.u32 $0xD0000000, s2;
	s6 =	simm.s32 $0x108;
	_ =	swait.ge @!p0 [sflag:s8], $0x0  }
0x24: {  	s3 =	sadd.s32 $0x88, s3;
	s6 =	simm.s32 @!p1 $0x1082;
	[sflag:s4] =	ssyncset.s32 $0xFFFFF086  }
0x25: {  	[simem:s6], [sflag:s4] =	dma.local [hbm:s3], $0xF7A  }
0x26: {  	[smem:$0x3F9A] =	sst s1;
	(tag) =	ssettag s2;
	_ =	strace s9  }
0x27: {  	s1 =	sld [smem:$0x3FAA]  }
0x28: {  	s2 =	sld [smem:$0x3FAB]  }
0x29: {  	s4 =	sld [smem:$0x3FAD]  }
0x2a: {  	p0 =	seq.s32 s5, $0x0;
	s5 =	sld [smem:$0x3FAE]  }
0x2b: {  	s6 =	sld [smem:$0x3FAF]  }
0x2c: {  	s7 =	sld [smem:$0x3FB0]  }
0x2d: {  	s3 =	simm.s32 $0x108;
	s8 =	sld [smem:$0x3FB1]  }
0x2e: {  	s3 =	simm.s32 @!p0 $0x1082;
	s9 =	sld [smem:$0x3FB2]  }
0x2f: {  	lr =	sadd.s32 s0, s3;
	s0 =	sld [smem:$0x3FA9]  }
0x30: {  	s3 =	sld [smem:$0x3FAC]  }
0x31: {  	[smem:$0x3FB5] =	sst s10  }
0x32: {  	s10 =	sld [smem:$0x3FB3];
	_ =	sdelay $0x3  }
0x33: {  	p0 =	seq.s32 s10, $0x1;
	s10 =	sld [smem:$0x3FB5];
	_ =	sdelay $0x3  }
0x34: {  	[smem:$0x3FB5] =	sst s10  }
0x35: {  	s10 =	sld [smem:$0x3FB4];
	_ =	sdelay $0x3  }
0x36: {  	p1 =	seq.s32 s10, $0x1;
	s10 =	sld [smem:$0x3FB5];
	_ =	sdelay $0x3  }
0x37: {  	[smem:$0x3FB5] =	sst s10  }
0x38: {  	s10 =	sld [smem:$0x3FB6]  }
0x39: {  	_ = 	snop;
	(pc) =	sbr.ind lr, $3  }
0x3a: {  	_ = 	snop  }
0x3b: {  	_ = 	snop  }
0x3c: {  	p2 =	seq.s32 s10, $0x1;
	s10 =	sld [smem:$0x3FB5]  }
0x3d: {  	_ =	shalt  }
0x3e: {  	_ =	shalt  }
0x3f: {  	_ =	shalt  }
0x40: {  	_ =	shalt  }
0x41: {  	_ =	shalt  }
0x42: {  	_ =	shalt  }
0x43: {  	_ =	shalt  }
0x44: {  	_ =	shalt  }
0x45: {  	_ =	shalt  }
0x46: {  	_ =	shalt  }
0x47: {  	_ =	shalt  }
0x48: {  	_ =	shalt  }
0x49: {  	_ =	shalt  }
0x4a: {  	_ =	shalt  }
0x4b: {  	_ =	shalt  }
0x4c: {  	_ =	shalt  }
0x4d: {  	_ =	shalt  }
0x4e: {  	_ =	shalt  }
0x4f: {  	_ =	shalt  }
0x50: {  	_ =	shalt  }
0x51: {  	_ =	shalt  }
0x52: {  	_ =	shalt  }
0x53: {  	_ =	shalt  }
0x54: {  	_ =	shalt  }
0x55: {  	_ =	shalt  }
0x56: {  	_ =	shalt  }
0x57: {  	_ =	shalt  }
0x58: {  	_ =	shalt  }
0x59: {  	_ =	shalt  }
0x5a: {  	_ =	shalt  }
0x5b: {  	_ =	shalt  }
0x5c: {  	_ =	shalt  }
0x5d: {  	_ =	shalt  }
0x5e: {  	_ =	shalt  }
0x5f: {  	_ =	shalt  }
0x60: {  	_ =	shalt  }
0x61: {  	_ =	shalt  }
0x62: {  	_ =	shalt  }
0x63: {  	_ =	shalt  }
0x64: {  	_ =	shalt  }
0x65: {  	_ =	shalt  }
0x66: {  	_ =	shalt  }
0x67: {  	_ =	shalt  }
0x68: {  	_ =	shalt  }
0x69: {  	_ =	shalt  }
0x6a: {  	_ =	shalt  }
0x6b: {  	_ =	shalt  }
0x6c: {  	_ =	shalt  }
0x6d: {  	_ =	shalt  }
0x6e: {  	_ =	shalt  }
0x6f: {  	_ =	shalt  }
0x70: {  	_ =	shalt  }
0x71: {  	_ =	shalt  }
0x72: {  	_ =	shalt  }
0x73: {  	_ =	shalt  }
0x74: {  	_ =	shalt  }
0x75: {  	_ =	shalt  }
0x76: {  	_ =	shalt  }
0x77: {  	_ =	shalt  }
0x78: {  	_ =	shalt  }
0x79: {  	_ =	shalt  }
0x7a: {  	_ =	shalt  }
0x7b: {  	_ =	shalt  }
0x7c: {  	_ =	shalt  }
0x7d: {  	_ =	shalt  }
0x7e: {  	_ =	shalt  }
0x7f: {  	_ =	shalt  }
0x80: {  	_ =	shalt  }
0x81: {  	_ =	shalt  }
0x82: {  	_ =	shalt  }
0x83: {  	_ =	shalt  }
0x84: {  	_ =	shalt  }
0x85: {  	_ =	shalt  }
0x86: {  	_ =	shalt  }
0x87: {  	_ =	shalt  }
.Lfunc_end0:
.L_simem_size_0:
called_computation.3_lowered:
.L_overlay_start_0:
0x88: {  	s2 =	sld [smem:$0x3FD9]  }
0x89: {  	s3 =	sld [smem:$0x3FFE];
	_ =	sdelay $0x1  }
0x8a: {  	s1 =	srdreg.scid  }
0x8b: {  	s0 =	sand.u32 $0x1, s1  }
0x8c: {  	s17 =	sshll.u32 s0, $0xA;
	s2 =	sadd.s32 s3, s2  }
0x8d: {  	s2 =	sadd.s32 s2, s17  }
0x8e: {  	[smem:$0x3FC1] =	sst s2  }
0x8f: {  	_ = 	snop  }
0x90: {  	(tm) =	ssettm $0x1  }
0x91: {  	s18 =	sld [smem:$0x3FFB];
	_ =	sdelay $0x3  }
0x92: {  	_ =	strace s18  }
0x93: {  	s2 =	sld [smem:$0x3FFC];
	_ =	sdelay $0x3  }
0x94: {  	_ =	strace s2  }
0x95: {  	s2 =	sld [smem:$0x3FFD];
	_ =	sdelay $0x3  }
0x96: {  	_ =	strace s2  }
0x97: {  	_ =	strace $0x8FFFFFFF  }
0x98: {  	s19 =	sld [smem:$0x3FDB];
	_ =	sdelay $0x1  }
0x99: {  	s20 =	simm.s32 $_scs_section_size  }
0x9a: {  	s4 =	simm.s32 $_size__tile_overlayer_lowered;
	s5 =	simm.s32 $_tile_overlayer_lowered  }
0x9b: {  	s6 =	simm.s32 $0x1BFF;
	s21 =	sshll.u32 s5, $0x1;
	s3 =	sadd.s32 s20, s19  }
0x9c: {  	s22 =	simm.s32 $0x0;
	s4 =	sshll.u32 s4, $0x1;
	s5 =	sadd.s32 s21, s3  }
0x9d: {  	[timem:s22], [sflag:s6] =	dma.local [hbm:s5], s4  }
0x9e: {  	_ =	swait.ge [sflag:s6], s4  }
0x9f: {  	s4 =	ssub.s32 $0x0, s4;
	[sflag:s6] =	ssyncset.done $0x0  }
0xa0: {  	[sflag:s6] =	ssyncadd.s32 s4;
	_ =	sdelay $0x1  }
0xa1: {  	s23 =	simm.s32 $0x1B8B  }
0xa2: {  	_ =	swait.ge [sflag:s23], $0x1  }
0xa3: {  	[sflag:s23] =	ssyncset.done $0x0  }
0xa4: {  	[sflag:s23] =	ssyncadd.s32 $0xFFFFFFFF  }
0xa5: {  	s4 =	sld [smem:$0x0]  }
0xa6: {  	s5 =	sand.u32 $0xFFFFFFFE, s1  }
0xa7: {  	p0 =	sne.s32 s1, s5  }
0xa8: {  	s5 =	sshll.u32 @p0 s5, $0xE  }
0xa9: {  	s5 =	sadd.s32 @p0 $0x11B8D, s5;
	s6 =	sshll.u32 @p0 s4, $0x11  }
0xaa: {  	s5 =	sor.u32 @p0 s6, s5  }
0xab: {  	[sflag:s5] =	ssyncadd.remote.s32 @p0 $0x1;
	_ =	sdelay $0x1  }
0xac: {  	s5 =	simm.s32 @p0 $0x1B8D  }
0xad: {  	_ =	swait.eq @p0 [sflag:s5], $0x1  }
0xae: {  	[sflag:s5] =	ssyncadd.s32 @p0 $0xFFFFFFFF  }
0xaf: {  	s6 =	sshll.u32 @!p0 s1, $0xE  }
0xb0: {  	s6 =	sor.u32 @!p0 $0x4000, s6;
	s5 =	simm.s32 @!p0 $0x1B8D  }
0xb1: {  	s4 =	sshll.u32 @!p0 s4, $0x11;
	s6 =	sadd.s32 @!p0 $0x11B8D, s6;
	_ =	swait.eq @!p0 [sflag:s5], $0x1  }
0xb2: {  	s4 =	sor.u32 @!p0 s4, s6;
	[sflag:s5] =	ssyncadd.s32 @!p0 $0xFFFFFFFF  }
0xb3: {  	s25 =	simm.s32 $0x1B8E;
	s24 =	sld [smem:$0x3FFE];
	[sflag:s4] =	ssyncadd.remote.s32 @!p0 $0x1  }
0xb4: {  	s26 =	simm.s32 $execute0_lowered;
	[smem:$0x3FD2] =	sst s25  }
0xb5: {  	s5 =	sshll.u32 s26, $0x1;
	_ =	strace $0x8000004F;
	[dreg:$0x1] =	wrdreg $0xFFFFFFFF  }
0xb6: {  	s28 =	simm.s32 $_size_execute0_lowered;
	s3 =	sadd.s32 s3, s5;
	[dreg:$0x0] =	wrdreg $0x0  }
0xb7: {  	s5 =	sshll.u32 s28, $0x1;
	[dreg:$0x2] =	wrdreg s3  }
0xb8: {  	[dreg:$0x3] =	wrdreg s5  }
0xb9: {  	[dreg:$0x4] =	wrdreg $0xC0  }
0xba: {  	_ =	task [dreg:s22], $0x5FFFF  }
0xbb: {  	[dreg:$0x1] =	wrdreg $0xFFFFFFFF  }
0xbc: {  	[dreg:$0x0] =	wrdreg $0x60  }
0xbd: {  	[dreg:$0x2] =	wrdreg s24  }
0xbe: {  	[dreg:$0x3] =	wrdreg $0x0  }
0xbf: {  	[dreg:$0x4] =	wrdreg $0xC  }
0xc0: {  	_ =	task.clear_ibuf [dreg:s22], $0x5FFFF;
	_ =	strace $0x9000004F  }
0xc1: {  	s29 =	simm.s32 $0xC;
	_ =	strace $0x80000051  }
0xc2: {  	_ =	swait.ge [sflag:s29], $0x1  }
0xc3: {  	[sflag:s29] =	ssyncadd.s32 $0xFFFFFFFF  }
0xc4: {  	_ =	strace $0x90000051  }
0xc5: {  	_ =	sfence  }
0xc6: {  	s30 =	sld [smem:$0x0];
	_ =	sdelay $0x2  }
0xc7: {  	s31 =	sshll.u32 s1, $0xD;
	s1 =	sshrl.u32 s1, $0x2  }
0xc8: {  	s4 =	sand.u32 $0x4000, s31;
	s1 =	sadd.s32 s1, s30  }
0xc9: {  	s0 =	sor.u32 s4, s0;
	s1 =	sshll.u32 s1, $0x11  }
0xca: {  	s0 =	sor.u32 s1, s0  }
0xcb: {  	s0 =	sadd.s32 $0x8F2B, s0  }
0xcc: {  	[sflag:s0] =	ssyncadd.remote.s32 $0x1  }
0xcd: {  	_ =	sfence.sel $0xFFFF  }
0xce: {  	[dreg:$0x0] =	wrdreg $0xFFFFFFFF;
	(pc) =	sbr.abs _section_cstart, $3  }
0xcf: {  	[dreg:$0x1] =	wrdreg $0xFFFFFFFF  }
0xd0: {  	_ =	task.clear_ibuf [dreg:s22], $0x2FFFF;
	_ =	strace $0x9FFFFFFF  }
0xd1: {  	(tm) =	ssettm $0x7FFFFFFF  }
tec
execute0_lowered:
.L_overlay_start_1:
0x0: {  	(tag) =	ssettag $0x1  }
0x1: {  	s4 =	rddreg [dreg:$0x0]  }
0x2: {  	s1 =	srdreg.scid;
	s0 =	stileid.u32  }
0x3: {  	s2 =	rddreg [dreg:$0x1];
	s3 =	simm.s32 $0x0;
	s15 =	simm.s32 $0x16400  }
0x4: {  	s16 =	simm.s32 $0x13C80;
	s17 =	simm.s32 $0x18C00;
	s18 =	simm.s32 $0x1  }
0x5: {  	s19 =	simm.s32 $0x2;
	s20 =	simm.s32 $0x3;
	s21 =	simm.s32 $0x4  }
0x6: {  	s22 =	simm.s32 $0x0;
	s7 =	sand.u32 $0x1, s1;
	s9 =	smul.u32 $0x4F000, s0  }
0x7: {  	s5 =	sshll.u32 s0, $0x1;
	s1 =	rddreg [dreg:$0x2];
	s12 =	smul.u32 $0x2780, s0  }
0x8: {  	[smem:$0x7FF] =	sst s3;
	s10 =	sadd.s32 $0x3C3800, s4;
	s28 =	smul.u32 $0x2E400, s0  }
0x9: {  	s26 =	sshll.u32 s0, $0x6;
	s5 =	sor.u32 s7, s5;
	s30 =	smul.u32 $0x17200, s7  }
0xa: {  	_ =	strace $0x80000050;
	s8 =	ssub.s32 $0x2, s7;
	s6 =	smul.u32 $0x500, s5  }
0xb: {  	s11 =	sshrl.u32 s8, $0x1;
	s24 =	sshrl.u32 s9, $0x2;
	s25 =	smul.u32 $0x17200, s5  }
0xc: {  	s14 =	smul.u32 $0xB9000, s5;
	s5 =	sor.u32 $0x1C05, s26;
	s11 =	ssub.s32 s8, s11  }
0xd: {  	s13 =	sadd.s32 s24, s2;
	s6 =	sadd.s32 s6, s4;
	s4 =	sadd.s32 s4, s12  }
0xe: {  	s29 =	sshrl.u32 s14, $0x3;
	s7 =	sadd.s32 s10, s25;
	s9 =	smax.u32 s11, $0x1  }
0xf: {  	s11 =	sshrl.u32 s13, $0x3;
	s12 =	simm.s32 $0x5;
	s13 =	simm.s32 $0x13C00  }
0x10: {  	s14 =	simm.s32 $0x50;
	s31 =	sadd.s32 s10, s29;
	s10 =	sadd.s32 s28, s10  }
0x11: {  	s6 =	sadd.s32 $0x3B9800, s6;
	s8 =	sadd.s32 $0x500, s31;
	s10 =	sadd.s32 s30, s10  }
.LBB2_1:
0x12: {  	[spmem:s11], [sflag:s5] =	dma.local [hbm:s4], $0x2780  }
0x13: {  	_ =	swait.ge [sflag:s12], $0x2780  }
0x14: {  	[sflag:s12] =	ssyncset.done $0x0  }
0x15: {  	[sflag:s12] =	ssyncadd.s32 $0xFFFFD880  }
0x16: {  	[tilespmem:s13], [sflag:$0x5] =	stream.linear.gather [hbm4b:s6+s3], $0x2500, $0x38;
	[tilespmem:$0x1B400] =	vst v63  }
0x17: {  	_ =	swait.ge [sflag:s12], $0x2500  }
0x18: {  	[sflag:s12] =	ssyncset.done $0x0  }
0x19: {  	[sflag:s12] =	ssyncadd.s32 $0xFFFFDB00  }
0x1a: {  	[bflag:$0x0] =	sbarrier.arrive $0xFFFF  }
0x1b: {  	[tilespmem:s15], [sflag:$0x1] =	stream.indirect.gather [spmem:s2], $0x80, s13, s14, $0xb8;
	[tilespmem:$0x1B400] =	vst v63  }
0x1c: {  	_ = 	snop  }
0x1d: {  	[tilespmem:s17], [sflag:$0x2] =	stream.indirect.gather [spmem:s2], $0x80, s16, s14, $0xb8;
	[tilespmem:$0x1B400] =	vst v63  }
0x1e: {  	_ =	swait.ge [sflag:s18], $0x2800  }
0x1f: {  	[sflag:s18] =	ssyncset.done $0x0  }
0x20: {  	[sflag:s18] =	ssyncadd.s32 $0xFFFFD800  }
0x21: {  	[hbm4b:s7+s3] =	stream.linear.scatter [tilespmem:s15], [sflag:$0x3], $0x2800, $0x38;
	[tilespmem:$0x1B400] =	vst v63  }
0x22: {  	_ =	swait.ge [sflag:s19], $0x2800  }
0x23: {  	[sflag:s19] =	ssyncset.done $0x0  }
0x24: {  	[sflag:s19] =	ssyncadd.s32 $0xFFFFD800  }
0x25: {  	[hbm4b:s8+s3] =	stream.linear.scatter [tilespmem:s17], [sflag:$0x4], $0x2800, $0x38;
	[tilespmem:$0x1B400] =	vst v63  }
0x26: {  	_ =	swait.ge [sflag:s20], $0x2800  }
0x27: {  	[sflag:s20] =	ssyncset.done $0x0  }
0x28: {  	s23 =	simm.s32 $0x13D00;
	[sflag:s20] =	ssyncadd.s32 $0xFFFFD800  }
0x29: {  	[tilespmem:s15], [sflag:$0x1] =	stream.indirect.gather [spmem:s2], $0x80, s23, s14, $0xb8;
	[tilespmem:$0x1B400] =	vst v63  }
0x2a: {  	_ =	swait.ge [sflag:s21], $0x2800  }
0x2b: {  	[sflag:s21] =	ssyncset.done $0x0  }
0x2c: {  	s30 =	simm.s32 $0x13D80;
	[sflag:s21] =	ssyncadd.s32 $0xFFFFD800  }
0x2d: {  	[tilespmem:s17], [sflag:$0x2] =	stream.indirect.gather [spmem:s2], $0x80, s30, s14, $0xb8;
	[tilespmem:$0x1B400] =	vst v63  }
0x2e: {  	_ =	swait.ge [sflag:s18], $0x2800  }
0x2f: {  	s24 =	sadd.s32 $0x0, s10;
	[sflag:s18] =	ssyncset.done $0x0  }
0x30: {  	s31 =	sadd.s32 $0xA00, s24;
	[sflag:s18] =	ssyncadd.s32 $0xFFFFD800  }
0x31: {  	[hbm4b:s31+s3] =	stream.linear.scatter [tilespmem:s15], [sflag:$0x3], $0x2800, $0x38;
	[tilespmem:$0x1B400] =	vst v63  }
0x32: {  	_ =	swait.ge [sflag:s19], $0x2800  }
0x33: {  	s25 =	sadd.s32 $0xF00, s24;
	[sflag:s19] =	ssyncset.done $0x0  }
0x34: {  	s24 =	simm.s32 $0x13E00;
	s23 =	simm.s32 $0xA00;
	[sflag:s19] =	ssyncadd.s32 $0xFFFFD800  }
.LBB2_2:
0x35: {  	[hbm4b:s25+s3] =	stream.linear.scatter [tilespmem:s17], [sflag:$0x4], $0x2800, $0x38;
	[tilespmem:$0x1B400] =	vst v63  }
0x36: {  	s25 =	smov.u32 s23  }
0x37: {  	p0 =	sne.s32 s23, $0x15E00;
	s23 =	sadd.s32 $0xA00, s23;
	_ =	swait.ge [sflag:s20], $0x2800  }
0x38: {  	[sflag:s20] =	ssyncset.done $0x0  }
0x39: {  	[sflag:s20] =	ssyncadd.s32 $0xFFFFD800  }
0x3a: {  	[tilespmem:s15], [sflag:$0x1] =	stream.indirect.gather [spmem:s2], $0x80, s24, s14, $0xb8;
	[tilespmem:$0x1B400] =	vst v63  }
0x3b: {  	_ =	swait.ge [sflag:s21], $0x2800  }
0x3c: {  	[sflag:s21] =	ssyncset.done $0x0  }
0x3d: {  	s26 =	sadd.s32 $0x80, s24;
	[sflag:s21] =	ssyncadd.s32 $0xFFFFD800  }
0x3e: {  	[tilespmem:s17], [sflag:$0x2] =	stream.indirect.gather [spmem:s2], $0x80, s26, s14, $0xb8;
	[tilespmem:$0x1B400] =	vst v63  }
0x3f: {  	_ =	swait.ge [sflag:s18], $0x2800  }
0x40: {  	s25 =	sadd.s32 s25, s10;
	[sflag:s18] =	ssyncset.done $0x0  }
.Ltmp0:
0x41: {  	s26 =	sadd.s32 $0xA00, s25;
	[sflag:s18] =	ssyncadd.s32 $0xFFFFD800;
	(pc) =	sbr.rel @p0 .LBB2_2-.Ltmp0, $4  }
0x42: {  	[hbm4b:s26+s3] =	stream.linear.scatter [tilespmem:s15], [sflag:$0x3], $0x2800, $0x38;
	[tilespmem:$0x1B400] =	vst v63  }
0x43: {  	_ =	swait.ge [sflag:s19], $0x2800  }
0x44: {  	[sflag:s19] =	ssyncset.done $0x0  }
0x45: {  	s24 =	sadd.s32 $0x100, s24;
	s25 =	sadd.s32 $0xF00, s25;
	[sflag:s19] =	ssyncadd.s32 $0xFFFFD800  }
0x46: {  	[hbm4b:s25+s3] =	stream.linear.scatter [tilespmem:s17], [sflag:$0x4], $0x2800, $0x38;
	[tilespmem:$0x1B400] =	vst v63  }
0x47: {  	s22 =	sadd.s32 $0x1, s22  }
0x48: {  	_ =	swait.ge [sflag:s20], $0x2800;
	p0 =	sne.s32 s22, s9  }
.Ltmp1:
0x49: {  	[sflag:s20] =	ssyncset.done $0x0;
	(pc) =	sbr.rel @p0 .LBB2_1-.Ltmp1, $4  }
0x4a: {  	[sflag:s20] =	ssyncadd.s32 $0xFFFFD800  }
0x4b: {  	_ =	swait.ge [sflag:s21], $0x2800  }
0x4c: {  	[sflag:s21] =	ssyncset.done $0x0  }
0x4d: {  	[sflag:s21] =	ssyncadd.s32 $0xFFFFD800  }
0x4e: {  	_ =	sfence.sel $0x180000  }
0x4f: {  	[bflag:$0x0] =	sbarrier.arrive $0xFFFF  }
0x50: {  	p0 =	sne.s32 s0, $0x0;
	_ =	strace $0x90000050  }
0x51: {  	s0 =	sadd.s32 @!p0 $0x100000, s1;
	[bflag:$0x2] =	sbarrier.arrive $0xFFFF  }
0x52: {  	[sflag:s0] =	ssyncadd.tile.s32 @!p0 $0x1;
	_ =	shalt  }
.Lfunc_end2:
_tile_overlayer_lowered:
.L_overlay_start_2:
0x53: {  	(tag) =	ssettag $0x2  }
0x54: {  	s0 =	rddreg [dreg:$0x0];
	s2 =	stileid.u32  }
0x55: {  	s1 =	rddreg [dreg:$0x1];
	p0 =	sne.s32 s2, $0x0  }
0x56: {  	s3 =	rddreg [dreg:$0x2];
	[bflag:$0x3] =	sbarrier.arrive $0xFFFF;
	s2 =	simm.s32 @!p0 $0x1C05  }
0x57: {  	[timem:s3], [sflag:s2] =	dma.local @!p0 [hbm:s0], s1  }
0x58: {  	s0 =	simm.s32 @!p0 $0x5  }
0x59: {  	_ =	swait.ge @!p0 [sflag:s0], s1  }
0x5a: {  	s1 =	ssub.s32 @!p0 $0x0, s1;
	[sflag:s0] =	ssyncset.done @!p0 $0x0  }
0x5b: {  	[sflag:s0] =	ssyncadd.s32 @!p0 s1  }
0x5c: {  	[bflag:$0x3] =	sbarrier.arrive $0xFFFF  }
0x5d: {  	_ =	shalt  }

// kernel: kernel.24.cloned.1.call-start
scs
__scs_entry_jumppad:
0x0: {  	(pc) =	sbr.rel $0x88, $3  }
0x1: {  	(tag) =	ssettag $0x0;
	lr =	simm.s32 $0x1  }
0x2: {  	[smem:$0x3F9A] =	sst lr;
	_ =	strace $0xD0000000  }
0x3: {  	_ = 	snop  }
0x4: {  	_ = 	snop  }
0x5: {  	_ = 	snop  }
0x6: {  	_ = 	snop  }
0x7: {  	_ = 	snop  }
__scs_overlays_trampoline_lowered:
0x8: {  	[smem:$0x3FA9] =	sst s0  }
0x9: {  	[smem:$0x3FAA] =	sst s1  }
0xa: {  	[smem:$0x3FAB] =	sst s2  }
0xb: {  	[smem:$0x3FAC] =	sst s3  }
0xc: {  	[smem:$0x3FAD] =	sst s4  }
0xd: {  	[smem:$0x3FAE] =	sst s5  }
0xe: {  	[smem:$0x3FAF] =	sst s6  }
0xf: {  	[smem:$0x3FB0] =	sst s7  }
0x10: {  	[smem:$0x3FB1] =	sst s8  }
0x11: {  	[smem:$0x3FB2] =	sst s9;
	s0 =	simm.s32 @!p0 $0x0  }
0x12: {  	s1 =	sld [smem:$0x3F98];
	s0 =	simm.s32 @p0 $0x1  }
0x13: {  	[smem:$0x3FB3] =	sst s0;
	s0 =	simm.s32 @!p1 $0x0  }
0x14: {  	s2 =	sld [smem:$0x3F97];
	s0 =	simm.s32 @p1 $0x1  }
0x15: {  	[smem:$0x3FB4] =	sst s0;
	s0 =	simm.s32 @!p2 $0x0  }
0x16: {  	s3 =	sld [smem:$0x3FDB];
	s0 =	simm.s32 @p2 $0x1  }
0x17: {  	s4 =	simm.s32 $0x1BF5;
	[smem:$0x3FB6] =	sst s0  }
0x18: {  	s0 =	sld [smem:$0x3F99];
	_ =	swait.ge [sflag:s4], $0x0  }
0x19: {  	s7 =	sld [smem:$0x3F9A]  }
0x1a: {  	s8 =	sadd.s32 $0xFFFFE003, lr  }
0x1b: {  	s9 =	sadd.s32 $0xFFFFFEF7, lr;
	s5 =	simm.s32 $0xFFFFFFFF;
	p2 =	slt.u32 s8, $0xFFFFF086  }
0x1c: {  	p1 =	slt.u32 s9, $0xF7A;
	s5 =	simm.s32 @!p2 $0x0  }
0x1d: {  	s5 =	simm.s32 @p1 $0x1;
	p0 =	seq.s32 s7, s2  }
0x1e: {  	s7 =	smul.u32 @!p0 $0xF7A, s2;
	p2 =	seq.s32 @!p0 s5, $0x0  }
0x1f: {  	s9 =	smul.u32 $0xF7A, s1;
	s8 =	simm.s32 @!p0 $0x1BF5;
	p2 =	por !p2, p0  }
0x20: {  	[sflag:s8] =	ssyncset.s32 @!p0 $0xFFFFF086;
	s6 =	sadd.s32 @!p0 s3, s7;
	s7 =	simm.s32 @!p0 $0x108  }
0x21: {  	s3 =	sadd.s32 s3, s9;
	s6 =	sadd.s32 @!p0 $0x88, s6;
	s7 =	simm.s32 @p2 $0x1082  }
0x22: {  	[simem:s7], [sflag:s8] =	dma.local @!p0 [hbm:s6], $0xF7A  }
0x23: {  	s9 =	sor.u32 $0xD0000000, s2;
	s6 =	simm.s32 $0x108;
	_ =	swait.ge @!p0 [sflag:s8], $0x0  }
0x24: {  	s3 =	sadd.s32 $0x88, s3;
	s6 =	simm.s32 @!p1 $0x1082;
	[sflag:s4] =	ssyncset.s32 $0xFFFFF086  }
0x25: {  	[simem:s6], [sflag:s4] =	dma.local [hbm:s3], $0xF7A  }
0x26: {  	[smem:$0x3F9A] =	sst s1;
	(tag) =	ssettag s2;
	_ =	strace s9  }
0x27: {  	s1 =	sld [smem:$0x3FAA]  }
0x28: {  	s2 =	sld [smem:$0x3FAB]  }
0x29: {  	s4 =	sld [smem:$0x3FAD]  }
0x2a: {  	p0 =	seq.s32 s5, $0x0;
	s5 =	sld [smem:$0x3FAE]  }
0x2b: {  	s6 =	sld [smem:$0x3FAF]  }
0x2c: {  	s7 =	sld [smem:$0x3FB0]  }
0x2d: {  	s3 =	simm.s32 $0x108;
	s8 =	sld [smem:$0x3FB1]  }
0x2e: {  	s3 =	simm.s32 @!p0 $0x1082;
	s9 =	sld [smem:$0x3FB2]  }
0x2f: {  	lr =	sadd.s32 s0, s3;
	s0 =	sld [smem:$0x3FA9]  }
0x30: {  	s3 =	sld [smem:$0x3FAC]  }
0x31: {  	[smem:$0x3FB5] =	sst s10  }
0x32: {  	s10 =	sld [smem:$0x3FB3];
	_ =	sdelay $0x3  }
0x33: {  	p0 =	seq.s32 s10, $0x1;
	s10 =	sld [smem:$0x3FB5];
	_ =	sdelay $0x3  }
0x34: {  	[smem:$0x3FB5] =	sst s10  }
0x35: {  	s10 =	sld [smem:$0x3FB4];
	_ =	sdelay $0x3  }
0x36: {  	p1 =	seq.s32 s10, $0x1;
	s10 =	sld [smem:$0x3FB5];
	_ =	sdelay $0x3  }
0x37: {  	[smem:$0x3FB5] =	sst s10  }
0x38: {  	s10 =	sld [smem:$0x3FB6]  }
0x39: {  	_ = 	snop;
	(pc) =	sbr.ind lr, $3  }
0x3a: {  	_ = 	snop  }
0x3b: {  	_ = 	snop  }
0x3c: {  	p2 =	seq.s32 s10, $0x1;
	s10 =	sld [smem:$0x3FB5]  }
0x3d: {  	_ =	shalt  }
0x3e: {  	_ =	shalt  }
0x3f: {  	_ =	shalt  }
0x40: {  	_ =	shalt  }
0x41: {  	_ =	shalt  }
0x42: {  	_ =	shalt  }
0x43: {  	_ =	shalt  }
0x44: {  	_ =	shalt  }
0x45: {  	_ =	shalt  }
0x46: {  	_ =	shalt  }
0x47: {  	_ =	shalt  }
0x48: {  	_ =	shalt  }
0x49: {  	_ =	shalt  }
0x4a: {  	_ =	shalt  }
0x4b: {  	_ =	shalt  }
0x4c: {  	_ =	shalt  }
0x4d: {  	_ =	shalt  }
0x4e: {  	_ =	shalt  }
0x4f: {  	_ =	shalt  }
0x50: {  	_ =	shalt  }
0x51: {  	_ =	shalt  }
0x52: {  	_ =	shalt  }
0x53: {  	_ =	shalt  }
0x54: {  	_ =	shalt  }
0x55: {  	_ =	shalt  }
0x56: {  	_ =	shalt  }
0x57: {  	_ =	shalt  }
0x58: {  	_ =	shalt  }
0x59: {  	_ =	shalt  }
0x5a: {  	_ =	shalt  }
0x5b: {  	_ =	shalt  }
0x5c: {  	_ =	shalt  }
0x5d: {  	_ =	shalt  }
0x5e: {  	_ =	shalt  }
0x5f: {  	_ =	shalt  }
0x60: {  	_ =	shalt  }
0x61: {  	_ =	shalt  }
0x62: {  	_ =	shalt  }
0x63: {  	_ =	shalt  }
0x64: {  	_ =	shalt  }
0x65: {  	_ =	shalt  }
0x66: {  	_ =	shalt  }
0x67: {  	_ =	shalt  }
0x68: {  	_ =	shalt  }
0x69: {  	_ =	shalt  }
0x6a: {  	_ =	shalt  }
0x6b: {  	_ =	shalt  }
0x6c: {  	_ =	shalt  }
0x6d: {  	_ =	shalt  }
0x6e: {  	_ =	shalt  }
0x6f: {  	_ =	shalt  }
0x70: {  	_ =	shalt  }
0x71: {  	_ =	shalt  }
0x72: {  	_ =	shalt  }
0x73: {  	_ =	shalt  }
0x74: {  	_ =	shalt  }
0x75: {  	_ =	shalt  }
0x76: {  	_ =	shalt  }
0x77: {  	_ =	shalt  }
0x78: {  	_ =	shalt  }
0x79: {  	_ =	shalt  }
0x7a: {  	_ =	shalt  }
0x7b: {  	_ =	shalt  }
0x7c: {  	_ =	shalt  }
0x7d: {  	_ =	shalt  }
0x7e: {  	_ =	shalt  }
0x7f: {  	_ =	shalt  }
0x80: {  	_ =	shalt  }
0x81: {  	_ =	shalt  }
0x82: {  	_ =	shalt  }
0x83: {  	_ =	shalt  }
0x84: {  	_ =	shalt  }
0x85: {  	_ =	shalt  }
0x86: {  	_ =	shalt  }
0x87: {  	_ =	shalt  }
.Lfunc_end0:
.L_simem_size_0:
called_computation.4_lowered:
.L_overlay_start_0:
0x88: {  	s2 =	sld [smem:$0x3FD9]  }
0x89: {  	s3 =	sld [smem:$0x3FFE];
	_ =	sdelay $0x1  }
0x8a: {  	s1 =	srdreg.scid  }
0x8b: {  	s0 =	sand.u32 $0x1, s1  }
0x8c: {  	s17 =	sshll.u32 s0, $0xA;
	s2 =	sadd.s32 s3, s2  }
0x8d: {  	s2 =	sadd.s32 s2, s17  }
0x8e: {  	[smem:$0x3FC1] =	sst s2  }
0x8f: {  	_ = 	snop  }
0x90: {  	(tm) =	ssettm $0x1  }
0x91: {  	s18 =	sld [smem:$0x3FFB];
	_ =	sdelay $0x3  }
0x92: {  	_ =	strace s18  }
0x93: {  	s2 =	sld [smem:$0x3FFC];
	_ =	sdelay $0x3  }
0x94: {  	_ =	strace s2  }
0x95: {  	s2 =	sld [smem:$0x3FFD];
	_ =	sdelay $0x3  }
0x96: {  	_ =	strace s2  }
0x97: {  	_ =	strace $0x8FFFFFFF  }
0x98: {  	s19 =	sld [smem:$0x3FDB];
	_ =	sdelay $0x1  }
0x99: {  	s20 =	simm.s32 $_scs_section_size  }
0x9a: {  	s4 =	simm.s32 $_size__tile_overlayer_lowered;
	s5 =	simm.s32 $_tile_overlayer_lowered  }
0x9b: {  	s6 =	simm.s32 $0x1BFF;
	s21 =	sshll.u32 s5, $0x1;
	s3 =	sadd.s32 s20, s19  }
0x9c: {  	s22 =	simm.s32 $0x0;
	s4 =	sshll.u32 s4, $0x1;
	s5 =	sadd.s32 s21, s3  }
0x9d: {  	[timem:s22], [sflag:s6] =	dma.local [hbm:s5], s4  }
0x9e: {  	_ =	swait.ge [sflag:s6], s4  }
0x9f: {  	s4 =	ssub.s32 $0x0, s4;
	[sflag:s6] =	ssyncset.done $0x0  }
0xa0: {  	[sflag:s6] =	ssyncadd.s32 s4;
	_ =	sdelay $0x1  }
0xa1: {  	s23 =	simm.s32 $0x1B8B  }
0xa2: {  	_ =	swait.ge [sflag:s23], $0x1  }
0xa3: {  	[sflag:s23] =	ssyncset.done $0x0  }
0xa4: {  	[sflag:s23] =	ssyncadd.s32 $0xFFFFFFFF  }
0xa5: {  	s4 =	sld [smem:$0x0]  }
0xa6: {  	s5 =	sand.u32 $0xFFFFFFFE, s1  }
0xa7: {  	p0 =	sne.s32 s1, s5  }
0xa8: {  	s5 =	sshll.u32 @p0 s5, $0xE  }
0xa9: {  	s5 =	sadd.s32 @p0 $0x11B8D, s5;
	s6 =	sshll.u32 @p0 s4, $0x11  }
0xaa: {  	s5 =	sor.u32 @p0 s6, s5  }
0xab: {  	[sflag:s5] =	ssyncadd.remote.s32 @p0 $0x1;
	_ =	sdelay $0x1  }
0xac: {  	s5 =	simm.s32 @p0 $0x1B8D  }
0xad: {  	_ =	swait.eq @p0 [sflag:s5], $0x1  }
0xae: {  	[sflag:s5] =	ssyncadd.s32 @p0 $0xFFFFFFFF  }
0xaf: {  	s6 =	sshll.u32 @!p0 s1, $0xE  }
0xb0: {  	s6 =	sor.u32 @!p0 $0x4000, s6;
	s5 =	simm.s32 @!p0 $0x1B8D  }
0xb1: {  	s4 =	sshll.u32 @!p0 s4, $0x11;
	s6 =	sadd.s32 @!p0 $0x11B8D, s6;
	_ =	swait.eq @!p0 [sflag:s5], $0x1  }
0xb2: {  	s4 =	sor.u32 @!p0 s4, s6;
	[sflag:s5] =	ssyncadd.s32 @!p0 $0xFFFFFFFF  }
0xb3: {  	s25 =	simm.s32 $0x1B8E;
	s24 =	sld [smem:$0x3FFE];
	[sflag:s4] =	ssyncadd.remote.s32 @!p0 $0x1  }
0xb4: {  	s26 =	simm.s32 $execute0_lowered;
	[smem:$0x3FD2] =	sst s25  }
0xb5: {  	s5 =	sshll.u32 s26, $0x1;
	_ =	strace $0x80000052;
	[dreg:$0x1] =	wrdreg $0xFFFFFFFF  }
0xb6: {  	s28 =	simm.s32 $_size_execute0_lowered;
	s3 =	sadd.s32 s3, s5;
	[dreg:$0x0] =	wrdreg $0x0  }
0xb7: {  	s5 =	sshll.u32 s28, $0x1;
	[dreg:$0x2] =	wrdreg s3  }
0xb8: {  	[dreg:$0x3] =	wrdreg s5  }
0xb9: {  	[dreg:$0x4] =	wrdreg $0xC0  }
0xba: {  	_ =	task [dreg:s22], $0x5FFFF  }
0xbb: {  	[dreg:$0x1] =	wrdreg $0xFFFFFFFF  }
0xbc: {  	[dreg:$0x0] =	wrdreg $0x60  }
0xbd: {  	[dreg:$0x2] =	wrdreg s24  }
0xbe: {  	[dreg:$0x3] =	wrdreg $0x0  }
0xbf: {  	[dreg:$0x4] =	wrdreg $0xD  }
0xc0: {  	_ =	task.clear_ibuf [dreg:s22], $0x5FFFF;
	_ =	strace $0x90000052  }
0xc1: {  	s29 =	simm.s32 $0xD;
	_ =	strace $0x80000054  }
0xc2: {  	_ =	swait.ge [sflag:s29], $0x1  }
0xc3: {  	[sflag:s29] =	ssyncadd.s32 $0xFFFFFFFF  }
0xc4: {  	_ =	strace $0x90000054  }
0xc5: {  	_ =	sfence  }
0xc6: {  	s30 =	sld [smem:$0x0];
	_ =	sdelay $0x2  }
0xc7: {  	s31 =	sshll.u32 s1, $0xD;
	s1 =	sshrl.u32 s1, $0x2  }
0xc8: {  	s4 =	sand.u32 $0x4000, s31;
	s1 =	sadd.s32 s1, s30  }
0xc9: {  	s0 =	sor.u32 s4, s0;
	s1 =	sshll.u32 s1, $0x11  }
0xca: {  	s0 =	sor.u32 s1, s0  }
0xcb: {  	s0 =	sadd.s32 $0x8F2B, s0  }
0xcc: {  	[sflag:s0] =	ssyncadd.remote.s32 $0x1  }
0xcd: {  	_ =	sfence.sel $0xFFFF  }
0xce: {  	[dreg:$0x0] =	wrdreg $0xFFFFFFFF;
	(pc) =	sbr.abs _section_cstart, $3  }
0xcf: {  	[dreg:$0x1] =	wrdreg $0xFFFFFFFF  }
0xd0: {  	_ =	task.clear_ibuf [dreg:s22], $0x2FFFF;
	_ =	strace $0x9FFFFFFF  }
0xd1: {  	(tm) =	ssettm $0x7FFFFFFF  }
tec
execute0_lowered:
.L_overlay_start_1:
0x0: {  	(tag) =	ssettag $0x1  }
0x1: {  	s4 =	rddreg [dreg:$0x0]  }
0x2: {  	s1 =	srdreg.scid;
	s0 =	stileid.u32  }
0x3: {  	s2 =	rddreg [dreg:$0x1];
	s3 =	simm.s32 $0x0;
	s15 =	simm.s32 $0x16400  }
0x4: {  	s16 =	simm.s32 $0x13C80;
	s17 =	simm.s32 $0x18C00;
	s18 =	simm.s32 $0x1  }
0x5: {  	s19 =	simm.s32 $0x2;
	s20 =	simm.s32 $0x3;
	s21 =	simm.s32 $0x4  }
0x6: {  	s22 =	simm.s32 $0x0;
	s7 =	sand.u32 $0x1, s1;
	s9 =	smul.u32 $0x4F000, s0  }
0x7: {  	s5 =	sshll.u32 s0, $0x1;
	s1 =	rddreg [dreg:$0x2];
	s12 =	smul.u32 $0x2780, s0  }
0x8: {  	[smem:$0x7FF] =	sst s3;
	s10 =	sadd.s32 $0x6B1800, s4;
	s28 =	smul.u32 $0x2F800, s0  }
0x9: {  	s26 =	sshll.u32 s0, $0x6;
	s5 =	sor.u32 s7, s5;
	s30 =	smul.u32 $0x17C00, s7  }
0xa: {  	_ =	strace $0x80000053;
	s8 =	ssub.s32 $0x2, s7;
	s6 =	smul.u32 $0x500, s5  }
0xb: {  	s11 =	sshrl.u32 s8, $0x1;
	s24 =	sshrl.u32 s9, $0x2;
	s25 =	smul.u32 $0x17C00, s5  }
0xc: {  	s14 =	smul.u32 $0xBE000, s5;
	s5 =	sor.u32 $0x1C05, s26;
	s11 =	ssub.s32 s8, s11  }
0xd: {  	s13 =	sadd.s32 s24, s2;
	s6 =	sadd.s32 s6, s4;
	s4 =	sadd.s32 s4, s12  }
0xe: {  	s29 =	sshrl.u32 s14, $0x3;
	s7 =	sadd.s32 s10, s25;
	s9 =	smax.u32 s11, $0x1  }
0xf: {  	s11 =	sshrl.u32 s13, $0x3;
	s12 =	simm.s32 $0x5;
	s13 =	simm.s32 $0x13C00  }
0x10: {  	s14 =	simm.s32 $0x50;
	s31 =	sadd.s32 s10, s29;
	s10 =	sadd.s32 s28, s10  }
0x11: {  	s6 =	sadd.s32 $0x6A7800, s6;
	s8 =	sadd.s32 $0x500, s31;
	s10 =	sadd.s32 s30, s10  }
.LBB2_1:
0x12: {  	[spmem:s11], [sflag:s5] =	dma.local [hbm:s4], $0x2780  }
0x13: {  	_ =	swait.ge [sflag:s12], $0x2780  }
0x14: {  	[sflag:s12] =	ssyncset.done $0x0  }
0x15: {  	[sflag:s12] =	ssyncadd.s32 $0xFFFFD880  }
0x16: {  	[tilespmem:s13], [sflag:$0x5] =	stream.linear.gather [hbm4b:s6+s3], $0x2600, $0x38;
	[tilespmem:$0x1B400] =	vst v63  }
0x17: {  	_ =	swait.ge [sflag:s12], $0x2600  }
0x18: {  	[sflag:s12] =	ssyncset.done $0x0  }
0x19: {  	[sflag:s12] =	ssyncadd.s32 $0xFFFFDA00  }
0x1a: {  	[bflag:$0x0] =	sbarrier.arrive $0xFFFF  }
0x1b: {  	[tilespmem:s15], [sflag:$0x1] =	stream.indirect.gather [spmem:s2], $0x80, s13, s14, $0xb8;
	[tilespmem:$0x1B400] =	vst v63  }
0x1c: {  	_ = 	snop  }
0x1d: {  	[tilespmem:s17], [sflag:$0x2] =	stream.indirect.gather [spmem:s2], $0x80, s16, s14, $0xb8;
	[tilespmem:$0x1B400] =	vst v63  }
0x1e: {  	_ =	swait.ge [sflag:s18], $0x2800  }
0x1f: {  	[sflag:s18] =	ssyncset.done $0x0  }
0x20: {  	[sflag:s18] =	ssyncadd.s32 $0xFFFFD800  }
0x21: {  	[hbm4b:s7+s3] =	stream.linear.scatter [tilespmem:s15], [sflag:$0x3], $0x2800, $0x38;
	[tilespmem:$0x1B400] =	vst v63  }
0x22: {  	_ =	swait.ge [sflag:s19], $0x2800  }
0x23: {  	[sflag:s19] =	ssyncset.done $0x0  }
0x24: {  	[sflag:s19] =	ssyncadd.s32 $0xFFFFD800  }
0x25: {  	[hbm4b:s8+s3] =	stream.linear.scatter [tilespmem:s17], [sflag:$0x4], $0x2800, $0x38;
	[tilespmem:$0x1B400] =	vst v63  }
0x26: {  	_ =	swait.ge [sflag:s20], $0x2800  }
0x27: {  	[sflag:s20] =	ssyncset.done $0x0  }
0x28: {  	s23 =	simm.s32 $0x13D00;
	[sflag:s20] =	ssyncadd.s32 $0xFFFFD800  }
0x29: {  	[tilespmem:s15], [sflag:$0x1] =	stream.indirect.gather [spmem:s2], $0x80, s23, s14, $0xb8;
	[tilespmem:$0x1B400] =	vst v63  }
0x2a: {  	_ =	swait.ge [sflag:s21], $0x2800  }
0x2b: {  	[sflag:s21] =	ssyncset.done $0x0  }
0x2c: {  	s30 =	simm.s32 $0x13D80;
	[sflag:s21] =	ssyncadd.s32 $0xFFFFD800  }
0x2d: {  	[tilespmem:s17], [sflag:$0x2] =	stream.indirect.gather [spmem:s2], $0x80, s30, s14, $0xb8;
	[tilespmem:$0x1B400] =	vst v63  }
0x2e: {  	_ =	swait.ge [sflag:s18], $0x2800  }
0x2f: {  	s24 =	sadd.s32 $0x0, s10;
	[sflag:s18] =	ssyncset.done $0x0  }
0x30: {  	s31 =	sadd.s32 $0xA00, s24;
	[sflag:s18] =	ssyncadd.s32 $0xFFFFD800  }
0x31: {  	[hbm4b:s31+s3] =	stream.linear.scatter [tilespmem:s15], [sflag:$0x3], $0x2800, $0x38;
	[tilespmem:$0x1B400] =	vst v63  }
0x32: {  	_ =	swait.ge [sflag:s19], $0x2800  }
0x33: {  	s25 =	sadd.s32 $0xF00, s24;
	[sflag:s19] =	ssyncset.done $0x0  }
0x34: {  	s24 =	simm.s32 $0x13E00;
	s23 =	simm.s32 $0xA00;
	[sflag:s19] =	ssyncadd.s32 $0xFFFFD800  }
.LBB2_2:
0x35: {  	[hbm4b:s25+s3] =	stream.linear.scatter [tilespmem:s17], [sflag:$0x4], $0x2800, $0x38;
	[tilespmem:$0x1B400] =	vst v63  }
0x36: {  	s25 =	smov.u32 s23  }
0x37: {  	p0 =	sne.s32 s23, $0x16800;
	s23 =	sadd.s32 $0xA00, s23;
	_ =	swait.ge [sflag:s20], $0x2800  }
0x38: {  	[sflag:s20] =	ssyncset.done $0x0  }
0x39: {  	[sflag:s20] =	ssyncadd.s32 $0xFFFFD800  }
0x3a: {  	[tilespmem:s15], [sflag:$0x1] =	stream.indirect.gather [spmem:s2], $0x80, s24, s14, $0xb8;
	[tilespmem:$0x1B400] =	vst v63  }
0x3b: {  	_ =	swait.ge [sflag:s21], $0x2800  }
0x3c: {  	[sflag:s21] =	ssyncset.done $0x0  }
0x3d: {  	s26 =	sadd.s32 $0x80, s24;
	[sflag:s21] =	ssyncadd.s32 $0xFFFFD800  }
0x3e: {  	[tilespmem:s17], [sflag:$0x2] =	stream.indirect.gather [spmem:s2], $0x80, s26, s14, $0xb8;
	[tilespmem:$0x1B400] =	vst v63  }
0x3f: {  	_ =	swait.ge [sflag:s18], $0x2800  }
0x40: {  	s25 =	sadd.s32 s25, s10;
	[sflag:s18] =	ssyncset.done $0x0  }
.Ltmp0:
0x41: {  	s26 =	sadd.s32 $0xA00, s25;
	[sflag:s18] =	ssyncadd.s32 $0xFFFFD800;
	(pc) =	sbr.rel @p0 .LBB2_2-.Ltmp0, $4  }
0x42: {  	[hbm4b:s26+s3] =	stream.linear.scatter [tilespmem:s15], [sflag:$0x3], $0x2800, $0x38;
	[tilespmem:$0x1B400] =	vst v63  }
0x43: {  	_ =	swait.ge [sflag:s19], $0x2800  }
0x44: {  	[sflag:s19] =	ssyncset.done $0x0  }
0x45: {  	s24 =	sadd.s32 $0x100, s24;
	s25 =	sadd.s32 $0xF00, s25;
	[sflag:s19] =	ssyncadd.s32 $0xFFFFD800  }
0x46: {  	[hbm4b:s25+s3] =	stream.linear.scatter [tilespmem:s17], [sflag:$0x4], $0x2800, $0x38;
	[tilespmem:$0x1B400] =	vst v63  }
0x47: {  	s22 =	sadd.s32 $0x1, s22  }
0x48: {  	_ =	swait.ge [sflag:s20], $0x2800;
	p0 =	sne.s32 s22, s9  }
.Ltmp1:
0x49: {  	[sflag:s20] =	ssyncset.done $0x0;
	(pc) =	sbr.rel @p0 .LBB2_1-.Ltmp1, $4  }
0x4a: {  	[sflag:s20] =	ssyncadd.s32 $0xFFFFD800  }
0x4b: {  	_ =	swait.ge [sflag:s21], $0x2800  }
0x4c: {  	[sflag:s21] =	ssyncset.done $0x0  }
0x4d: {  	[sflag:s21] =	ssyncadd.s32 $0xFFFFD800  }
0x4e: {  	_ =	sfence.sel $0x180000  }
0x4f: {  	[bflag:$0x0] =	sbarrier.arrive $0xFFFF  }
0x50: {  	p0 =	sne.s32 s0, $0x0;
	_ =	strace $0x90000053  }
0x51: {  	s0 =	sadd.s32 @!p0 $0x100000, s1;
	[bflag:$0x2] =	sbarrier.arrive $0xFFFF  }
0x52: {  	[sflag:s0] =	ssyncadd.tile.s32 @!p0 $0x1;
	_ =	shalt  }
.Lfunc_end2:
_tile_overlayer_lowered:
.L_overlay_start_2:
0x53: {  	(tag) =	ssettag $0x2  }
0x54: {  	s0 =	rddreg [dreg:$0x0];
	s2 =	stileid.u32  }
0x55: {  	s1 =	rddreg [dreg:$0x1];
	p0 =	sne.s32 s2, $0x0  }
0x56: {  	s3 =	rddreg [dreg:$0x2];
	[bflag:$0x3] =	sbarrier.arrive $0xFFFF;
	s2 =	simm.s32 @!p0 $0x1C05  }
0x57: {  	[timem:s3], [sflag:s2] =	dma.local @!p0 [hbm:s0], s1  }
0x58: {  	s0 =	simm.s32 @!p0 $0x5  }
0x59: {  	_ =	swait.ge @!p0 [sflag:s0], s1  }
0x5a: {  	s1 =	ssub.s32 @!p0 $0x0, s1;
	[sflag:s0] =	ssyncset.done @!p0 $0x0  }
0x5b: {  	[sflag:s0] =	ssyncadd.s32 @!p0 s1  }
0x5c: {  	[bflag:$0x3] =	sbarrier.arrive $0xFFFF  }
0x5d: {  	_ =	shalt  }

</sc_bundles>
